<compile_context>
chip_gen: v7x
topology: tpu7x:2x2x1
jax: 0.10.2.dev20260603
libtpu: 0.0.44.dev20260713+nightly
codegen_flags: <defaults>
</compile_context>

<pallas_src>
import functools

import jax
import jax.numpy as jnp
from jax import lax
from jax.experimental import pallas as pl
from jax.experimental.pallas import tpu as pltpu
from jax.experimental.pallas import tpu_sc as plsc

N = 10000
E = 320000
D_IN = 128
H = 32
C = 40

NC = 2
NS = 16
L = 16
NW = NC * NS

NP = 10240
NPT = NP // NS

CHUNK = 256
EPT = 10240
REAL_EPT = E // NW
CPT = EPT // CHUNK
NSLOT = 4

BLK = 5000
GRID = N // BLK

_MESH = dict(core_axis_name="c", subcore_axis_name="s")



DW = 8


@functools.partial(
    pl.kernel,
    out_type=jax.ShapeDtypeStruct((NC, NP, DW), jnp.float32),
    mesh=plsc.VectorSubcoreMesh(**_MESH),
    compiler_params=pltpu.CompilerParams(use_tc_tiling_on_sc=False),
    scratch_types=[
        pltpu.VMEM((EPT,), jnp.int32),
        pltpu.VMEM((CHUNK, DW), jnp.float32),
        pltpu.VMEM((NPT, DW), jnp.float32),
        pltpu.VMEM_SHARED((NP, DW), jnp.float32),
        pltpu.SemaphoreType.DMA,
    ],
)
def _deg_kernel(ei_hbm, ones_hbm, zeros_hbm, out_hbm,
                didx, ones_v, zbuf, acc_sh, sem):
    c = lax.axis_index("c")
    s = lax.axis_index("s")
    wid = s * NC + c
    pltpu.sync_copy(ones_hbm, ones_v)
    pltpu.sync_copy(zeros_hbm, zbuf)
    pltpu.sync_copy(zbuf, acc_sh.at[pl.ds(s * NPT, NPT)])
    pltpu.sync_copy(ei_hbm.at[1, pl.ds(wid * REAL_EPT, REAL_EPT)],
                    didx.at[pl.ds(0, REAL_EPT)])
    padv = jnp.full((L,), N, jnp.int32)

    def fbody(i, carry):
        didx[pl.ds(REAL_EPT + i * L, L)] = padv
        return carry

    lax.fori_loop(0, (EPT - REAL_EPT) // L, fbody, 0)
    plsc.subcore_barrier()

    def chunk(j, carry):
        pltpu.async_copy(ones_v, acc_sh.at[didx.at[pl.ds(j * CHUNK, CHUNK)]],
                         sem, add=True)
        return carry

    lax.fori_loop(0, CPT, chunk, 0)

    def drain(j, carry):
        pltpu.make_async_copy(
            ones_v, acc_sh.at[didx.at[pl.ds(j * CHUNK, CHUNK)]], sem).wait()
        return carry

    lax.fori_loop(0, CPT, drain, 0)
    plsc.subcore_barrier()
    pltpu.sync_copy(acc_sh.at[pl.ds(s * NPT, NPT)], zbuf)
    pltpu.sync_copy(zbuf, out_hbm.at[c, pl.ds(s * NPT, NPT)])


@functools.partial(
    pl.kernel,
    out_type=jax.ShapeDtypeStruct((NC, NP, H), jnp.float32),
    mesh=plsc.VectorSubcoreMesh(**_MESH),
    compiler_params=pltpu.CompilerParams(use_tc_tiling_on_sc=False),
    scratch_types=(
        [pltpu.VMEM((EPT,), jnp.int32),
         pltpu.VMEM((EPT,), jnp.int32)]
        + [pltpu.VMEM((CHUNK, H), jnp.float32) for _ in range(NSLOT)]
        + [pltpu.VMEM_SHARED((NP, H), jnp.float32),
           pltpu.VMEM_SHARED((NP, H), jnp.float32)]
        + [pltpu.SemaphoreType.DMA for _ in range(2 * NSLOT)]
    ),
)
def _scatter_kernel(hs_hbm, ei_hbm, zeros_hbm, out_hbm, sidx, didx, *rest):
    rows = rest[:NSLOT]
    acc_sh = rest[NSLOT]
    hs_sh = rest[NSLOT + 1]
    gsem = rest[NSLOT + 2:2 * NSLOT + 2]
    ssem = rest[2 * NSLOT + 2:]
    c = lax.axis_index("c")
    s = lax.axis_index("s")
    wid = s * NC + c

    pz = pltpu.async_copy(zeros_hbm, acc_sh.at[pl.ds(s * NPT, NPT)], gsem[0])
    ph = pltpu.async_copy(hs_hbm.at[pl.ds(s * NPT, NPT)],
                          hs_sh.at[pl.ds(s * NPT, NPT)], gsem[1])
    ps = pltpu.async_copy(ei_hbm.at[0, pl.ds(wid * REAL_EPT, REAL_EPT)],
                          sidx.at[pl.ds(0, REAL_EPT)], gsem[2])
    pd = pltpu.async_copy(ei_hbm.at[1, pl.ds(wid * REAL_EPT, REAL_EPT)],
                          didx.at[pl.ds(0, REAL_EPT)], gsem[3])
    padv = jnp.full((L,), N, jnp.int32)

    def fbody(i, carry):
        sidx[pl.ds(REAL_EPT + i * L, L)] = padv
        didx[pl.ds(REAL_EPT + i * L, L)] = padv
        return carry

    lax.fori_loop(0, (EPT - REAL_EPT) // L, fbody, 0)
    pz.wait()
    ph.wait()
    ps.wait()
    pd.wait()
    plsc.subcore_barrier()

    def soff(cc):
        return sidx.at[pl.ds(cc * CHUNK, CHUNK)]

    def doff(cc):
        return didx.at[pl.ds(cc * CHUNK, CHUNK)]

    for b in range(NSLOT):
        pltpu.async_copy(hs_sh.at[soff(b)], rows[b], gsem[b])

    def chunk(j, carry):
        base = j * NSLOT
        for b in range(NSLOT):
            pltpu.make_async_copy(hs_sh.at[soff(base + b)], rows[b],
                                  gsem[b]).wait()
            pltpu.async_copy(rows[b], acc_sh.at[doff(base + b)], ssem[b],
                             add=True)

        @pl.when(j < CPT // NSLOT - 1)
        def _():
            for b in range(NSLOT):
                pltpu.make_async_copy(rows[b], acc_sh.at[doff(base + b)],
                                      ssem[b]).wait()
                pltpu.async_copy(hs_sh.at[soff(base + b + NSLOT)], rows[b],
                                 gsem[b])

        return carry

    lax.fori_loop(0, CPT // NSLOT, chunk, 0)
    for b in range(NSLOT):
        pltpu.make_async_copy(rows[b], acc_sh.at[doff(CPT - NSLOT + b)],
                              ssem[b]).wait()
    plsc.subcore_barrier()
    pltpu.sync_copy(acc_sh.at[pl.ds(s * NPT, NPT)],
                    out_hbm.at[c, pl.ds(s * NPT, NPT)])



BLK_A = 2560
GRID_A = NP // BLK_A


def _stage_a_body(x_ref, w_ref, deg_ref, hs_ref, dinv_ref):
    h = jnp.dot(x_ref[...], w_ref[...], preferred_element_type=jnp.float32)
    deg_col = deg_ref[0, :, 0:1] + deg_ref[1, :, 0:1]
    dinv = lax.rsqrt(deg_col + 1.0)
    hs_ref[...] = h * dinv
    dinv_ref[...] = jnp.broadcast_to(dinv, (BLK_A, H))


def _stage_a(xp, W1, degp):
    return pl.pallas_call(
        _stage_a_body,
        grid=(GRID_A,),
        in_specs=[
            pl.BlockSpec((BLK_A, D_IN), lambda i: (i, 0)),
            pl.BlockSpec((D_IN, H), lambda i: (0, 0)),
            pl.BlockSpec((NC, BLK_A, DW), lambda i: (0, i, 0)),
        ],
        out_specs=[
            pl.BlockSpec((BLK_A, H), lambda i: (i, 0)),
            pl.BlockSpec((BLK_A, H), lambda i: (i, 0)),
        ],
        out_shape=[
            jax.ShapeDtypeStruct((NP, H), jnp.float32),
            jax.ShapeDtypeStruct((NP, H), jnp.float32),
        ],
    )(xp, W1, degp)


def _stage_bc_body(p_ref, hs_ref, dinv_ref, b_ref, g_ref, bln_ref, w_ref,
                   out_ref):
    dinv = dinv_ref[...]
    e = dinv * (p_ref[0] + p_ref[1] + hs_ref[...]) + b_ref[...]
    r = jnp.maximum(e, 0.0)
    m = jnp.mean(r, axis=1, keepdims=True)
    v = jnp.mean((r - m) ** 2, axis=1, keepdims=True)
    ln = (r - m) / jnp.sqrt(v + 1e-5) * g_ref[...] + bln_ref[...]
    out_ref[...] = jnp.dot(ln, w_ref[...],
                           preferred_element_type=jnp.float32) * dinv


def _stage_bc(parts, hs, dinvb, bias, g, bln, Wn):
    return pl.pallas_call(
        _stage_bc_body,
        grid=(GRID,),
        in_specs=[
            pl.BlockSpec((NC, BLK, H), lambda i: (0, i, 0)),
            pl.BlockSpec((BLK, H), lambda i: (i, 0)),
            pl.BlockSpec((BLK, H), lambda i: (i, 0)),
            pl.BlockSpec((1, H), lambda i: (0, 0)),
            pl.BlockSpec((1, H), lambda i: (0, 0)),
            pl.BlockSpec((1, H), lambda i: (0, 0)),
            pl.BlockSpec((H, H), lambda i: (0, 0)),
        ],
        out_specs=pl.BlockSpec((BLK, H), lambda i: (i, 0)),
        out_shape=jax.ShapeDtypeStruct((NP, H), jnp.float32),
    )(parts, hs, dinvb, bias.reshape(1, H), g.reshape(1, H),
      bln.reshape(1, H), Wn)


def _stage_d_body(p_ref, hs_ref, dinv_ref, b_ref, w1_ref, b1_ref, w2_ref,
                  b2_ref, emb_ref, logp_ref):
    e = dinv_ref[...] * (p_ref[0] + p_ref[1] + hs_ref[...]) + b_ref[...]
    emb_ref[...] = e
    r = jnp.maximum(e, 0.0)
    h1 = jnp.dot(r, w1_ref[...], preferred_element_type=jnp.float32) + b1_ref[...]
    h2 = jnp.dot(h1, w2_ref[...], preferred_element_type=jnp.float32) + b2_ref[...]
    m = jnp.max(h2, axis=1, keepdims=True)
    lse = jnp.log(jnp.sum(jnp.exp(h2 - m), axis=1, keepdims=True)) + m
    logp_ref[...] = h2 - lse


def _stage_d(parts, hs, dinvb, bias, mp1_W, mp1_b, mp2_W, mp2_b):
    return pl.pallas_call(
        _stage_d_body,
        grid=(GRID,),
        in_specs=[
            pl.BlockSpec((NC, BLK, H), lambda i: (0, i, 0)),
            pl.BlockSpec((BLK, H), lambda i: (i, 0)),
            pl.BlockSpec((BLK, H), lambda i: (i, 0)),
            pl.BlockSpec((1, H), lambda i: (0, 0)),
            pl.BlockSpec((H, H), lambda i: (0, 0)),
            pl.BlockSpec((1, H), lambda i: (0, 0)),
            pl.BlockSpec((H, C), lambda i: (0, 0)),
            pl.BlockSpec((1, C), lambda i: (0, 0)),
        ],
        out_specs=[
            pl.BlockSpec((BLK, H), lambda i: (i, 0)),
            pl.BlockSpec((BLK, C), lambda i: (i, 0)),
        ],
        out_shape=[
            jax.ShapeDtypeStruct((N, H), jnp.float32),
            jax.ShapeDtypeStruct((N, C), jnp.float32),
        ],
    )(parts, hs, dinvb, bias.reshape(1, H), mp1_W, mp1_b.reshape(1, H),
      mp2_W, mp2_b.reshape(1, C))



def kernel(x, edge_index, W1, b1, W2, b2, W3, b3, ln1_g, ln1_b, ln2_g, ln2_b,
           mp1_W, mp1_b, mp2_W, mp2_b):
    degp = _deg_kernel(edge_index,
                       jnp.ones((CHUNK, DW), jnp.float32),
                       jnp.zeros((NPT, DW), jnp.float32))
    xp = jnp.pad(x, ((0, NP - N), (0, 0)))
    hs1, dinvb = _stage_a(xp, W1, degp)
    zrows = jnp.zeros((NPT, H), jnp.float32)
    p1 = _scatter_kernel(hs1, edge_index, zrows)
    hs2 = _stage_bc(p1, hs1, dinvb, b1, ln1_g, ln1_b, W2)
    p2 = _scatter_kernel(hs2, edge_index, zrows)
    hs3 = _stage_bc(p2, hs2, dinvb, b2, ln2_g, ln2_b, W3)
    p3 = _scatter_kernel(hs3, edge_index, zrows)
    emb, logp = _stage_d(p3, hs3, dinvb, b3, mp1_W, mp1_b, mp2_W, mp2_b)
    return (emb, logp)

# --- scband reference (transcript-rebuilt; emitter-appended) ---
"""Pipeline reference for scband-gnnstack-34961033790253 (READ-ONLY COPY).

The authoritative reference and input builder live on the scoring server;
editing this copy changes nothing except your own understanding.
"""

import jax, jax.numpy as jnp
import numpy as np

N = 10000
E = 320000
D_IN = 128
H = 32
C = 40


def gcn_conv(x, W, b, src, dst, n):
    # GCNConv: h = x @ W; add self loops; symmetric normalization; scatter-add; + bias
    h = x @ W
    loop = jnp.arange(n, dtype=src.dtype)
    src2 = jnp.concatenate([src, loop])
    dst2 = jnp.concatenate([dst, loop])
    deg = jnp.zeros((n,), x.dtype).at[dst2].add(1.0)
    dinv = jnp.where(deg > 0, jax.lax.rsqrt(jnp.maximum(deg, 1e-12)), 0.0)
    norm = dinv[src2] * dinv[dst2]
    msgs = h[src2] * norm[:, None]
    out = jnp.zeros((n, W.shape[1]), x.dtype).at[dst2].add(msgs)
    return out + b


def layer_norm(x, g, b, eps=1e-5):
    m = jnp.mean(x, axis=-1, keepdims=True)
    v = jnp.mean((x - m) ** 2, axis=-1, keepdims=True)
    return (x - m) / jnp.sqrt(v + eps) * g + b


def setup_inputs(seed: int = 0) -> dict:
    key = jax.random.key(seed)
    ks = jax.random.split(key, 16)
    x = jax.random.normal(ks[0], (N, D_IN), dtype=jnp.float32)
    edge_index = jax.random.randint(ks[1], (2, E), 0, N, dtype=jnp.int32)
    W1 = jax.random.normal(ks[2], (D_IN, H), dtype=jnp.float32) / np.sqrt(D_IN)
    b1 = jnp.zeros((H,), jnp.float32)
    W2 = jax.random.normal(ks[3], (H, H), dtype=jnp.float32) / np.sqrt(H)
    b2 = jnp.zeros((H,), jnp.float32)
    W3 = jax.random.normal(ks[4], (H, H), dtype=jnp.float32) / np.sqrt(H)
    b3 = jnp.zeros((H,), jnp.float32)
    ln1_g = jnp.ones((H,), jnp.float32)
    ln1_b = jnp.zeros((H,), jnp.float32)
    ln2_g = jnp.ones((H,), jnp.float32)
    ln2_b = jnp.zeros((H,), jnp.float32)
    mp1_W = jax.random.normal(ks[5], (H, H), dtype=jnp.float32) / np.sqrt(H)
    mp1_b = jnp.zeros((H,), jnp.float32)
    mp2_W = jax.random.normal(ks[6], (H, C), dtype=jnp.float32) / np.sqrt(H)
    mp2_b = jnp.zeros((C,), jnp.float32)
    return {"x": x, "edge_index": edge_index, "W1": W1, "b1": b1, "W2": W2, "b2": b2,
            "W3": W3, "b3": b3, "ln1_g": ln1_g, "ln1_b": ln1_b, "ln2_g": ln2_g,
            "ln2_b": ln2_b, "mp1_W": mp1_W, "mp1_b": mp1_b, "mp2_W": mp2_W, "mp2_b": mp2_b}


def reference(x, edge_index, W1, b1, W2, b2, W3, b3, ln1_g, ln1_b, ln2_g, ln2_b, mp1_W, mp1_b, mp2_W, mp2_b):
    src = edge_index[0]
    dst = edge_index[1]
    Ws = [(W1, b1), (W2, b2), (W3, b3)]
    lns = [(ln1_g, ln1_b), (ln2_g, ln2_b)]
    h = x
    emb = None
    for i in range(3):
        Wi, bi = Ws[i]
        h = gcn_conv(h, Wi, bi, src, dst, N)
        emb = h
        h = jax.nn.relu(h)
        # dropout p=0.25 is identity in eval mode
        if i != 2:
            g, b = lns[i]
            h = layer_norm(h, g, b)
    # task == 'node': no global pooling
    h = h @ mp1_W + mp1_b
    h = h @ mp2_W + mp2_b
    logp = jax.nn.log_softmax(h, axis=1)
    return (emb, logp)

if __name__ == "__main__":
    import jax
    _d = setup_inputs()
    print(jax.jit(kernel)(*tuple(_d.values())))

</pallas_src>

<mosaic_0001>
#map = affine_map<(d0, d1) -> (0, 0)>
#map1 = affine_map<(d0, d1) -> (0, 0, 0)>
module attributes {stable_mosaic.version = 14 : i64} {
  func.func @_scatter_kernel(%arg0: i32, %arg1: i32, %arg2: memref<10240x32xf32, #tpu.memory_space<hbm>>, %arg3: memref<2x320000xi32, #tpu.memory_space<hbm>>, %arg4: memref<640x32xf32, #tpu.memory_space<hbm>>, %arg5: memref<2x10240x32xf32, #tpu.memory_space<hbm>>, %arg6: memref<10240xi32, #tpu.memory_space<vmem>>, %arg7: memref<10240xi32, #tpu.memory_space<vmem>>, %arg8: memref<256x32xf32, #tpu.memory_space<vmem>>, %arg9: memref<256x32xf32, #tpu.memory_space<vmem>>, %arg10: memref<256x32xf32, #tpu.memory_space<vmem>>, %arg11: memref<256x32xf32, #tpu.memory_space<vmem>>, %arg12: memref<10240x32xf32, #tpu.memory_space<vmem_shared>>, %arg13: memref<10240x32xf32, #tpu.memory_space<vmem_shared>>, %arg14: memref<!tpu.dma_semaphore, #tpu.memory_space<semaphore_mem>>, %arg15: memref<!tpu.dma_semaphore, #tpu.memory_space<semaphore_mem>>, %arg16: memref<!tpu.dma_semaphore, #tpu.memory_space<semaphore_mem>>, %arg17: memref<!tpu.dma_semaphore, #tpu.memory_space<semaphore_mem>>, %arg18: memref<!tpu.dma_semaphore, #tpu.memory_space<semaphore_mem>>, %arg19: memref<!tpu.dma_semaphore, #tpu.memory_space<semaphore_mem>>, %arg20: memref<!tpu.dma_semaphore, #tpu.memory_space<semaphore_mem>>, %arg21: memref<!tpu.dma_semaphore, #tpu.memory_space<semaphore_mem>>) attributes {dimension_semantics = [#tpu.dimension_semantics<core_parallel>, #tpu.dimension_semantics<subcore_parallel>], iteration_bounds = array<i64: 2, 16>, scalar_prefetch = 0 : i64, scratch_operands = 16 : i64, tpu.core_type = #tpu.core_type<sc_vector_subcore>, window_params = [{transform_indices = #map}, {transform_indices = #map}, {transform_indices = #map}, {transform_indices = #map1}]} {
    %mul3A = arith.constant 2 : i32
    %mul3A_0 = arith.muli %arg1, %mul3A : i32
    %add3A = arith.addi %mul3A_0, %arg0 : i32
    %mul3A_1 = arith.constant 640 : i32
    %mul3A_2 = arith.muli %arg1, %mul3A_1 : i32
    %dma_start3A = arith.constant 0 : i32
    %dma_start3A_3 = tpu.memref_slice %arg12[%mul3A_2, %dma_start3A] : memref<10240x32xf32, #tpu.memory_space<vmem_shared>> -> memref<640x32xf32, #tpu.memory_space<vmem_shared>>
    tpu.enqueue_dma source(%arg4 : memref<640x32xf32, #tpu.memory_space<hbm>>) target(%dma_start3A_3 : memref<640x32xf32, #tpu.memory_space<vmem_shared>>) target_semaphore(%arg14 : memref<!tpu.dma_semaphore, #tpu.memory_space<semaphore_mem>>)
    %mul3A_4 = arith.constant 640 : i32
    %mul3A_5 = arith.muli %arg1, %mul3A_4 : i32
    %mul3A_6 = arith.constant 640 : i32
    %mul3A_7 = arith.muli %arg1, %mul3A_6 : i32
    %dma_start3A_8 = arith.constant 0 : i32
    %dma_start3A_9 = tpu.memref_slice %arg13[%mul3A_7, %dma_start3A_8] : memref<10240x32xf32, #tpu.memory_space<vmem_shared>> -> memref<640x32xf32, #tpu.memory_space<vmem_shared>>
    %dma_start3A_10 = arith.constant 0 : i32
    %dma_start3A_11 = tpu.memref_slice %arg2[%mul3A_5, %dma_start3A_10] : memref<10240x32xf32, #tpu.memory_space<hbm>> -> memref<640x32xf32, #tpu.memory_space<hbm>>
    tpu.enqueue_dma source(%dma_start3A_11 : memref<640x32xf32, #tpu.memory_space<hbm>>) target(%dma_start3A_9 : memref<640x32xf32, #tpu.memory_space<vmem_shared>>) target_semaphore(%arg15 : memref<!tpu.dma_semaphore, #tpu.memory_space<semaphore_mem>>)
    %mul3A_12 = arith.constant 10000 : i32
    %mul3A_13 = arith.muli %add3A, %mul3A_12 : i32
    %dma_start3A_14 = arith.constant 0 : i32
    %dma_start3A_15 = arith.constant 0 : i32
    %dma_start3A_16 = tpu.memref_slice %arg6[%dma_start3A_15] : memref<10240xi32, #tpu.memory_space<vmem>> -> memref<10000xi32, #tpu.memory_space<vmem>>
    %dma_start3A_17 = tpu.memref_slice %arg3[%dma_start3A_14, %mul3A_13] : memref<2x320000xi32, #tpu.memory_space<hbm>> -> memref<1x10000xi32, #tpu.memory_space<hbm>>
    %dma_start3A_18 = tpu.memref_squeeze %dma_start3A_17 : memref<1x10000xi32, #tpu.memory_space<hbm>> -> memref<10000xi32, #tpu.memory_space<hbm>>
    %dma_start3A_19 = arith.constant 0 : i32
    %dma_start3A_20 = tpu.memref_slice %arg6[%dma_start3A_19] : memref<10240xi32, #tpu.memory_space<vmem>> -> memref<10000xi32, #tpu.memory_space<vmem>>
    %dma_start3A_21 = tpu.memref_slice %arg3[%dma_start3A_14, %mul3A_13] : memref<2x320000xi32, #tpu.memory_space<hbm>> -> memref<1x10000xi32, #tpu.memory_space<hbm>>
    %dma_start3A_22 = tpu.memref_squeeze %dma_start3A_21 : memref<1x10000xi32, #tpu.memory_space<hbm>> -> memref<10000xi32, #tpu.memory_space<hbm>>
    tpu.enqueue_dma source(%dma_start3A_22 : memref<10000xi32, #tpu.memory_space<hbm>>) target(%dma_start3A_20 : memref<10000xi32, #tpu.memory_space<vmem>>) target_semaphore(%arg16 : memref<!tpu.dma_semaphore, #tpu.memory_space<semaphore_mem>>)
    %mul3A_23 = arith.constant 10000 : i32
    %mul3A_24 = arith.muli %add3A, %mul3A_23 : i32
    %dma_start3A_25 = arith.constant 1 : i32
    %dma_start3A_26 = arith.constant 0 : i32
    %dma_start3A_27 = tpu.memref_slice %arg7[%dma_start3A_26] : memref<10240xi32, #tpu.memory_space<vmem>> -> memref<10000xi32, #tpu.memory_space<vmem>>
    %dma_start3A_28 = tpu.memref_slice %arg3[%dma_start3A_25, %mul3A_24] : memref<2x320000xi32, #tpu.memory_space<hbm>> -> memref<1x10000xi32, #tpu.memory_space<hbm>>
    %dma_start3A_29 = tpu.memref_squeeze %dma_start3A_28 : memref<1x10000xi32, #tpu.memory_space<hbm>> -> memref<10000xi32, #tpu.memory_space<hbm>>
    %dma_start3A_30 = arith.constant 0 : i32
    %dma_start3A_31 = tpu.memref_slice %arg7[%dma_start3A_30] : memref<10240xi32, #tpu.memory_space<vmem>> -> memref<10000xi32, #tpu.memory_space<vmem>>
    %dma_start3A_32 = tpu.memref_slice %arg3[%dma_start3A_25, %mul3A_24] : memref<2x320000xi32, #tpu.memory_space<hbm>> -> memref<1x10000xi32, #tpu.memory_space<hbm>>
    %dma_start3A_33 = tpu.memref_squeeze %dma_start3A_32 : memref<1x10000xi32, #tpu.memory_space<hbm>> -> memref<10000xi32, #tpu.memory_space<hbm>>
    tpu.enqueue_dma source(%dma_start3A_33 : memref<10000xi32, #tpu.memory_space<hbm>>) target(%dma_start3A_31 : memref<10000xi32, #tpu.memory_space<vmem>>) target_semaphore(%arg17 : memref<!tpu.dma_semaphore, #tpu.memory_space<semaphore_mem>>)
    %broadcast_in_dim3A = arith.constant 10000 : i32
    %broadcast_in_dim3A_34 = vector.broadcast %broadcast_in_dim3A : i32 to vector<16xi32>
    %scan3A = arith.constant 0 : i32
    %scan3A_35 = arith.constant 0 : i32
    %scan3A_36 = arith.constant 15 : i32
    %scan3A_37 = arith.addi %scan3A_35, %scan3A_36 : i32
    %scan3A_38 = arith.constant 1 : i32
    scf.for %scan3A_114 = %scan3A_35 to %scan3A_37 step %scan3A_38  : i32 {
      %mul3A_115 = arith.constant 16 : i32
      %mul3A_116 = arith.muli %scan3A_114, %mul3A_115 : i32
      %add3A_117 = arith.constant 10000 : i32
      %add3A_118 = arith.addi %add3A_117, %mul3A_116 : i32
      %swap3A = arith.index_cast %add3A_118 : i32 to index
      %swap3A_119 = tpu.vector_load %arg6[%swap3A] {strides = array<i32>} : memref<10240xi32, #tpu.memory_space<vmem>>, vector<16xi32>,
      %swap3A_120 = vector.shape_cast %swap3A_119 : vector<16xi32> to vector<16xi32>
      %swap3A_121 = vector.shape_cast %broadcast_in_dim3A_34 : vector<16xi32> to vector<16xi32>
      tpu.vector_store %arg6[%swap3A], %swap3A_121 {strides = array<i32>} : memref<10240xi32, #tpu.memory_space<vmem>>, vector<16xi32>,
      %mul3A_122 = arith.constant 16 : i32
      %mul3A_123 = arith.muli %scan3A_114, %mul3A_122 : i32
      %add3A_124 = arith.constant 10000 : i32
      %add3A_125 = arith.addi %add3A_124, %mul3A_123 : i32
      %swap3A_126 = arith.index_cast %add3A_125 : i32 to index
      %swap3A_127 = tpu.vector_load %arg7[%swap3A_126] {strides = array<i32>} : memref<10240xi32, #tpu.memory_space<vmem>>, vector<16xi32>,
      %swap3A_128 = vector.shape_cast %swap3A_127 : vector<16xi32> to vector<16xi32>
      %swap3A_129 = vector.shape_cast %broadcast_in_dim3A_34 : vector<16xi32> to vector<16xi32>
      tpu.vector_store %arg7[%swap3A_126], %swap3A_129 {strides = array<i32>} : memref<10240xi32, #tpu.memory_space<vmem>>, vector<16xi32>,
    }
    %scan3A_39 = arith.constant 15 : i32
    %dma_wait3A = arith.constant 0 : i32
    %dma_wait3A_40 = tpu.memref_slice %arg12[%mul3A_2, %dma_wait3A] : memref<10240x32xf32, #tpu.memory_space<vmem_shared>> -> memref<640x32xf32, #tpu.memory_space<vmem_shared>>
    tpu.wait_dma2 semaphore(%arg14 : memref<!tpu.dma_semaphore, #tpu.memory_space<semaphore_mem>>) src(%arg4 : memref<640x32xf32, #tpu.memory_space<hbm>>) dst(%dma_wait3A_40 : memref<640x32xf32, #tpu.memory_space<vmem_shared>>)
    %dma_wait3A_41 = arith.constant 0 : i32
    %dma_wait3A_42 = tpu.memref_slice %arg13[%mul3A_7, %dma_wait3A_41] : memref<10240x32xf32, #tpu.memory_space<vmem_shared>> -> memref<640x32xf32, #tpu.memory_space<vmem_shared>>
    %dma_wait3A_43 = arith.constant 0 : i32
    %dma_wait3A_44 = tpu.memref_slice %arg2[%mul3A_5, %dma_wait3A_43] : memref<10240x32xf32, #tpu.memory_space<hbm>> -> memref<640x32xf32, #tpu.memory_space<hbm>>
    tpu.wait_dma2 semaphore(%arg15 : memref<!tpu.dma_semaphore, #tpu.memory_space<semaphore_mem>>) src(%dma_wait3A_44 : memref<640x32xf32, #tpu.memory_space<hbm>>) dst(%dma_wait3A_42 : memref<640x32xf32, #tpu.memory_space<vmem_shared>>)
    %dma_wait3A_45 = arith.constant 0 : i32
    %dma_wait3A_46 = arith.constant 0 : i32
    %dma_wait3A_47 = tpu.memref_slice %arg6[%dma_wait3A_46] : memref<10240xi32, #tpu.memory_space<vmem>> -> memref<10000xi32, #tpu.memory_space<vmem>>
    %dma_wait3A_48 = tpu.memref_slice %arg3[%dma_wait3A_45, %mul3A_13] : memref<2x320000xi32, #tpu.memory_space<hbm>> -> memref<1x10000xi32, #tpu.memory_space<hbm>>
    %dma_wait3A_49 = tpu.memref_squeeze %dma_wait3A_48 : memref<1x10000xi32, #tpu.memory_space<hbm>> -> memref<10000xi32, #tpu.memory_space<hbm>>
    %dma_wait3A_50 = arith.constant 0 : i32
    %dma_wait3A_51 = tpu.memref_slice %arg6[%dma_wait3A_50] : memref<10240xi32, #tpu.memory_space<vmem>> -> memref<10000xi32, #tpu.memory_space<vmem>>
    %dma_wait3A_52 = tpu.memref_slice %arg3[%dma_wait3A_45, %mul3A_13] : memref<2x320000xi32, #tpu.memory_space<hbm>> -> memref<1x10000xi32, #tpu.memory_space<hbm>>
    %dma_wait3A_53 = tpu.memref_squeeze %dma_wait3A_52 : memref<1x10000xi32, #tpu.memory_space<hbm>> -> memref<10000xi32, #tpu.memory_space<hbm>>
    tpu.wait_dma2 semaphore(%arg16 : memref<!tpu.dma_semaphore, #tpu.memory_space<semaphore_mem>>) src(%dma_wait3A_53 : memref<10000xi32, #tpu.memory_space<hbm>>) dst(%dma_wait3A_51 : memref<10000xi32, #tpu.memory_space<vmem>>)
    %dma_wait3A_54 = arith.constant 1 : i32
    %dma_wait3A_55 = arith.constant 0 : i32
    %dma_wait3A_56 = tpu.memref_slice %arg7[%dma_wait3A_55] : memref<10240xi32, #tpu.memory_space<vmem>> -> memref<10000xi32, #tpu.memory_space<vmem>>
    %dma_wait3A_57 = tpu.memref_slice %arg3[%dma_wait3A_54, %mul3A_24] : memref<2x320000xi32, #tpu.memory_space<hbm>> -> memref<1x10000xi32, #tpu.memory_space<hbm>>
    %dma_wait3A_58 = tpu.memref_squeeze %dma_wait3A_57 : memref<1x10000xi32, #tpu.memory_space<hbm>> -> memref<10000xi32, #tpu.memory_space<hbm>>
    %dma_wait3A_59 = arith.constant 0 : i32
    %dma_wait3A_60 = tpu.memref_slice %arg7[%dma_wait3A_59] : memref<10240xi32, #tpu.memory_space<vmem>> -> memref<10000xi32, #tpu.memory_space<vmem>>
    %dma_wait3A_61 = tpu.memref_slice %arg3[%dma_wait3A_54, %mul3A_24] : memref<2x320000xi32, #tpu.memory_space<hbm>> -> memref<1x10000xi32, #tpu.memory_space<hbm>>
    %dma_wait3A_62 = tpu.memref_squeeze %dma_wait3A_61 : memref<1x10000xi32, #tpu.memory_space<hbm>> -> memref<10000xi32, #tpu.memory_space<hbm>>
    tpu.wait_dma2 semaphore(%arg17 : memref<!tpu.dma_semaphore, #tpu.memory_space<semaphore_mem>>) src(%dma_wait3A_62 : memref<10000xi32, #tpu.memory_space<hbm>>) dst(%dma_wait3A_60 : memref<10000xi32, #tpu.memory_space<vmem>>)
    %barrier3A = arith.constant 0 : index
    tpu.barrier barrier_id(%barrier3A)
    %dma_start3A_63 = arith.constant 0 : i32
    %dma_start3A_64 = tpu.memref_slice %arg6[%dma_start3A_63] : memref<10240xi32, #tpu.memory_space<vmem>> -> memref<256xi32, #tpu.memory_space<vmem>>
    %dma_start3A_65 = arith.constant 0 : i32
    %dma_start3A_66 = arith.constant 0 : i32
    %dma_start3A_67 = tpu.memref_slice %arg13[%dma_start3A_65, %dma_start3A_66] : memref<10240x32xf32, #tpu.memory_space<vmem_shared>> -> memref<10240x32xf32, #tpu.memory_space<vmem_shared>>
    tpu.enqueue_indirect_dma source(%dma_start3A_67 : memref<10240x32xf32, #tpu.memory_space<vmem_shared>>) target(%arg8 : memref<256x32xf32, #tpu.memory_space<vmem>>) offsets(%dma_start3A_64 : memref<256xi32, #tpu.memory_space<vmem>>) semaphore(%arg14 : memref<!tpu.dma_semaphore, #tpu.memory_space<semaphore_mem>>)
    %dma_start3A_68 = arith.constant 256 : i32
    %dma_start3A_69 = tpu.memref_slice %arg6[%dma_start3A_68] : memref<10240xi32, #tpu.memory_space<vmem>> -> memref<256xi32, #tpu.memory_space<vmem>>
    %dma_start3A_70 = arith.constant 0 : i32
    %dma_start3A_71 = arith.constant 0 : i32
    %dma_start3A_72 = tpu.memref_slice %arg13[%dma_start3A_70, %dma_start3A_71] : memref<10240x32xf32, #tpu.memory_space<vmem_shared>> -> memref<10240x32xf32, #tpu.memory_space<vmem_shared>>
    tpu.enqueue_indirect_dma source(%dma_start3A_72 : memref<10240x32xf32, #tpu.memory_space<vmem_shared>>) target(%arg9 : memref<256x32xf32, #tpu.memory_space<vmem>>) offsets(%dma_start3A_69 : memref<256xi32, #tpu.memory_space<vmem>>) semaphore(%arg15 : memref<!tpu.dma_semaphore, #tpu.memory_space<semaphore_mem>>)
    %dma_start3A_73 = arith.constant 512 : i32
    %dma_start3A_74 = tpu.memref_slice %arg6[%dma_start3A_73] : memref<10240xi32, #tpu.memory_space<vmem>> -> memref<256xi32, #tpu.memory_space<vmem>>
    %dma_start3A_75 = arith.constant 0 : i32
    %dma_start3A_76 = arith.constant 0 : i32
    %dma_start3A_77 = tpu.memref_slice %arg13[%dma_start3A_75, %dma_start3A_76] : memref<10240x32xf32, #tpu.memory_space<vmem_shared>> -> memref<10240x32xf32, #tpu.memory_space<vmem_shared>>
    tpu.enqueue_indirect_dma source(%dma_start3A_77 : memref<10240x32xf32, #tpu.memory_space<vmem_shared>>) target(%arg10 : memref<256x32xf32, #tpu.memory_space<vmem>>) offsets(%dma_start3A_74 : memref<256xi32, #tpu.memory_space<vmem>>) semaphore(%arg16 : memref<!tpu.dma_semaphore, #tpu.memory_space<semaphore_mem>>)
    %dma_start3A_78 = arith.constant 768 : i32
    %dma_start3A_79 = tpu.memref_slice %arg6[%dma_start3A_78] : memref<10240xi32, #tpu.memory_space<vmem>> -> memref<256xi32, #tpu.memory_space<vmem>>
    %dma_start3A_80 = arith.constant 0 : i32
    %dma_start3A_81 = arith.constant 0 : i32
    %dma_start3A_82 = tpu.memref_slice %arg13[%dma_start3A_80, %dma_start3A_81] : memref<10240x32xf32, #tpu.memory_space<vmem_shared>> -> memref<10240x32xf32, #tpu.memory_space<vmem_shared>>
    tpu.enqueue_indirect_dma source(%dma_start3A_82 : memref<10240x32xf32, #tpu.memory_space<vmem_shared>>) target(%arg11 : memref<256x32xf32, #tpu.memory_space<vmem>>) offsets(%dma_start3A_79 : memref<256xi32, #tpu.memory_space<vmem>>) semaphore(%arg17 : memref<!tpu.dma_semaphore, #tpu.memory_space<semaphore_mem>>)
    %scan3A_83 = arith.constant 0 : i32
    %scan3A_84 = arith.constant 0 : i32
    %scan3A_85 = arith.constant 10 : i32
    %scan3A_86 = arith.addi %scan3A_84, %scan3A_85 : i32
    %scan3A_87 = arith.constant 1 : i32
    scf.for %scan3A_114 = %scan3A_84 to %scan3A_86 step %scan3A_87  : i32 {
      %mul3A_115 = arith.constant 4 : i32
      %mul3A_116 = arith.muli %scan3A_114, %mul3A_115 : i32
      %add3A_117 = arith.constant 0 : i32
      %add3A_118 = arith.addi %mul3A_116, %add3A_117 : i32
      %mul3A_119 = arith.constant 256 : i32
      %mul3A_120 = arith.muli %add3A_118, %mul3A_119 : i32
      %dma_wait3A_121 = tpu.memref_slice %arg6[%mul3A_120] : memref<10240xi32, #tpu.memory_space<vmem>> -> memref<256xi32, #tpu.memory_space<vmem>>
      %dma_wait3A_122 = arith.constant 0 : i32
      %dma_wait3A_123 = arith.constant 0 : i32
      %dma_wait3A_124 = tpu.memref_slice %arg13[%dma_wait3A_122, %dma_wait3A_123] : memref<10240x32xf32, #tpu.memory_space<vmem_shared>> -> memref<10240x32xf32, #tpu.memory_space<vmem_shared>>
      tpu.wait_indirect_dma semaphore(%arg14 : memref<!tpu.dma_semaphore, #tpu.memory_space<semaphore_mem>>) src(%dma_wait3A_124 : memref<10240x32xf32, #tpu.memory_space<vmem_shared>>) dst(%arg8 : memref<256x32xf32, #tpu.memory_space<vmem>>)
      %add3A_125 = arith.constant 0 : i32
      %add3A_126 = arith.addi %mul3A_116, %add3A_125 : i32
      %mul3A_127 = arith.constant 256 : i32
      %mul3A_128 = arith.muli %add3A_126, %mul3A_127 : i32
      %dma_start3A_129 = tpu.memref_slice %arg7[%mul3A_128] : memref<10240xi32, #tpu.memory_space<vmem>> -> memref<256xi32, #tpu.memory_space<vmem>>
      %dma_start3A_130 = arith.constant 0 : i32
      %dma_start3A_131 = arith.constant 0 : i32
      %dma_start3A_132 = tpu.memref_slice %arg12[%dma_start3A_130, %dma_start3A_131] : memref<10240x32xf32, #tpu.memory_space<vmem_shared>> -> memref<10240x32xf32, #tpu.memory_space<vmem_shared>>
      tpu.enqueue_indirect_dma source(%arg8 : memref<256x32xf32, #tpu.memory_space<vmem>>) target(%dma_start3A_132 : memref<10240x32xf32, #tpu.memory_space<vmem_shared>>) offsets(%dma_start3A_129 : memref<256xi32, #tpu.memory_space<vmem>>) semaphore(%arg18 : memref<!tpu.dma_semaphore, #tpu.memory_space<semaphore_mem>>) {add = true}
      %add3A_133 = arith.constant 1 : i32
      %add3A_134 = arith.addi %mul3A_116, %add3A_133 : i32
      %mul3A_135 = arith.constant 256 : i32
      %mul3A_136 = arith.muli %add3A_134, %mul3A_135 : i32
      %dma_wait3A_137 = tpu.memref_slice %arg6[%mul3A_136] : memref<10240xi32, #tpu.memory_space<vmem>> -> memref<256xi32, #tpu.memory_space<vmem>>
      %dma_wait3A_138 = arith.constant 0 : i32
      %dma_wait3A_139 = arith.constant 0 : i32
      %dma_wait3A_140 = tpu.memref_slice %arg13[%dma_wait3A_138, %dma_wait3A_139] : memref<10240x32xf32, #tpu.memory_space<vmem_shared>> -> memref<10240x32xf32, #tpu.memory_space<vmem_shared>>
      tpu.wait_indirect_dma semaphore(%arg15 : memref<!tpu.dma_semaphore, #tpu.memory_space<semaphore_mem>>) src(%dma_wait3A_140 : memref<10240x32xf32, #tpu.memory_space<vmem_shared>>) dst(%arg9 : memref<256x32xf32, #tpu.memory_space<vmem>>)
      %add3A_141 = arith.constant 1 : i32
      %add3A_142 = arith.addi %mul3A_116, %add3A_141 : i32
      %mul3A_143 = arith.constant 256 : i32
      %mul3A_144 = arith.muli %add3A_142, %mul3A_143 : i32
      %dma_start3A_145 = tpu.memref_slice %arg7[%mul3A_144] : memref<10240xi32, #tpu.memory_space<vmem>> -> memref<256xi32, #tpu.memory_space<vmem>>
      %dma_start3A_146 = arith.constant 0 : i32
      %dma_start3A_147 = arith.constant 0 : i32
      %dma_start3A_148 = tpu.memref_slice %arg12[%dma_start3A_146, %dma_start3A_147] : memref<10240x32xf32, #tpu.memory_space<vmem_shared>> -> memref<10240x32xf32, #tpu.memory_space<vmem_shared>>
      tpu.enqueue_indirect_dma source(%arg9 : memref<256x32xf32, #tpu.memory_space<vmem>>) target(%dma_start3A_148 : memref<10240x32xf32, #tpu.memory_space<vmem_shared>>) offsets(%dma_start3A_145 : memref<256xi32, #tpu.memory_space<vmem>>) semaphore(%arg19 : memref<!tpu.dma_semaphore, #tpu.memory_space<semaphore_mem>>) {add = true}
      %add3A_149 = arith.constant 2 : i32
      %add3A_150 = arith.addi %mul3A_116, %add3A_149 : i32
      %mul3A_151 = arith.constant 256 : i32
      %mul3A_152 = arith.muli %add3A_150, %mul3A_151 : i32
      %dma_wait3A_153 = tpu.memref_slice %arg6[%mul3A_152] : memref<10240xi32, #tpu.memory_space<vmem>> -> memref<256xi32, #tpu.memory_space<vmem>>
      %dma_wait3A_154 = arith.constant 0 : i32
      %dma_wait3A_155 = arith.constant 0 : i32
      %dma_wait3A_156 = tpu.memref_slice %arg13[%dma_wait3A_154, %dma_wait3A_155] : memref<10240x32xf32, #tpu.memory_space<vmem_shared>> -> memref<10240x32xf32, #tpu.memory_space<vmem_shared>>
      tpu.wait_indirect_dma semaphore(%arg16 : memref<!tpu.dma_semaphore, #tpu.memory_space<semaphore_mem>>) src(%dma_wait3A_156 : memref<10240x32xf32, #tpu.memory_space<vmem_shared>>) dst(%arg10 : memref<256x32xf32, #tpu.memory_space<vmem>>)
      %add3A_157 = arith.constant 2 : i32
      %add3A_158 = arith.addi %mul3A_116, %add3A_157 : i32
      %mul3A_159 = arith.constant 256 : i32
      %mul3A_160 = arith.muli %add3A_158, %mul3A_159 : i32
      %dma_start3A_161 = tpu.memref_slice %arg7[%mul3A_160] : memref<10240xi32, #tpu.memory_space<vmem>> -> memref<256xi32, #tpu.memory_space<vmem>>
      %dma_start3A_162 = arith.constant 0 : i32
      %dma_start3A_163 = arith.constant 0 : i32
      %dma_start3A_164 = tpu.memref_slice %arg12[%dma_start3A_162, %dma_start3A_163] : memref<10240x32xf32, #tpu.memory_space<vmem_shared>> -> memref<10240x32xf32, #tpu.memory_space<vmem_shared>>
      tpu.enqueue_indirect_dma source(%arg10 : memref<256x32xf32, #tpu.memory_space<vmem>>) target(%dma_start3A_164 : memref<10240x32xf32, #tpu.memory_space<vmem_shared>>) offsets(%dma_start3A_161 : memref<256xi32, #tpu.memory_space<vmem>>) semaphore(%arg20 : memref<!tpu.dma_semaphore, #tpu.memory_space<semaphore_mem>>) {add = true}
      %add3A_165 = arith.constant 3 : i32
      %add3A_166 = arith.addi %mul3A_116, %add3A_165 : i32
      %mul3A_167 = arith.constant 256 : i32
      %mul3A_168 = arith.muli %add3A_166, %mul3A_167 : i32
      %dma_wait3A_169 = tpu.memref_slice %arg6[%mul3A_168] : memref<10240xi32, #tpu.memory_space<vmem>> -> memref<256xi32, #tpu.memory_space<vmem>>
      %dma_wait3A_170 = arith.constant 0 : i32
      %dma_wait3A_171 = arith.constant 0 : i32
      %dma_wait3A_172 = tpu.memref_slice %arg13[%dma_wait3A_170, %dma_wait3A_171] : memref<10240x32xf32, #tpu.memory_space<vmem_shared>> -> memref<10240x32xf32, #tpu.memory_space<vmem_shared>>
      tpu.wait_indirect_dma semaphore(%arg17 : memref<!tpu.dma_semaphore, #tpu.memory_space<semaphore_mem>>) src(%dma_wait3A_172 : memref<10240x32xf32, #tpu.memory_space<vmem_shared>>) dst(%arg11 : memref<256x32xf32, #tpu.memory_space<vmem>>)
      %add3A_173 = arith.constant 3 : i32
      %add3A_174 = arith.addi %mul3A_116, %add3A_173 : i32
      %mul3A_175 = arith.constant 256 : i32
      %mul3A_176 = arith.muli %add3A_174, %mul3A_175 : i32
      %dma_start3A_177 = tpu.memref_slice %arg7[%mul3A_176] : memref<10240xi32, #tpu.memory_space<vmem>> -> memref<256xi32, #tpu.memory_space<vmem>>
      %dma_start3A_178 = arith.constant 0 : i32
      %dma_start3A_179 = arith.constant 0 : i32
      %dma_start3A_180 = tpu.memref_slice %arg12[%dma_start3A_178, %dma_start3A_179] : memref<10240x32xf32, #tpu.memory_space<vmem_shared>> -> memref<10240x32xf32, #tpu.memory_space<vmem_shared>>
      tpu.enqueue_indirect_dma source(%arg11 : memref<256x32xf32, #tpu.memory_space<vmem>>) target(%dma_start3A_180 : memref<10240x32xf32, #tpu.memory_space<vmem_shared>>) offsets(%dma_start3A_177 : memref<256xi32, #tpu.memory_space<vmem>>) semaphore(%arg21 : memref<!tpu.dma_semaphore, #tpu.memory_space<semaphore_mem>>) {add = true}
      %lt3A = arith.constant 9 : i32
      %lt3A_181 = arith.cmpi slt, %scan3A_114, %lt3A : i32
      %convert_element_type3A = arith.extui %lt3A_181 : i1 to i32
      %cond3A = arith.constant 0 : i32
      %cond3A_182 = arith.cmpi ne, %convert_element_type3A, %cond3A : i32
      scf.if %cond3A_182 {
        %add3A_183 = arith.constant 0 : i32
        %add3A_184 = arith.addi %mul3A_116, %add3A_183 : i32
        %mul3A_185 = arith.constant 256 : i32
        %mul3A_186 = arith.muli %add3A_184, %mul3A_185 : i32
        %dma_wait3A_187 = tpu.memref_slice %arg7[%mul3A_186] : memref<10240xi32, #tpu.memory_space<vmem>> -> memref<256xi32, #tpu.memory_space<vmem>>
        %dma_wait3A_188 = arith.constant 0 : i32
        %dma_wait3A_189 = arith.constant 0 : i32
        %dma_wait3A_190 = tpu.memref_slice %arg12[%dma_wait3A_188, %dma_wait3A_189] : memref<10240x32xf32, #tpu.memory_space<vmem_shared>> -> memref<10240x32xf32, #tpu.memory_space<vmem_shared>>
        tpu.wait_indirect_dma semaphore(%arg18 : memref<!tpu.dma_semaphore, #tpu.memory_space<semaphore_mem>>) src(%arg8 : memref<256x32xf32, #tpu.memory_space<vmem>>) dst(%dma_wait3A_190 : memref<10240x32xf32, #tpu.memory_space<vmem_shared>>)
        %add3A_191 = arith.constant 0 : i32
        %add3A_192 = arith.addi %mul3A_116, %add3A_191 : i32
        %add3A_193 = arith.constant 4 : i32
        %add3A_194 = arith.addi %add3A_192, %add3A_193 : i32
        %mul3A_195 = arith.constant 256 : i32
        %mul3A_196 = arith.muli %add3A_194, %mul3A_195 : i32
        %dma_start3A_197 = tpu.memref_slice %arg6[%mul3A_196] : memref<10240xi32, #tpu.memory_space<vmem>> -> memref<256xi32, #tpu.memory_space<vmem>>
        %dma_start3A_198 = arith.constant 0 : i32
        %dma_start3A_199 = arith.constant 0 : i32
        %dma_start3A_200 = tpu.memref_slice %arg13[%dma_start3A_198, %dma_start3A_199] : memref<10240x32xf32, #tpu.memory_space<vmem_shared>> -> memref<10240x32xf32, #tpu.memory_space<vmem_shared>>
        tpu.enqueue_indirect_dma source(%dma_start3A_200 : memref<10240x32xf32, #tpu.memory_space<vmem_shared>>) target(%arg8 : memref<256x32xf32, #tpu.memory_space<vmem>>) offsets(%dma_start3A_197 : memref<256xi32, #tpu.memory_space<vmem>>) semaphore(%arg14 : memref<!tpu.dma_semaphore, #tpu.memory_space<semaphore_mem>>)
        %add3A_201 = arith.constant 1 : i32
        %add3A_202 = arith.addi %mul3A_116, %add3A_201 : i32
        %mul3A_203 = arith.constant 256 : i32
        %mul3A_204 = arith.muli %add3A_202, %mul3A_203 : i32
        %dma_wait3A_205 = tpu.memref_slice %arg7[%mul3A_204] : memref<10240xi32, #tpu.memory_space<vmem>> -> memref<256xi32, #tpu.memory_space<vmem>>
        %dma_wait3A_206 = arith.constant 0 : i32
        %dma_wait3A_207 = arith.constant 0 : i32
        %dma_wait3A_208 = tpu.memref_slice %arg12[%dma_wait3A_206, %dma_wait3A_207] : memref<10240x32xf32, #tpu.memory_space<vmem_shared>> -> memref<10240x32xf32, #tpu.memory_space<vmem_shared>>
        tpu.wait_indirect_dma semaphore(%arg19 : memref<!tpu.dma_semaphore, #tpu.memory_space<semaphore_mem>>) src(%arg9 : memref<256x32xf32, #tpu.memory_space<vmem>>) dst(%dma_wait3A_208 : memref<10240x32xf32, #tpu.memory_space<vmem_shared>>)
        %add3A_209 = arith.constant 1 : i32
        %add3A_210 = arith.addi %mul3A_116, %add3A_209 : i32
        %add3A_211 = arith.constant 4 : i32
        %add3A_212 = arith.addi %add3A_210, %add3A_211 : i32
        %mul3A_213 = arith.constant 256 : i32
        %mul3A_214 = arith.muli %add3A_212, %mul3A_213 : i32
        %dma_start3A_215 = tpu.memref_slice %arg6[%mul3A_214] : memref<10240xi32, #tpu.memory_space<vmem>> -> memref<256xi32, #tpu.memory_space<vmem>>
        %dma_start3A_216 = arith.constant 0 : i32
        %dma_start3A_217 = arith.constant 0 : i32
        %dma_start3A_218 = tpu.memref_slice %arg13[%dma_start3A_216, %dma_start3A_217] : memref<10240x32xf32, #tpu.memory_space<vmem_shared>> -> memref<10240x32xf32, #tpu.memory_space<vmem_shared>>
        tpu.enqueue_indirect_dma source(%dma_start3A_218 : memref<10240x32xf32, #tpu.memory_space<vmem_shared>>) target(%arg9 : memref<256x32xf32, #tpu.memory_space<vmem>>) offsets(%dma_start3A_215 : memref<256xi32, #tpu.memory_space<vmem>>) semaphore(%arg15 : memref<!tpu.dma_semaphore, #tpu.memory_space<semaphore_mem>>)
        %add3A_219 = arith.constant 2 : i32
        %add3A_220 = arith.addi %mul3A_116, %add3A_219 : i32
        %mul3A_221 = arith.constant 256 : i32
        %mul3A_222 = arith.muli %add3A_220, %mul3A_221 : i32
        %dma_wait3A_223 = tpu.memref_slice %arg7[%mul3A_222] : memref<10240xi32, #tpu.memory_space<vmem>> -> memref<256xi32, #tpu.memory_space<vmem>>
        %dma_wait3A_224 = arith.constant 0 : i32
        %dma_wait3A_225 = arith.constant 0 : i32
        %dma_wait3A_226 = tpu.memref_slice %arg12[%dma_wait3A_224, %dma_wait3A_225] : memref<10240x32xf32, #tpu.memory_space<vmem_shared>> -> memref<10240x32xf32, #tpu.memory_space<vmem_shared>>
        tpu.wait_indirect_dma semaphore(%arg20 : memref<!tpu.dma_semaphore, #tpu.memory_space<semaphore_mem>>) src(%arg10 : memref<256x32xf32, #tpu.memory_space<vmem>>) dst(%dma_wait3A_226 : memref<10240x32xf32, #tpu.memory_space<vmem_shared>>)
        %add3A_227 = arith.constant 2 : i32
        %add3A_228 = arith.addi %mul3A_116, %add3A_227 : i32
        %add3A_229 = arith.constant 4 : i32
        %add3A_230 = arith.addi %add3A_228, %add3A_229 : i32
        %mul3A_231 = arith.constant 256 : i32
        %mul3A_232 = arith.muli %add3A_230, %mul3A_231 : i32
        %dma_start3A_233 = tpu.memref_slice %arg6[%mul3A_232] : memref<10240xi32, #tpu.memory_space<vmem>> -> memref<256xi32, #tpu.memory_space<vmem>>
        %dma_start3A_234 = arith.constant 0 : i32
        %dma_start3A_235 = arith.constant 0 : i32
        %dma_start3A_236 = tpu.memref_slice %arg13[%dma_start3A_234, %dma_start3A_235] : memref<10240x32xf32, #tpu.memory_space<vmem_shared>> -> memref<10240x32xf32, #tpu.memory_space<vmem_shared>>
        tpu.enqueue_indirect_dma source(%dma_start3A_236 : memref<10240x32xf32, #tpu.memory_space<vmem_shared>>) target(%arg10 : memref<256x32xf32, #tpu.memory_space<vmem>>) offsets(%dma_start3A_233 : memref<256xi32, #tpu.memory_space<vmem>>) semaphore(%arg16 : memref<!tpu.dma_semaphore, #tpu.memory_space<semaphore_mem>>)
        %add3A_237 = arith.constant 3 : i32
        %add3A_238 = arith.addi %mul3A_116, %add3A_237 : i32
        %mul3A_239 = arith.constant 256 : i32
        %mul3A_240 = arith.muli %add3A_238, %mul3A_239 : i32
        %dma_wait3A_241 = tpu.memref_slice %arg7[%mul3A_240] : memref<10240xi32, #tpu.memory_space<vmem>> -> memref<256xi32, #tpu.memory_space<vmem>>
        %dma_wait3A_242 = arith.constant 0 : i32
        %dma_wait3A_243 = arith.constant 0 : i32
        %dma_wait3A_244 = tpu.memref_slice %arg12[%dma_wait3A_242, %dma_wait3A_243] : memref<10240x32xf32, #tpu.memory_space<vmem_shared>> -> memref<10240x32xf32, #tpu.memory_space<vmem_shared>>
        tpu.wait_indirect_dma semaphore(%arg21 : memref<!tpu.dma_semaphore, #tpu.memory_space<semaphore_mem>>) src(%arg11 : memref<256x32xf32, #tpu.memory_space<vmem>>) dst(%dma_wait3A_244 : memref<10240x32xf32, #tpu.memory_space<vmem_shared>>)
        %add3A_245 = arith.constant 3 : i32
        %add3A_246 = arith.addi %mul3A_116, %add3A_245 : i32
        %add3A_247 = arith.constant 4 : i32
        %add3A_248 = arith.addi %add3A_246, %add3A_247 : i32
        %mul3A_249 = arith.constant 256 : i32
        %mul3A_250 = arith.muli %add3A_248, %mul3A_249 : i32
        %dma_start3A_251 = tpu.memref_slice %arg6[%mul3A_250] : memref<10240xi32, #tpu.memory_space<vmem>> -> memref<256xi32, #tpu.memory_space<vmem>>
        %dma_start3A_252 = arith.constant 0 : i32
        %dma_start3A_253 = arith.constant 0 : i32
        %dma_start3A_254 = tpu.memref_slice %arg13[%dma_start3A_252, %dma_start3A_253] : memref<10240x32xf32, #tpu.memory_space<vmem_shared>> -> memref<10240x32xf32, #tpu.memory_space<vmem_shared>>
        tpu.enqueue_indirect_dma source(%dma_start3A_254 : memref<10240x32xf32, #tpu.memory_space<vmem_shared>>) target(%arg11 : memref<256x32xf32, #tpu.memory_space<vmem>>) offsets(%dma_start3A_251 : memref<256xi32, #tpu.memory_space<vmem>>) semaphore(%arg17 : memref<!tpu.dma_semaphore, #tpu.memory_space<semaphore_mem>>)
      } else {
      }
    }
    %scan3A_88 = arith.constant 10 : i32
    %dma_wait3A_89 = arith.constant 9216 : i32
    %dma_wait3A_90 = tpu.memref_slice %arg7[%dma_wait3A_89] : memref<10240xi32, #tpu.memory_space<vmem>> -> memref<256xi32, #tpu.memory_space<vmem>>
    %dma_wait3A_91 = arith.constant 0 : i32
    %dma_wait3A_92 = arith.constant 0 : i32
    %dma_wait3A_93 = tpu.memref_slice %arg12[%dma_wait3A_91, %dma_wait3A_92] : memref<10240x32xf32, #tpu.memory_space<vmem_shared>> -> memref<10240x32xf32, #tpu.memory_space<vmem_shared>>
    tpu.wait_indirect_dma semaphore(%arg18 : memref<!tpu.dma_semaphore, #tpu.memory_space<semaphore_mem>>) src(%arg8 : memref<256x32xf32, #tpu.memory_space<vmem>>) dst(%dma_wait3A_93 : memref<10240x32xf32, #tpu.memory_space<vmem_shared>>)
    %dma_wait3A_94 = arith.constant 9472 : i32
    %dma_wait3A_95 = tpu.memref_slice %arg7[%dma_wait3A_94] : memref<10240xi32, #tpu.memory_space<vmem>> -> memref<256xi32, #tpu.memory_space<vmem>>
    %dma_wait3A_96 = arith.constant 0 : i32
    %dma_wait3A_97 = arith.constant 0 : i32
    %dma_wait3A_98 = tpu.memref_slice %arg12[%dma_wait3A_96, %dma_wait3A_97] : memref<10240x32xf32, #tpu.memory_space<vmem_shared>> -> memref<10240x32xf32, #tpu.memory_space<vmem_shared>>
    tpu.wait_indirect_dma semaphore(%arg19 : memref<!tpu.dma_semaphore, #tpu.memory_space<semaphore_mem>>) src(%arg9 : memref<256x32xf32, #tpu.memory_space<vmem>>) dst(%dma_wait3A_98 : memref<10240x32xf32, #tpu.memory_space<vmem_shared>>)
    %dma_wait3A_99 = arith.constant 9728 : i32
    %dma_wait3A_100 = tpu.memref_slice %arg7[%dma_wait3A_99] : memref<10240xi32, #tpu.memory_space<vmem>> -> memref<256xi32, #tpu.memory_space<vmem>>
    %dma_wait3A_101 = arith.constant 0 : i32
    %dma_wait3A_102 = arith.constant 0 : i32
    %dma_wait3A_103 = tpu.memref_slice %arg12[%dma_wait3A_101, %dma_wait3A_102] : memref<10240x32xf32, #tpu.memory_space<vmem_shared>> -> memref<10240x32xf32, #tpu.memory_space<vmem_shared>>
    tpu.wait_indirect_dma semaphore(%arg20 : memref<!tpu.dma_semaphore, #tpu.memory_space<semaphore_mem>>) src(%arg10 : memref<256x32xf32, #tpu.memory_space<vmem>>) dst(%dma_wait3A_103 : memref<10240x32xf32, #tpu.memory_space<vmem_shared>>)
    %dma_wait3A_104 = arith.constant 9984 : i32
    %dma_wait3A_105 = tpu.memref_slice %arg7[%dma_wait3A_104] : memref<10240xi32, #tpu.memory_space<vmem>> -> memref<256xi32, #tpu.memory_space<vmem>>
    %dma_wait3A_106 = arith.constant 0 : i32
    %dma_wait3A_107 = arith.constant 0 : i32
    %dma_wait3A_108 = tpu.memref_slice %arg12[%dma_wait3A_106, %dma_wait3A_107] : memref<10240x32xf32, #tpu.memory_space<vmem_shared>> -> memref<10240x32xf32, #tpu.memory_space<vmem_shared>>
    tpu.wait_indirect_dma semaphore(%arg21 : memref<!tpu.dma_semaphore, #tpu.memory_space<semaphore_mem>>) src(%arg11 : memref<256x32xf32, #tpu.memory_space<vmem>>) dst(%dma_wait3A_108 : memref<10240x32xf32, #tpu.memory_space<vmem_shared>>)
    %barrier3A_109 = arith.constant 0 : index
    tpu.barrier barrier_id(%barrier3A_109)
    %mul3A_110 = arith.constant 640 : i32
    %mul3A_111 = arith.muli %arg1, %mul3A_110 : i32
    %mul3A_112 = arith.constant 640 : i32
    %mul3A_113 = arith.muli %arg1, %mul3A_112 : i32
    "tpu.region"() ({
      %run_scoped3A = tpu.sem_alloc : memref<!tpu.dma_semaphore, #tpu.memory_space<semaphore_mem>>
      %dma_start3A_114 = arith.constant 0 : i32
      %dma_start3A_115 = tpu.memref_slice %arg5[%arg0, %mul3A_113, %dma_start3A_114] : memref<2x10240x32xf32, #tpu.memory_space<hbm>> -> memref<1x640x32xf32, #tpu.memory_space<hbm>>
      %dma_start3A_116 = tpu.memref_squeeze %dma_start3A_115 : memref<1x640x32xf32, #tpu.memory_space<hbm>> -> memref<640x32xf32, #tpu.memory_space<hbm>>
      %dma_start3A_117 = arith.constant 0 : i32
      %dma_start3A_118 = tpu.memref_slice %arg12[%mul3A_111, %dma_start3A_117] : memref<10240x32xf32, #tpu.memory_space<vmem_shared>> -> memref<640x32xf32, #tpu.memory_space<vmem_shared>>
      tpu.enqueue_dma source(%dma_start3A_118 : memref<640x32xf32, #tpu.memory_space<vmem_shared>>) target(%dma_start3A_116 : memref<640x32xf32, #tpu.memory_space<hbm>>) target_semaphore(%run_scoped3A : memref<!tpu.dma_semaphore, #tpu.memory_space<semaphore_mem>>)
      %dma_wait3A_119 = arith.constant 0 : i32
      %dma_wait3A_120 = tpu.memref_slice %arg5[%arg0, %mul3A_113, %dma_wait3A_119] : memref<2x10240x32xf32, #tpu.memory_space<hbm>> -> memref<1x640x32xf32, #tpu.memory_space<hbm>>
      %dma_wait3A_121 = tpu.memref_squeeze %dma_wait3A_120 : memref<1x640x32xf32, #tpu.memory_space<hbm>> -> memref<640x32xf32, #tpu.memory_space<hbm>>
      %dma_wait3A_122 = arith.constant 0 : i32
      %dma_wait3A_123 = tpu.memref_slice %arg12[%mul3A_111, %dma_wait3A_122] : memref<10240x32xf32, #tpu.memory_space<vmem_shared>> -> memref<640x32xf32, #tpu.memory_space<vmem_shared>>
      tpu.wait_dma2 semaphore(%run_scoped3A : memref<!tpu.dma_semaphore, #tpu.memory_space<semaphore_mem>>) src(%dma_wait3A_123 : memref<640x32xf32, #tpu.memory_space<vmem_shared>>) dst(%dma_wait3A_121 : memref<640x32xf32, #tpu.memory_space<hbm>>)
      tpu.yield
    }) : () -> ()
    return
  }
}

#map = affine_map<(d0, d1) -> (0, 0)>
#map1 = affine_map<(d0, d1) -> (0, 0, 0)>
module attributes {stable_mosaic.version = 14 : i64} {
  func.func @_deg_kernel(%arg0: i32, %arg1: i32, %arg2: memref<2x320000xi32, #tpu.memory_space<hbm>>, %arg3: memref<256x8xf32, #tpu.memory_space<hbm>>, %arg4: memref<640x8xf32, #tpu.memory_space<hbm>>, %arg5: memref<2x10240x8xf32, #tpu.memory_space<hbm>>, %arg6: memref<10240xi32, #tpu.memory_space<vmem>>, %arg7: memref<256x8xf32, #tpu.memory_space<vmem>>, %arg8: memref<640x8xf32, #tpu.memory_space<vmem>>, %arg9: memref<10240x8xf32, #tpu.memory_space<vmem_shared>>, %arg10: memref<!tpu.dma_semaphore, #tpu.memory_space<semaphore_mem>>) attributes {dimension_semantics = [#tpu.dimension_semantics<core_parallel>, #tpu.dimension_semantics<subcore_parallel>], iteration_bounds = array<i64: 2, 16>, scalar_prefetch = 0 : i64, scratch_operands = 5 : i64, tpu.core_type = #tpu.core_type<sc_vector_subcore>, window_params = [{transform_indices = #map}, {transform_indices = #map}, {transform_indices = #map}, {transform_indices = #map1}]} {
    %mul3A = arith.constant 2 : i32
    %mul3A_0 = arith.muli %arg1, %mul3A : i32
    %add3A = arith.addi %mul3A_0, %arg0 : i32
    "tpu.region"() ({
      %run_scoped3A_28 = tpu.sem_alloc : memref<!tpu.dma_semaphore, #tpu.memory_space<semaphore_mem>>
      tpu.enqueue_dma source(%arg3 : memref<256x8xf32, #tpu.memory_space<hbm>>) target(%arg7 : memref<256x8xf32, #tpu.memory_space<vmem>>) target_semaphore(%run_scoped3A_28 : memref<!tpu.dma_semaphore, #tpu.memory_space<semaphore_mem>>)
      tpu.wait_dma2 semaphore(%run_scoped3A_28 : memref<!tpu.dma_semaphore, #tpu.memory_space<semaphore_mem>>) src(%arg3 : memref<256x8xf32, #tpu.memory_space<hbm>>) dst(%arg7 : memref<256x8xf32, #tpu.memory_space<vmem>>)
      tpu.yield
    }) : () -> ()
    "tpu.region"() ({
      %run_scoped3A_28 = tpu.sem_alloc : memref<!tpu.dma_semaphore, #tpu.memory_space<semaphore_mem>>
      tpu.enqueue_dma source(%arg4 : memref<640x8xf32, #tpu.memory_space<hbm>>) target(%arg8 : memref<640x8xf32, #tpu.memory_space<vmem>>) target_semaphore(%run_scoped3A_28 : memref<!tpu.dma_semaphore, #tpu.memory_space<semaphore_mem>>)
      tpu.wait_dma2 semaphore(%run_scoped3A_28 : memref<!tpu.dma_semaphore, #tpu.memory_space<semaphore_mem>>) src(%arg4 : memref<640x8xf32, #tpu.memory_space<hbm>>) dst(%arg8 : memref<640x8xf32, #tpu.memory_space<vmem>>)
      tpu.yield
    }) : () -> ()
    %mul3A_1 = arith.constant 640 : i32
    %mul3A_2 = arith.muli %arg1, %mul3A_1 : i32
    "tpu.region"() ({
      %run_scoped3A_28 = tpu.sem_alloc : memref<!tpu.dma_semaphore, #tpu.memory_space<semaphore_mem>>
      %dma_start3A = arith.constant 0 : i32
      %dma_start3A_29 = tpu.memref_slice %arg9[%mul3A_2, %dma_start3A] : memref<10240x8xf32, #tpu.memory_space<vmem_shared>> -> memref<640x8xf32, #tpu.memory_space<vmem_shared>>
      %dma_start3A_30 = arith.constant 0 : i32
      %dma_start3A_31 = tpu.memref_slice %arg9[%mul3A_2, %dma_start3A_30] : memref<10240x8xf32, #tpu.memory_space<vmem_shared>> -> memref<640x8xf32, #tpu.memory_space<vmem_shared>>
      tpu.enqueue_dma source(%arg8 : memref<640x8xf32, #tpu.memory_space<vmem>>) target(%dma_start3A_31 : memref<640x8xf32, #tpu.memory_space<vmem_shared>>) target_semaphore(%run_scoped3A_28 : memref<!tpu.dma_semaphore, #tpu.memory_space<semaphore_mem>>)
      %dma_wait3A = arith.constant 0 : i32
      %dma_wait3A_32 = tpu.memref_slice %arg9[%mul3A_2, %dma_wait3A] : memref<10240x8xf32, #tpu.memory_space<vmem_shared>> -> memref<640x8xf32, #tpu.memory_space<vmem_shared>>
      %dma_wait3A_33 = arith.constant 0 : i32
      %dma_wait3A_34 = tpu.memref_slice %arg9[%mul3A_2, %dma_wait3A_33] : memref<10240x8xf32, #tpu.memory_space<vmem_shared>> -> memref<640x8xf32, #tpu.memory_space<vmem_shared>>
      tpu.wait_dma2 semaphore(%run_scoped3A_28 : memref<!tpu.dma_semaphore, #tpu.memory_space<semaphore_mem>>) src(%arg8 : memref<640x8xf32, #tpu.memory_space<vmem>>) dst(%dma_wait3A_34 : memref<640x8xf32, #tpu.memory_space<vmem_shared>>)
      tpu.yield
    }) : () -> ()
    %mul3A_3 = arith.constant 10000 : i32
    %mul3A_4 = arith.muli %add3A, %mul3A_3 : i32
    %run_scoped3A = arith.constant 1 : i32
    "tpu.region"() ({
      %run_scoped3A_28 = tpu.sem_alloc : memref<!tpu.dma_semaphore, #tpu.memory_space<semaphore_mem>>
      %dma_start3A = arith.constant 0 : i32
      %dma_start3A_29 = tpu.memref_slice %arg6[%dma_start3A] : memref<10240xi32, #tpu.memory_space<vmem>> -> memref<10000xi32, #tpu.memory_space<vmem>>
      %dma_start3A_30 = tpu.memref_slice %arg2[%run_scoped3A, %mul3A_4] : memref<2x320000xi32, #tpu.memory_space<hbm>> -> memref<1x10000xi32, #tpu.memory_space<hbm>>
      %dma_start3A_31 = tpu.memref_squeeze %dma_start3A_30 : memref<1x10000xi32, #tpu.memory_space<hbm>> -> memref<10000xi32, #tpu.memory_space<hbm>>
      %dma_start3A_32 = arith.constant 0 : i32
      %dma_start3A_33 = tpu.memref_slice %arg6[%dma_start3A_32] : memref<10240xi32, #tpu.memory_space<vmem>> -> memref<10000xi32, #tpu.memory_space<vmem>>
      %dma_start3A_34 = tpu.memref_slice %arg2[%run_scoped3A, %mul3A_4] : memref<2x320000xi32, #tpu.memory_space<hbm>> -> memref<1x10000xi32, #tpu.memory_space<hbm>>
      %dma_start3A_35 = tpu.memref_squeeze %dma_start3A_34 : memref<1x10000xi32, #tpu.memory_space<hbm>> -> memref<10000xi32, #tpu.memory_space<hbm>>
      tpu.enqueue_dma source(%dma_start3A_35 : memref<10000xi32, #tpu.memory_space<hbm>>) target(%dma_start3A_33 : memref<10000xi32, #tpu.memory_space<vmem>>) target_semaphore(%run_scoped3A_28 : memref<!tpu.dma_semaphore, #tpu.memory_space<semaphore_mem>>)
      %dma_wait3A = arith.constant 0 : i32
      %dma_wait3A_36 = tpu.memref_slice %arg6[%dma_wait3A] : memref<10240xi32, #tpu.memory_space<vmem>> -> memref<10000xi32, #tpu.memory_space<vmem>>
      %dma_wait3A_37 = tpu.memref_slice %arg2[%run_scoped3A, %mul3A_4] : memref<2x320000xi32, #tpu.memory_space<hbm>> -> memref<1x10000xi32, #tpu.memory_space<hbm>>
      %dma_wait3A_38 = tpu.memref_squeeze %dma_wait3A_37 : memref<1x10000xi32, #tpu.memory_space<hbm>> -> memref<10000xi32, #tpu.memory_space<hbm>>
      %dma_wait3A_39 = arith.constant 0 : i32
      %dma_wait3A_40 = tpu.memref_slice %arg6[%dma_wait3A_39] : memref<10240xi32, #tpu.memory_space<vmem>> -> memref<10000xi32, #tpu.memory_space<vmem>>
      %dma_wait3A_41 = tpu.memref_slice %arg2[%run_scoped3A, %mul3A_4] : memref<2x320000xi32, #tpu.memory_space<hbm>> -> memref<1x10000xi32, #tpu.memory_space<hbm>>
      %dma_wait3A_42 = tpu.memref_squeeze %dma_wait3A_41 : memref<1x10000xi32, #tpu.memory_space<hbm>> -> memref<10000xi32, #tpu.memory_space<hbm>>
      tpu.wait_dma2 semaphore(%run_scoped3A_28 : memref<!tpu.dma_semaphore, #tpu.memory_space<semaphore_mem>>) src(%dma_wait3A_42 : memref<10000xi32, #tpu.memory_space<hbm>>) dst(%dma_wait3A_40 : memref<10000xi32, #tpu.memory_space<vmem>>)
      tpu.yield
    }) : () -> ()
    %broadcast_in_dim3A = arith.constant 10000 : i32
    %broadcast_in_dim3A_5 = vector.broadcast %broadcast_in_dim3A : i32 to vector<16xi32>
    %scan3A = arith.constant 0 : i32
    %scan3A_6 = arith.constant 0 : i32
    %scan3A_7 = arith.constant 15 : i32
    %scan3A_8 = arith.addi %scan3A_6, %scan3A_7 : i32
    %scan3A_9 = arith.constant 1 : i32
    scf.for %scan3A_28 = %scan3A_6 to %scan3A_8 step %scan3A_9  : i32 {
      %mul3A_29 = arith.constant 16 : i32
      %mul3A_30 = arith.muli %scan3A_28, %mul3A_29 : i32
      %add3A_31 = arith.constant 10000 : i32
      %add3A_32 = arith.addi %add3A_31, %mul3A_30 : i32
      %swap3A = arith.index_cast %add3A_32 : i32 to index
      %swap3A_33 = tpu.vector_load %arg6[%swap3A] {strides = array<i32>} : memref<10240xi32, #tpu.memory_space<vmem>>, vector<16xi32>,
      %swap3A_34 = vector.shape_cast %swap3A_33 : vector<16xi32> to vector<16xi32>
      %swap3A_35 = vector.shape_cast %broadcast_in_dim3A_5 : vector<16xi32> to vector<16xi32>
      tpu.vector_store %arg6[%swap3A], %swap3A_35 {strides = array<i32>} : memref<10240xi32, #tpu.memory_space<vmem>>, vector<16xi32>,
    }
    %scan3A_10 = arith.constant 15 : i32
    %barrier3A = arith.constant 0 : index
    tpu.barrier barrier_id(%barrier3A)
    %scan3A_11 = arith.constant 0 : i32
    %scan3A_12 = arith.constant 0 : i32
    %scan3A_13 = arith.constant 40 : i32
    %scan3A_14 = arith.addi %scan3A_12, %scan3A_13 : i32
    %scan3A_15 = arith.constant 1 : i32
    scf.for %scan3A_28 = %scan3A_12 to %scan3A_14 step %scan3A_15  : i32 {
      %mul3A_29 = arith.constant 256 : i32
      %mul3A_30 = arith.muli %scan3A_28, %mul3A_29 : i32
      %dma_start3A = tpu.memref_slice %arg6[%mul3A_30] : memref<10240xi32, #tpu.memory_space<vmem>> -> memref<256xi32, #tpu.memory_space<vmem>>
      %dma_start3A_31 = arith.constant 0 : i32
      %dma_start3A_32 = arith.constant 0 : i32
      %dma_start3A_33 = tpu.memref_slice %arg9[%dma_start3A_31, %dma_start3A_32] : memref<10240x8xf32, #tpu.memory_space<vmem_shared>> -> memref<10240x8xf32, #tpu.memory_space<vmem_shared>>
      tpu.enqueue_indirect_dma source(%arg7 : memref<256x8xf32, #tpu.memory_space<vmem>>) target(%dma_start3A_33 : memref<10240x8xf32, #tpu.memory_space<vmem_shared>>) offsets(%dma_start3A : memref<256xi32, #tpu.memory_space<vmem>>) semaphore(%arg10 : memref<!tpu.dma_semaphore, #tpu.memory_space<semaphore_mem>>) {add = true}
    }
    %scan3A_16 = arith.constant 40 : i32
    %scan3A_17 = arith.constant 0 : i32
    %scan3A_18 = arith.constant 0 : i32
    %scan3A_19 = arith.constant 40 : i32
    %scan3A_20 = arith.addi %scan3A_18, %scan3A_19 : i32
    %scan3A_21 = arith.constant 1 : i32
    scf.for %scan3A_28 = %scan3A_18 to %scan3A_20 step %scan3A_21  : i32 {
      %mul3A_29 = arith.constant 256 : i32
      %mul3A_30 = arith.muli %scan3A_28, %mul3A_29 : i32
      %dma_wait3A = tpu.memref_slice %arg6[%mul3A_30] : memref<10240xi32, #tpu.memory_space<vmem>> -> memref<256xi32, #tpu.memory_space<vmem>>
      %dma_wait3A_31 = arith.constant 0 : i32
      %dma_wait3A_32 = arith.constant 0 : i32
      %dma_wait3A_33 = tpu.memref_slice %arg9[%dma_wait3A_31, %dma_wait3A_32] : memref<10240x8xf32, #tpu.memory_space<vmem_shared>> -> memref<10240x8xf32, #tpu.memory_space<vmem_shared>>
      tpu.wait_indirect_dma semaphore(%arg10 : memref<!tpu.dma_semaphore, #tpu.memory_space<semaphore_mem>>) src(%arg7 : memref<256x8xf32, #tpu.memory_space<vmem>>) dst(%dma_wait3A_33 : memref<10240x8xf32, #tpu.memory_space<vmem_shared>>)
    }
    %scan3A_22 = arith.constant 40 : i32
    %barrier3A_23 = arith.constant 0 : index
    tpu.barrier barrier_id(%barrier3A_23)
    %mul3A_24 = arith.constant 640 : i32
    %mul3A_25 = arith.muli %arg1, %mul3A_24 : i32
    "tpu.region"() ({
      %run_scoped3A_28 = tpu.sem_alloc : memref<!tpu.dma_semaphore, #tpu.memory_space<semaphore_mem>>
      %dma_start3A = arith.constant 0 : i32
      %dma_start3A_29 = tpu.memref_slice %arg9[%mul3A_25, %dma_start3A] : memref<10240x8xf32, #tpu.memory_space<vmem_shared>> -> memref<640x8xf32, #tpu.memory_space<vmem_shared>>
      %dma_start3A_30 = arith.constant 0 : i32
      %dma_start3A_31 = tpu.memref_slice %arg9[%mul3A_25, %dma_start3A_30] : memref<10240x8xf32, #tpu.memory_space<vmem_shared>> -> memref<640x8xf32, #tpu.memory_space<vmem_shared>>
      tpu.enqueue_dma source(%dma_start3A_31 : memref<640x8xf32, #tpu.memory_space<vmem_shared>>) target(%arg8 : memref<640x8xf32, #tpu.memory_space<vmem>>) target_semaphore(%run_scoped3A_28 : memref<!tpu.dma_semaphore, #tpu.memory_space<semaphore_mem>>)
      %dma_wait3A = arith.constant 0 : i32
      %dma_wait3A_32 = tpu.memref_slice %arg9[%mul3A_25, %dma_wait3A] : memref<10240x8xf32, #tpu.memory_space<vmem_shared>> -> memref<640x8xf32, #tpu.memory_space<vmem_shared>>
      %dma_wait3A_33 = arith.constant 0 : i32
      %dma_wait3A_34 = tpu.memref_slice %arg9[%mul3A_25, %dma_wait3A_33] : memref<10240x8xf32, #tpu.memory_space<vmem_shared>> -> memref<640x8xf32, #tpu.memory_space<vmem_shared>>
      tpu.wait_dma2 semaphore(%run_scoped3A_28 : memref<!tpu.dma_semaphore, #tpu.memory_space<semaphore_mem>>) src(%dma_wait3A_34 : memref<640x8xf32, #tpu.memory_space<vmem_shared>>) dst(%arg8 : memref<640x8xf32, #tpu.memory_space<vmem>>)
      tpu.yield
    }) : () -> ()
    %mul3A_26 = arith.constant 640 : i32
    %mul3A_27 = arith.muli %arg1, %mul3A_26 : i32
    "tpu.region"() ({
      %run_scoped3A_28 = tpu.sem_alloc : memref<!tpu.dma_semaphore, #tpu.memory_space<semaphore_mem>>
      %dma_start3A = arith.constant 0 : i32
      %dma_start3A_29 = tpu.memref_slice %arg5[%arg0, %mul3A_27, %dma_start3A] : memref<2x10240x8xf32, #tpu.memory_space<hbm>> -> memref<1x640x8xf32, #tpu.memory_space<hbm>>
      %dma_start3A_30 = tpu.memref_squeeze %dma_start3A_29 : memref<1x640x8xf32, #tpu.memory_space<hbm>> -> memref<640x8xf32, #tpu.memory_space<hbm>>
      %dma_start3A_31 = arith.constant 0 : i32
      %dma_start3A_32 = tpu.memref_slice %arg5[%arg0, %mul3A_27, %dma_start3A_31] : memref<2x10240x8xf32, #tpu.memory_space<hbm>> -> memref<1x640x8xf32, #tpu.memory_space<hbm>>
      %dma_start3A_33 = tpu.memref_squeeze %dma_start3A_32 : memref<1x640x8xf32, #tpu.memory_space<hbm>> -> memref<640x8xf32, #tpu.memory_space<hbm>>
      tpu.enqueue_dma source(%arg8 : memref<640x8xf32, #tpu.memory_space<vmem>>) target(%dma_start3A_33 : memref<640x8xf32, #tpu.memory_space<hbm>>) target_semaphore(%run_scoped3A_28 : memref<!tpu.dma_semaphore, #tpu.memory_space<semaphore_mem>>)
      %dma_wait3A = arith.constant 0 : i32
      %dma_wait3A_34 = tpu.memref_slice %arg5[%arg0, %mul3A_27, %dma_wait3A] : memref<2x10240x8xf32, #tpu.memory_space<hbm>> -> memref<1x640x8xf32, #tpu.memory_space<hbm>>
      %dma_wait3A_35 = tpu.memref_squeeze %dma_wait3A_34 : memref<1x640x8xf32, #tpu.memory_space<hbm>> -> memref<640x8xf32, #tpu.memory_space<hbm>>
      %dma_wait3A_36 = arith.constant 0 : i32
      %dma_wait3A_37 = tpu.memref_slice %arg5[%arg0, %mul3A_27, %dma_wait3A_36] : memref<2x10240x8xf32, #tpu.memory_space<hbm>> -> memref<1x640x8xf32, #tpu.memory_space<hbm>>
      %dma_wait3A_38 = tpu.memref_squeeze %dma_wait3A_37 : memref<1x640x8xf32, #tpu.memory_space<hbm>> -> memref<640x8xf32, #tpu.memory_space<hbm>>
      tpu.wait_dma2 semaphore(%run_scoped3A_28 : memref<!tpu.dma_semaphore, #tpu.memory_space<semaphore_mem>>) src(%arg8 : memref<640x8xf32, #tpu.memory_space<vmem>>) dst(%dma_wait3A_38 : memref<640x8xf32, #tpu.memory_space<hbm>>)
      tpu.yield
    }) : () -> ()
    return
  }
}

#map = affine_map<(d0, d1) -> (0, 0)>
#map1 = affine_map<(d0, d1) -> (0, 0, 0)>
module attributes {stable_mosaic.version = 14 : i64} {
  func.func @_scatter_kernel(%arg0: i32, %arg1: i32, %arg2: memref<10240x32xf32, #tpu.memory_space<hbm>>, %arg3: memref<2x320000xi32, #tpu.memory_space<hbm>>, %arg4: memref<640x32xf32, #tpu.memory_space<hbm>>, %arg5: memref<2x10240x32xf32, #tpu.memory_space<hbm>>, %arg6: memref<10240xi32, #tpu.memory_space<vmem>>, %arg7: memref<10240xi32, #tpu.memory_space<vmem>>, %arg8: memref<256x32xf32, #tpu.memory_space<vmem>>, %arg9: memref<256x32xf32, #tpu.memory_space<vmem>>, %arg10: memref<256x32xf32, #tpu.memory_space<vmem>>, %arg11: memref<256x32xf32, #tpu.memory_space<vmem>>, %arg12: memref<10240x32xf32, #tpu.memory_space<vmem_shared>>, %arg13: memref<10240x32xf32, #tpu.memory_space<vmem_shared>>, %arg14: memref<!tpu.dma_semaphore, #tpu.memory_space<semaphore_mem>>, %arg15: memref<!tpu.dma_semaphore, #tpu.memory_space<semaphore_mem>>, %arg16: memref<!tpu.dma_semaphore, #tpu.memory_space<semaphore_mem>>, %arg17: memref<!tpu.dma_semaphore, #tpu.memory_space<semaphore_mem>>, %arg18: memref<!tpu.dma_semaphore, #tpu.memory_space<semaphore_mem>>, %arg19: memref<!tpu.dma_semaphore, #tpu.memory_space<semaphore_mem>>, %arg20: memref<!tpu.dma_semaphore, #tpu.memory_space<semaphore_mem>>, %arg21: memref<!tpu.dma_semaphore, #tpu.memory_space<semaphore_mem>>) attributes {dimension_semantics = [#tpu.dimension_semantics<core_parallel>, #tpu.dimension_semantics<subcore_parallel>], iteration_bounds = array<i64: 2, 16>, scalar_prefetch = 0 : i64, scratch_operands = 16 : i64, tpu.core_type = #tpu.core_type<sc_vector_subcore>, window_params = [{transform_indices = #map}, {transform_indices = #map}, {transform_indices = #map}, {transform_indices = #map1}]} {
    %mul3A = arith.constant 2 : i32
    %mul3A_0 = arith.muli %arg1, %mul3A : i32
    %add3A = arith.addi %mul3A_0, %arg0 : i32
    %mul3A_1 = arith.constant 640 : i32
    %mul3A_2 = arith.muli %arg1, %mul3A_1 : i32
    %dma_start3A = arith.constant 0 : i32
    %dma_start3A_3 = tpu.memref_slice %arg12[%mul3A_2, %dma_start3A] : memref<10240x32xf32, #tpu.memory_space<vmem_shared>> -> memref<640x32xf32, #tpu.memory_space<vmem_shared>>
    tpu.enqueue_dma source(%arg4 : memref<640x32xf32, #tpu.memory_space<hbm>>) target(%dma_start3A_3 : memref<640x32xf32, #tpu.memory_space<vmem_shared>>) target_semaphore(%arg14 : memref<!tpu.dma_semaphore, #tpu.memory_space<semaphore_mem>>)
    %mul3A_4 = arith.constant 640 : i32
    %mul3A_5 = arith.muli %arg1, %mul3A_4 : i32
    %mul3A_6 = arith.constant 640 : i32
    %mul3A_7 = arith.muli %arg1, %mul3A_6 : i32
    %dma_start3A_8 = arith.constant 0 : i32
    %dma_start3A_9 = tpu.memref_slice %arg13[%mul3A_7, %dma_start3A_8] : memref<10240x32xf32, #tpu.memory_space<vmem_shared>> -> memref<640x32xf32, #tpu.memory_space<vmem_shared>>
    %dma_start3A_10 = arith.constant 0 : i32
    %dma_start3A_11 = tpu.memref_slice %arg2[%mul3A_5, %dma_start3A_10] : memref<10240x32xf32, #tpu.memory_space<hbm>> -> memref<640x32xf32, #tpu.memory_space<hbm>>
    tpu.enqueue_dma source(%dma_start3A_11 : memref<640x32xf32, #tpu.memory_space<hbm>>) target(%dma_start3A_9 : memref<640x32xf32, #tpu.memory_space<vmem_shared>>) target_semaphore(%arg15 : memref<!tpu.dma_semaphore, #tpu.memory_space<semaphore_mem>>)
    %mul3A_12 = arith.constant 10000 : i32
    %mul3A_13 = arith.muli %add3A, %mul3A_12 : i32
    %dma_start3A_14 = arith.constant 0 : i32
    %dma_start3A_15 = arith.constant 0 : i32
    %dma_start3A_16 = tpu.memref_slice %arg6[%dma_start3A_15] : memref<10240xi32, #tpu.memory_space<vmem>> -> memref<10000xi32, #tpu.memory_space<vmem>>
    %dma_start3A_17 = tpu.memref_slice %arg3[%dma_start3A_14, %mul3A_13] : memref<2x320000xi32, #tpu.memory_space<hbm>> -> memref<1x10000xi32, #tpu.memory_space<hbm>>
    %dma_start3A_18 = tpu.memref_squeeze %dma_start3A_17 : memref<1x10000xi32, #tpu.memory_space<hbm>> -> memref<10000xi32, #tpu.memory_space<hbm>>
    %dma_start3A_19 = arith.constant 0 : i32
    %dma_start3A_20 = tpu.memref_slice %arg6[%dma_start3A_19] : memref<10240xi32, #tpu.memory_space<vmem>> -> memref<10000xi32, #tpu.memory_space<vmem>>
    %dma_start3A_21 = tpu.memref_slice %arg3[%dma_start3A_14, %mul3A_13] : memref<2x320000xi32, #tpu.memory_space<hbm>> -> memref<1x10000xi32, #tpu.memory_space<hbm>>
    %dma_start3A_22 = tpu.memref_squeeze %dma_start3A_21 : memref<1x10000xi32, #tpu.memory_space<hbm>> -> memref<10000xi32, #tpu.memory_space<hbm>>
    tpu.enqueue_dma source(%dma_start3A_22 : memref<10000xi32, #tpu.memory_space<hbm>>) target(%dma_start3A_20 : memref<10000xi32, #tpu.memory_space<vmem>>) target_semaphore(%arg16 : memref<!tpu.dma_semaphore, #tpu.memory_space<semaphore_mem>>)
    %mul3A_23 = arith.constant 10000 : i32
    %mul3A_24 = arith.muli %add3A, %mul3A_23 : i32
    %dma_start3A_25 = arith.constant 1 : i32
    %dma_start3A_26 = arith.constant 0 : i32
    %dma_start3A_27 = tpu.memref_slice %arg7[%dma_start3A_26] : memref<10240xi32, #tpu.memory_space<vmem>> -> memref<10000xi32, #tpu.memory_space<vmem>>
    %dma_start3A_28 = tpu.memref_slice %arg3[%dma_start3A_25, %mul3A_24] : memref<2x320000xi32, #tpu.memory_space<hbm>> -> memref<1x10000xi32, #tpu.memory_space<hbm>>
    %dma_start3A_29 = tpu.memref_squeeze %dma_start3A_28 : memref<1x10000xi32, #tpu.memory_space<hbm>> -> memref<10000xi32, #tpu.memory_space<hbm>>
    %dma_start3A_30 = arith.constant 0 : i32
    %dma_start3A_31 = tpu.memref_slice %arg7[%dma_start3A_30] : memref<10240xi32, #tpu.memory_space<vmem>> -> memref<10000xi32, #tpu.memory_space<vmem>>
    %dma_start3A_32 = tpu.memref_slice %arg3[%dma_start3A_25, %mul3A_24] : memref<2x320000xi32, #tpu.memory_space<hbm>> -> memref<1x10000xi32, #tpu.memory_space<hbm>>
    %dma_start3A_33 = tpu.memref_squeeze %dma_start3A_32 : memref<1x10000xi32, #tpu.memory_space<hbm>> -> memref<10000xi32, #tpu.memory_space<hbm>>
    tpu.enqueue_dma source(%dma_start3A_33 : memref<10000xi32, #tpu.memory_space<hbm>>) target(%dma_start3A_31 : memref<10000xi32, #tpu.memory_space<vmem>>) target_semaphore(%arg17 : memref<!tpu.dma_semaphore, #tpu.memory_space<semaphore_mem>>)
    %broadcast_in_dim3A = arith.constant 10000 : i32
    %broadcast_in_dim3A_34 = vector.broadcast %broadcast_in_dim3A : i32 to vector<16xi32>
    %scan3A = arith.constant 0 : i32
    %scan3A_35 = arith.constant 0 : i32
    %scan3A_36 = arith.constant 15 : i32
    %scan3A_37 = arith.addi %scan3A_35, %scan3A_36 : i32
    %scan3A_38 = arith.constant 1 : i32
    scf.for %scan3A_114 = %scan3A_35 to %scan3A_37 step %scan3A_38  : i32 {
      %mul3A_115 = arith.constant 16 : i32
      %mul3A_116 = arith.muli %scan3A_114, %mul3A_115 : i32
      %add3A_117 = arith.constant 10000 : i32
      %add3A_118 = arith.addi %add3A_117, %mul3A_116 : i32
      %swap3A = arith.index_cast %add3A_118 : i32 to index
      %swap3A_119 = tpu.vector_load %arg6[%swap3A] {strides = array<i32>} : memref<10240xi32, #tpu.memory_space<vmem>>, vector<16xi32>,
      %swap3A_120 = vector.shape_cast %swap3A_119 : vector<16xi32> to vector<16xi32>
      %swap3A_121 = vector.shape_cast %broadcast_in_dim3A_34 : vector<16xi32> to vector<16xi32>
      tpu.vector_store %arg6[%swap3A], %swap3A_121 {strides = array<i32>} : memref<10240xi32, #tpu.memory_space<vmem>>, vector<16xi32>,
      %mul3A_122 = arith.constant 16 : i32
      %mul3A_123 = arith.muli %scan3A_114, %mul3A_122 : i32
      %add3A_124 = arith.constant 10000 : i32
      %add3A_125 = arith.addi %add3A_124, %mul3A_123 : i32
      %swap3A_126 = arith.index_cast %add3A_125 : i32 to index
      %swap3A_127 = tpu.vector_load %arg7[%swap3A_126] {strides = array<i32>} : memref<10240xi32, #tpu.memory_space<vmem>>, vector<16xi32>,
      %swap3A_128 = vector.shape_cast %swap3A_127 : vector<16xi32> to vector<16xi32>
      %swap3A_129 = vector.shape_cast %broadcast_in_dim3A_34 : vector<16xi32> to vector<16xi32>
      tpu.vector_store %arg7[%swap3A_126], %swap3A_129 {strides = array<i32>} : memref<10240xi32, #tpu.memory_space<vmem>>, vector<16xi32>,
    }
    %scan3A_39 = arith.constant 15 : i32
    %dma_wait3A = arith.constant 0 : i32
    %dma_wait3A_40 = tpu.memref_slice %arg12[%mul3A_2, %dma_wait3A] : memref<10240x32xf32, #tpu.memory_space<vmem_shared>> -> memref<640x32xf32, #tpu.memory_space<vmem_shared>>
    tpu.wait_dma2 semaphore(%arg14 : memref<!tpu.dma_semaphore, #tpu.memory_space<semaphore_mem>>) src(%arg4 : memref<640x32xf32, #tpu.memory_space<hbm>>) dst(%dma_wait3A_40 : memref<640x32xf32, #tpu.memory_space<vmem_shared>>)
    %dma_wait3A_41 = arith.constant 0 : i32
    %dma_wait3A_42 = tpu.memref_slice %arg13[%mul3A_7, %dma_wait3A_41] : memref<10240x32xf32, #tpu.memory_space<vmem_shared>> -> memref<640x32xf32, #tpu.memory_space<vmem_shared>>
    %dma_wait3A_43 = arith.constant 0 : i32
    %dma_wait3A_44 = tpu.memref_slice %arg2[%mul3A_5, %dma_wait3A_43] : memref<10240x32xf32, #tpu.memory_space<hbm>> -> memref<640x32xf32, #tpu.memory_space<hbm>>
    tpu.wait_dma2 semaphore(%arg15 : memref<!tpu.dma_semaphore, #tpu.memory_space<semaphore_mem>>) src(%dma_wait3A_44 : memref<640x32xf32, #tpu.memory_space<hbm>>) dst(%dma_wait3A_42 : memref<640x32xf32, #tpu.memory_space<vmem_shared>>)
    %dma_wait3A_45 = arith.constant 0 : i32
    %dma_wait3A_46 = arith.constant 0 : i32
    %dma_wait3A_47 = tpu.memref_slice %arg6[%dma_wait3A_46] : memref<10240xi32, #tpu.memory_space<vmem>> -> memref<10000xi32, #tpu.memory_space<vmem>>
    %dma_wait3A_48 = tpu.memref_slice %arg3[%dma_wait3A_45, %mul3A_13] : memref<2x320000xi32, #tpu.memory_space<hbm>> -> memref<1x10000xi32, #tpu.memory_space<hbm>>
    %dma_wait3A_49 = tpu.memref_squeeze %dma_wait3A_48 : memref<1x10000xi32, #tpu.memory_space<hbm>> -> memref<10000xi32, #tpu.memory_space<hbm>>
    %dma_wait3A_50 = arith.constant 0 : i32
    %dma_wait3A_51 = tpu.memref_slice %arg6[%dma_wait3A_50] : memref<10240xi32, #tpu.memory_space<vmem>> -> memref<10000xi32, #tpu.memory_space<vmem>>
    %dma_wait3A_52 = tpu.memref_slice %arg3[%dma_wait3A_45, %mul3A_13] : memref<2x320000xi32, #tpu.memory_space<hbm>> -> memref<1x10000xi32, #tpu.memory_space<hbm>>
    %dma_wait3A_53 = tpu.memref_squeeze %dma_wait3A_52 : memref<1x10000xi32, #tpu.memory_space<hbm>> -> memref<10000xi32, #tpu.memory_space<hbm>>
    tpu.wait_dma2 semaphore(%arg16 : memref<!tpu.dma_semaphore, #tpu.memory_space<semaphore_mem>>) src(%dma_wait3A_53 : memref<10000xi32, #tpu.memory_space<hbm>>) dst(%dma_wait3A_51 : memref<10000xi32, #tpu.memory_space<vmem>>)
    %dma_wait3A_54 = arith.constant 1 : i32
    %dma_wait3A_55 = arith.constant 0 : i32
    %dma_wait3A_56 = tpu.memref_slice %arg7[%dma_wait3A_55] : memref<10240xi32, #tpu.memory_space<vmem>> -> memref<10000xi32, #tpu.memory_space<vmem>>
    %dma_wait3A_57 = tpu.memref_slice %arg3[%dma_wait3A_54, %mul3A_24] : memref<2x320000xi32, #tpu.memory_space<hbm>> -> memref<1x10000xi32, #tpu.memory_space<hbm>>
    %dma_wait3A_58 = tpu.memref_squeeze %dma_wait3A_57 : memref<1x10000xi32, #tpu.memory_space<hbm>> -> memref<10000xi32, #tpu.memory_space<hbm>>
    %dma_wait3A_59 = arith.constant 0 : i32
    %dma_wait3A_60 = tpu.memref_slice %arg7[%dma_wait3A_59] : memref<10240xi32, #tpu.memory_space<vmem>> -> memref<10000xi32, #tpu.memory_space<vmem>>
    %dma_wait3A_61 = tpu.memref_slice %arg3[%dma_wait3A_54, %mul3A_24] : memref<2x320000xi32, #tpu.memory_space<hbm>> -> memref<1x10000xi32, #tpu.memory_space<hbm>>
    %dma_wait3A_62 = tpu.memref_squeeze %dma_wait3A_61 : memref<1x10000xi32, #tpu.memory_space<hbm>> -> memref<10000xi32, #tpu.memory_space<hbm>>
    tpu.wait_dma2 semaphore(%arg17 : memref<!tpu.dma_semaphore, #tpu.memory_space<semaphore_mem>>) src(%dma_wait3A_62 : memref<10000xi32, #tpu.memory_space<hbm>>) dst(%dma_wait3A_60 : memref<10000xi32, #tpu.memory_space<vmem>>)
    %barrier3A = arith.constant 0 : index
    tpu.barrier barrier_id(%barrier3A)
    %dma_start3A_63 = arith.constant 0 : i32
    %dma_start3A_64 = tpu.memref_slice %arg6[%dma_start3A_63] : memref<10240xi32, #tpu.memory_space<vmem>> -> memref<256xi32, #tpu.memory_space<vmem>>
    %dma_start3A_65 = arith.constant 0 : i32
    %dma_start3A_66 = arith.constant 0 : i32
    %dma_start3A_67 = tpu.memref_slice %arg13[%dma_start3A_65, %dma_start3A_66] : memref<10240x32xf32, #tpu.memory_space<vmem_shared>> -> memref<10240x32xf32, #tpu.memory_space<vmem_shared>>
    tpu.enqueue_indirect_dma source(%dma_start3A_67 : memref<10240x32xf32, #tpu.memory_space<vmem_shared>>) target(%arg8 : memref<256x32xf32, #tpu.memory_space<vmem>>) offsets(%dma_start3A_64 : memref<256xi32, #tpu.memory_space<vmem>>) semaphore(%arg14 : memref<!tpu.dma_semaphore, #tpu.memory_space<semaphore_mem>>)
    %dma_start3A_68 = arith.constant 256 : i32
    %dma_start3A_69 = tpu.memref_slice %arg6[%dma_start3A_68] : memref<10240xi32, #tpu.memory_space<vmem>> -> memref<256xi32, #tpu.memory_space<vmem>>
    %dma_start3A_70 = arith.constant 0 : i32
    %dma_start3A_71 = arith.constant 0 : i32
    %dma_start3A_72 = tpu.memref_slice %arg13[%dma_start3A_70, %dma_start3A_71] : memref<10240x32xf32, #tpu.memory_space<vmem_shared>> -> memref<10240x32xf32, #tpu.memory_space<vmem_shared>>
    tpu.enqueue_indirect_dma source(%dma_start3A_72 : memref<10240x32xf32, #tpu.memory_space<vmem_shared>>) target(%arg9 : memref<256x32xf32, #tpu.memory_space<vmem>>) offsets(%dma_start3A_69 : memref<256xi32, #tpu.memory_space<vmem>>) semaphore(%arg15 : memref<!tpu.dma_semaphore, #tpu.memory_space<semaphore_mem>>)
    %dma_start3A_73 = arith.constant 512 : i32
    %dma_start3A_74 = tpu.memref_slice %arg6[%dma_start3A_73] : memref<10240xi32, #tpu.memory_space<vmem>> -> memref<256xi32, #tpu.memory_space<vmem>>
    %dma_start3A_75 = arith.constant 0 : i32
    %dma_start3A_76 = arith.constant 0 : i32
    %dma_start3A_77 = tpu.memref_slice %arg13[%dma_start3A_75, %dma_start3A_76] : memref<10240x32xf32, #tpu.memory_space<vmem_shared>> -> memref<10240x32xf32, #tpu.memory_space<vmem_shared>>
    tpu.enqueue_indirect_dma source(%dma_start3A_77 : memref<10240x32xf32, #tpu.memory_space<vmem_shared>>) target(%arg10 : memref<256x32xf32, #tpu.memory_space<vmem>>) offsets(%dma_start3A_74 : memref<256xi32, #tpu.memory_space<vmem>>) semaphore(%arg16 : memref<!tpu.dma_semaphore, #tpu.memory_space<semaphore_mem>>)
    %dma_start3A_78 = arith.constant 768 : i32
    %dma_start3A_79 = tpu.memref_slice %arg6[%dma_start3A_78] : memref<10240xi32, #tpu.memory_space<vmem>> -> memref<256xi32, #tpu.memory_space<vmem>>
    %dma_start3A_80 = arith.constant 0 : i32
    %dma_start3A_81 = arith.constant 0 : i32
    %dma_start3A_82 = tpu.memref_slice %arg13[%dma_start3A_80, %dma_start3A_81] : memref<10240x32xf32, #tpu.memory_space<vmem_shared>> -> memref<10240x32xf32, #tpu.memory_space<vmem_shared>>
    tpu.enqueue_indirect_dma source(%dma_start3A_82 : memref<10240x32xf32, #tpu.memory_space<vmem_shared>>) target(%arg11 : memref<256x32xf32, #tpu.memory_space<vmem>>) offsets(%dma_start3A_79 : memref<256xi32, #tpu.memory_space<vmem>>) semaphore(%arg17 : memref<!tpu.dma_semaphore, #tpu.memory_space<semaphore_mem>>)
    %scan3A_83 = arith.constant 0 : i32
    %scan3A_84 = arith.constant 0 : i32
    %scan3A_85 = arith.constant 10 : i32
    %scan3A_86 = arith.addi %scan3A_84, %scan3A_85 : i32
    %scan3A_87 = arith.constant 1 : i32
    scf.for %scan3A_114 = %scan3A_84 to %scan3A_86 step %scan3A_87  : i32 {
      %mul3A_115 = arith.constant 4 : i32
      %mul3A_116 = arith.muli %scan3A_114, %mul3A_115 : i32
      %add3A_117 = arith.constant 0 : i32
      %add3A_118 = arith.addi %mul3A_116, %add3A_117 : i32
      %mul3A_119 = arith.constant 256 : i32
      %mul3A_120 = arith.muli %add3A_118, %mul3A_119 : i32
      %dma_wait3A_121 = tpu.memref_slice %arg6[%mul3A_120] : memref<10240xi32, #tpu.memory_space<vmem>> -> memref<256xi32, #tpu.memory_space<vmem>>
      %dma_wait3A_122 = arith.constant 0 : i32
      %dma_wait3A_123 = arith.constant 0 : i32
      %dma_wait3A_124 = tpu.memref_slice %arg13[%dma_wait3A_122, %dma_wait3A_123] : memref<10240x32xf32, #tpu.memory_space<vmem_shared>> -> memref<10240x32xf32, #tpu.memory_space<vmem_shared>>
      tpu.wait_indirect_dma semaphore(%arg14 : memref<!tpu.dma_semaphore, #tpu.memory_space<semaphore_mem>>) src(%dma_wait3A_124 : memref<10240x32xf32, #tpu.memory_space<vmem_shared>>) dst(%arg8 : memref<256x32xf32, #tpu.memory_space<vmem>>)
      %add3A_125 = arith.constant 0 : i32
      %add3A_126 = arith.addi %mul3A_116, %add3A_125 : i32
      %mul3A_127 = arith.constant 256 : i32
      %mul3A_128 = arith.muli %add3A_126, %mul3A_127 : i32
      %dma_start3A_129 = tpu.memref_slice %arg7[%mul3A_128] : memref<10240xi32, #tpu.memory_space<vmem>> -> memref<256xi32, #tpu.memory_space<vmem>>
      %dma_start3A_130 = arith.constant 0 : i32
      %dma_start3A_131 = arith.constant 0 : i32
      %dma_start3A_132 = tpu.memref_slice %arg12[%dma_start3A_130, %dma_start3A_131] : memref<10240x32xf32, #tpu.memory_space<vmem_shared>> -> memref<10240x32xf32, #tpu.memory_space<vmem_shared>>
      tpu.enqueue_indirect_dma source(%arg8 : memref<256x32xf32, #tpu.memory_space<vmem>>) target(%dma_start3A_132 : memref<10240x32xf32, #tpu.memory_space<vmem_shared>>) offsets(%dma_start3A_129 : memref<256xi32, #tpu.memory_space<vmem>>) semaphore(%arg18 : memref<!tpu.dma_semaphore, #tpu.memory_space<semaphore_mem>>) {add = true}
      %add3A_133 = arith.constant 1 : i32
      %add3A_134 = arith.addi %mul3A_116, %add3A_133 : i32
      %mul3A_135 = arith.constant 256 : i32
      %mul3A_136 = arith.muli %add3A_134, %mul3A_135 : i32
      %dma_wait3A_137 = tpu.memref_slice %arg6[%mul3A_136] : memref<10240xi32, #tpu.memory_space<vmem>> -> memref<256xi32, #tpu.memory_space<vmem>>
      %dma_wait3A_138 = arith.constant 0 : i32
      %dma_wait3A_139 = arith.constant 0 : i32
      %dma_wait3A_140 = tpu.memref_slice %arg13[%dma_wait3A_138, %dma_wait3A_139] : memref<10240x32xf32, #tpu.memory_space<vmem_shared>> -> memref<10240x32xf32, #tpu.memory_space<vmem_shared>>
      tpu.wait_indirect_dma semaphore(%arg15 : memref<!tpu.dma_semaphore, #tpu.memory_space<semaphore_mem>>) src(%dma_wait3A_140 : memref<10240x32xf32, #tpu.memory_space<vmem_shared>>) dst(%arg9 : memref<256x32xf32, #tpu.memory_space<vmem>>)
      %add3A_141 = arith.constant 1 : i32
      %add3A_142 = arith.addi %mul3A_116, %add3A_141 : i32
      %mul3A_143 = arith.constant 256 : i32
      %mul3A_144 = arith.muli %add3A_142, %mul3A_143 : i32
      %dma_start3A_145 = tpu.memref_slice %arg7[%mul3A_144] : memref<10240xi32, #tpu.memory_space<vmem>> -> memref<256xi32, #tpu.memory_space<vmem>>
      %dma_start3A_146 = arith.constant 0 : i32
      %dma_start3A_147 = arith.constant 0 : i32
      %dma_start3A_148 = tpu.memref_slice %arg12[%dma_start3A_146, %dma_start3A_147] : memref<10240x32xf32, #tpu.memory_space<vmem_shared>> -> memref<10240x32xf32, #tpu.memory_space<vmem_shared>>
      tpu.enqueue_indirect_dma source(%arg9 : memref<256x32xf32, #tpu.memory_space<vmem>>) target(%dma_start3A_148 : memref<10240x32xf32, #tpu.memory_space<vmem_shared>>) offsets(%dma_start3A_145 : memref<256xi32, #tpu.memory_space<vmem>>) semaphore(%arg19 : memref<!tpu.dma_semaphore, #tpu.memory_space<semaphore_mem>>) {add = true}
      %add3A_149 = arith.constant 2 : i32
      %add3A_150 = arith.addi %mul3A_116, %add3A_149 : i32
      %mul3A_151 = arith.constant 256 : i32
      %mul3A_152 = arith.muli %add3A_150, %mul3A_151 : i32
      %dma_wait3A_153 = tpu.memref_slice %arg6[%mul3A_152] : memref<10240xi32, #tpu.memory_space<vmem>> -> memref<256xi32, #tpu.memory_space<vmem>>
      %dma_wait3A_154 = arith.constant 0 : i32
      %dma_wait3A_155 = arith.constant 0 : i32
      %dma_wait3A_156 = tpu.memref_slice %arg13[%dma_wait3A_154, %dma_wait3A_155] : memref<10240x32xf32, #tpu.memory_space<vmem_shared>> -> memref<10240x32xf32, #tpu.memory_space<vmem_shared>>
      tpu.wait_indirect_dma semaphore(%arg16 : memref<!tpu.dma_semaphore, #tpu.memory_space<semaphore_mem>>) src(%dma_wait3A_156 : memref<10240x32xf32, #tpu.memory_space<vmem_shared>>) dst(%arg10 : memref<256x32xf32, #tpu.memory_space<vmem>>)
      %add3A_157 = arith.constant 2 : i32
      %add3A_158 = arith.addi %mul3A_116, %add3A_157 : i32
      %mul3A_159 = arith.constant 256 : i32
      %mul3A_160 = arith.muli %add3A_158, %mul3A_159 : i32
      %dma_start3A_161 = tpu.memref_slice %arg7[%mul3A_160] : memref<10240xi32, #tpu.memory_space<vmem>> -> memref<256xi32, #tpu.memory_space<vmem>>
      %dma_start3A_162 = arith.constant 0 : i32
      %dma_start3A_163 = arith.constant 0 : i32
      %dma_start3A_164 = tpu.memref_slice %arg12[%dma_start3A_162, %dma_start3A_163] : memref<10240x32xf32, #tpu.memory_space<vmem_shared>> -> memref<10240x32xf32, #tpu.memory_space<vmem_shared>>
      tpu.enqueue_indirect_dma source(%arg10 : memref<256x32xf32, #tpu.memory_space<vmem>>) target(%dma_start3A_164 : memref<10240x32xf32, #tpu.memory_space<vmem_shared>>) offsets(%dma_start3A_161 : memref<256xi32, #tpu.memory_space<vmem>>) semaphore(%arg20 : memref<!tpu.dma_semaphore, #tpu.memory_space<semaphore_mem>>) {add = true}
      %add3A_165 = arith.constant 3 : i32
      %add3A_166 = arith.addi %mul3A_116, %add3A_165 : i32
      %mul3A_167 = arith.constant 256 : i32
      %mul3A_168 = arith.muli %add3A_166, %mul3A_167 : i32
      %dma_wait3A_169 = tpu.memref_slice %arg6[%mul3A_168] : memref<10240xi32, #tpu.memory_space<vmem>> -> memref<256xi32, #tpu.memory_space<vmem>>
      %dma_wait3A_170 = arith.constant 0 : i32
      %dma_wait3A_171 = arith.constant 0 : i32
      %dma_wait3A_172 = tpu.memref_slice %arg13[%dma_wait3A_170, %dma_wait3A_171] : memref<10240x32xf32, #tpu.memory_space<vmem_shared>> -> memref<10240x32xf32, #tpu.memory_space<vmem_shared>>
      tpu.wait_indirect_dma semaphore(%arg17 : memref<!tpu.dma_semaphore, #tpu.memory_space<semaphore_mem>>) src(%dma_wait3A_172 : memref<10240x32xf32, #tpu.memory_space<vmem_shared>>) dst(%arg11 : memref<256x32xf32, #tpu.memory_space<vmem>>)
      %add3A_173 = arith.constant 3 : i32
      %add3A_174 = arith.addi %mul3A_116, %add3A_173 : i32
      %mul3A_175 = arith.constant 256 : i32
      %mul3A_176 = arith.muli %add3A_174, %mul3A_175 : i32
      %dma_start3A_177 = tpu.memref_slice %arg7[%mul3A_176] : memref<10240xi32, #tpu.memory_space<vmem>> -> memref<256xi32, #tpu.memory_space<vmem>>
      %dma_start3A_178 = arith.constant 0 : i32
      %dma_start3A_179 = arith.constant 0 : i32
      %dma_start3A_180 = tpu.memref_slice %arg12[%dma_start3A_178, %dma_start3A_179] : memref<10240x32xf32, #tpu.memory_space<vmem_shared>> -> memref<10240x32xf32, #tpu.memory_space<vmem_shared>>
      tpu.enqueue_indirect_dma source(%arg11 : memref<256x32xf32, #tpu.memory_space<vmem>>) target(%dma_start3A_180 : memref<10240x32xf32, #tpu.memory_space<vmem_shared>>) offsets(%dma_start3A_177 : memref<256xi32, #tpu.memory_space<vmem>>) semaphore(%arg21 : memref<!tpu.dma_semaphore, #tpu.memory_space<semaphore_mem>>) {add = true}
      %lt3A = arith.constant 9 : i32
      %lt3A_181 = arith.cmpi slt, %scan3A_114, %lt3A : i32
      %convert_element_type3A = arith.extui %lt3A_181 : i1 to i32
      %cond3A = arith.constant 0 : i32
      %cond3A_182 = arith.cmpi ne, %convert_element_type3A, %cond3A : i32
      scf.if %cond3A_182 {
        %add3A_183 = arith.constant 0 : i32
        %add3A_184 = arith.addi %mul3A_116, %add3A_183 : i32
        %mul3A_185 = arith.constant 256 : i32
        %mul3A_186 = arith.muli %add3A_184, %mul3A_185 : i32
        %dma_wait3A_187 = tpu.memref_slice %arg7[%mul3A_186] : memref<10240xi32, #tpu.memory_space<vmem>> -> memref<256xi32, #tpu.memory_space<vmem>>
        %dma_wait3A_188 = arith.constant 0 : i32
        %dma_wait3A_189 = arith.constant 0 : i32
        %dma_wait3A_190 = tpu.memref_slice %arg12[%dma_wait3A_188, %dma_wait3A_189] : memref<10240x32xf32, #tpu.memory_space<vmem_shared>> -> memref<10240x32xf32, #tpu.memory_space<vmem_shared>>
        tpu.wait_indirect_dma semaphore(%arg18 : memref<!tpu.dma_semaphore, #tpu.memory_space<semaphore_mem>>) src(%arg8 : memref<256x32xf32, #tpu.memory_space<vmem>>) dst(%dma_wait3A_190 : memref<10240x32xf32, #tpu.memory_space<vmem_shared>>)
        %add3A_191 = arith.constant 0 : i32
        %add3A_192 = arith.addi %mul3A_116, %add3A_191 : i32
        %add3A_193 = arith.constant 4 : i32
        %add3A_194 = arith.addi %add3A_192, %add3A_193 : i32
        %mul3A_195 = arith.constant 256 : i32
        %mul3A_196 = arith.muli %add3A_194, %mul3A_195 : i32
        %dma_start3A_197 = tpu.memref_slice %arg6[%mul3A_196] : memref<10240xi32, #tpu.memory_space<vmem>> -> memref<256xi32, #tpu.memory_space<vmem>>
        %dma_start3A_198 = arith.constant 0 : i32
        %dma_start3A_199 = arith.constant 0 : i32
        %dma_start3A_200 = tpu.memref_slice %arg13[%dma_start3A_198, %dma_start3A_199] : memref<10240x32xf32, #tpu.memory_space<vmem_shared>> -> memref<10240x32xf32, #tpu.memory_space<vmem_shared>>
        tpu.enqueue_indirect_dma source(%dma_start3A_200 : memref<10240x32xf32, #tpu.memory_space<vmem_shared>>) target(%arg8 : memref<256x32xf32, #tpu.memory_space<vmem>>) offsets(%dma_start3A_197 : memref<256xi32, #tpu.memory_space<vmem>>) semaphore(%arg14 : memref<!tpu.dma_semaphore, #tpu.memory_space<semaphore_mem>>)
        %add3A_201 = arith.constant 1 : i32
        %add3A_202 = arith.addi %mul3A_116, %add3A_201 : i32
        %mul3A_203 = arith.constant 256 : i32
        %mul3A_204 = arith.muli %add3A_202, %mul3A_203 : i32
        %dma_wait3A_205 = tpu.memref_slice %arg7[%mul3A_204] : memref<10240xi32, #tpu.memory_space<vmem>> -> memref<256xi32, #tpu.memory_space<vmem>>
        %dma_wait3A_206 = arith.constant 0 : i32
        %dma_wait3A_207 = arith.constant 0 : i32
        %dma_wait3A_208 = tpu.memref_slice %arg12[%dma_wait3A_206, %dma_wait3A_207] : memref<10240x32xf32, #tpu.memory_space<vmem_shared>> -> memref<10240x32xf32, #tpu.memory_space<vmem_shared>>
        tpu.wait_indirect_dma semaphore(%arg19 : memref<!tpu.dma_semaphore, #tpu.memory_space<semaphore_mem>>) src(%arg9 : memref<256x32xf32, #tpu.memory_space<vmem>>) dst(%dma_wait3A_208 : memref<10240x32xf32, #tpu.memory_space<vmem_shared>>)
        %add3A_209 = arith.constant 1 : i32
        %add3A_210 = arith.addi %mul3A_116, %add3A_209 : i32
        %add3A_211 = arith.constant 4 : i32
        %add3A_212 = arith.addi %add3A_210, %add3A_211 : i32
        %mul3A_213 = arith.constant 256 : i32
        %mul3A_214 = arith.muli %add3A_212, %mul3A_213 : i32
        %dma_start3A_215 = tpu.memref_slice %arg6[%mul3A_214] : memref<10240xi32, #tpu.memory_space<vmem>> -> memref<256xi32, #tpu.memory_space<vmem>>
        %dma_start3A_216 = arith.constant 0 : i32
        %dma_start3A_217 = arith.constant 0 : i32
        %dma_start3A_218 = tpu.memref_slice %arg13[%dma_start3A_216, %dma_start3A_217] : memref<10240x32xf32, #tpu.memory_space<vmem_shared>> -> memref<10240x32xf32, #tpu.memory_space<vmem_shared>>
        tpu.enqueue_indirect_dma source(%dma_start3A_218 : memref<10240x32xf32, #tpu.memory_space<vmem_shared>>) target(%arg9 : memref<256x32xf32, #tpu.memory_space<vmem>>) offsets(%dma_start3A_215 : memref<256xi32, #tpu.memory_space<vmem>>) semaphore(%arg15 : memref<!tpu.dma_semaphore, #tpu.memory_space<semaphore_mem>>)
        %add3A_219 = arith.constant 2 : i32
        %add3A_220 = arith.addi %mul3A_116, %add3A_219 : i32
        %mul3A_221 = arith.constant 256 : i32
        %mul3A_222 = arith.muli %add3A_220, %mul3A_221 : i32
        %dma_wait3A_223 = tpu.memref_slice %arg7[%mul3A_222] : memref<10240xi32, #tpu.memory_space<vmem>> -> memref<256xi32, #tpu.memory_space<vmem>>
        %dma_wait3A_224 = arith.constant 0 : i32
        %dma_wait3A_225 = arith.constant 0 : i32
        %dma_wait3A_226 = tpu.memref_slice %arg12[%dma_wait3A_224, %dma_wait3A_225] : memref<10240x32xf32, #tpu.memory_space<vmem_shared>> -> memref<10240x32xf32, #tpu.memory_space<vmem_shared>>
        tpu.wait_indirect_dma semaphore(%arg20 : memref<!tpu.dma_semaphore, #tpu.memory_space<semaphore_mem>>) src(%arg10 : memref<256x32xf32, #tpu.memory_space<vmem>>) dst(%dma_wait3A_226 : memref<10240x32xf32, #tpu.memory_space<vmem_shared>>)
        %add3A_227 = arith.constant 2 : i32
        %add3A_228 = arith.addi %mul3A_116, %add3A_227 : i32
        %add3A_229 = arith.constant 4 : i32
        %add3A_230 = arith.addi %add3A_228, %add3A_229 : i32
        %mul3A_231 = arith.constant 256 : i32
        %mul3A_232 = arith.muli %add3A_230, %mul3A_231 : i32
        %dma_start3A_233 = tpu.memref_slice %arg6[%mul3A_232] : memref<10240xi32, #tpu.memory_space<vmem>> -> memref<256xi32, #tpu.memory_space<vmem>>
        %dma_start3A_234 = arith.constant 0 : i32
        %dma_start3A_235 = arith.constant 0 : i32
        %dma_start3A_236 = tpu.memref_slice %arg13[%dma_start3A_234, %dma_start3A_235] : memref<10240x32xf32, #tpu.memory_space<vmem_shared>> -> memref<10240x32xf32, #tpu.memory_space<vmem_shared>>
        tpu.enqueue_indirect_dma source(%dma_start3A_236 : memref<10240x32xf32, #tpu.memory_space<vmem_shared>>) target(%arg10 : memref<256x32xf32, #tpu.memory_space<vmem>>) offsets(%dma_start3A_233 : memref<256xi32, #tpu.memory_space<vmem>>) semaphore(%arg16 : memref<!tpu.dma_semaphore, #tpu.memory_space<semaphore_mem>>)
        %add3A_237 = arith.constant 3 : i32
        %add3A_238 = arith.addi %mul3A_116, %add3A_237 : i32
        %mul3A_239 = arith.constant 256 : i32
        %mul3A_240 = arith.muli %add3A_238, %mul3A_239 : i32
        %dma_wait3A_241 = tpu.memref_slice %arg7[%mul3A_240] : memref<10240xi32, #tpu.memory_space<vmem>> -> memref<256xi32, #tpu.memory_space<vmem>>
        %dma_wait3A_242 = arith.constant 0 : i32
        %dma_wait3A_243 = arith.constant 0 : i32
        %dma_wait3A_244 = tpu.memref_slice %arg12[%dma_wait3A_242, %dma_wait3A_243] : memref<10240x32xf32, #tpu.memory_space<vmem_shared>> -> memref<10240x32xf32, #tpu.memory_space<vmem_shared>>
        tpu.wait_indirect_dma semaphore(%arg21 : memref<!tpu.dma_semaphore, #tpu.memory_space<semaphore_mem>>) src(%arg11 : memref<256x32xf32, #tpu.memory_space<vmem>>) dst(%dma_wait3A_244 : memref<10240x32xf32, #tpu.memory_space<vmem_shared>>)
        %add3A_245 = arith.constant 3 : i32
        %add3A_246 = arith.addi %mul3A_116, %add3A_245 : i32
        %add3A_247 = arith.constant 4 : i32
        %add3A_248 = arith.addi %add3A_246, %add3A_247 : i32
        %mul3A_249 = arith.constant 256 : i32
        %mul3A_250 = arith.muli %add3A_248, %mul3A_249 : i32
        %dma_start3A_251 = tpu.memref_slice %arg6[%mul3A_250] : memref<10240xi32, #tpu.memory_space<vmem>> -> memref<256xi32, #tpu.memory_space<vmem>>
        %dma_start3A_252 = arith.constant 0 : i32
        %dma_start3A_253 = arith.constant 0 : i32
        %dma_start3A_254 = tpu.memref_slice %arg13[%dma_start3A_252, %dma_start3A_253] : memref<10240x32xf32, #tpu.memory_space<vmem_shared>> -> memref<10240x32xf32, #tpu.memory_space<vmem_shared>>
        tpu.enqueue_indirect_dma source(%dma_start3A_254 : memref<10240x32xf32, #tpu.memory_space<vmem_shared>>) target(%arg11 : memref<256x32xf32, #tpu.memory_space<vmem>>) offsets(%dma_start3A_251 : memref<256xi32, #tpu.memory_space<vmem>>) semaphore(%arg17 : memref<!tpu.dma_semaphore, #tpu.memory_space<semaphore_mem>>)
      } else {
      }
    }
    %scan3A_88 = arith.constant 10 : i32
    %dma_wait3A_89 = arith.constant 9216 : i32
    %dma_wait3A_90 = tpu.memref_slice %arg7[%dma_wait3A_89] : memref<10240xi32, #tpu.memory_space<vmem>> -> memref<256xi32, #tpu.memory_space<vmem>>
    %dma_wait3A_91 = arith.constant 0 : i32
    %dma_wait3A_92 = arith.constant 0 : i32
    %dma_wait3A_93 = tpu.memref_slice %arg12[%dma_wait3A_91, %dma_wait3A_92] : memref<10240x32xf32, #tpu.memory_space<vmem_shared>> -> memref<10240x32xf32, #tpu.memory_space<vmem_shared>>
    tpu.wait_indirect_dma semaphore(%arg18 : memref<!tpu.dma_semaphore, #tpu.memory_space<semaphore_mem>>) src(%arg8 : memref<256x32xf32, #tpu.memory_space<vmem>>) dst(%dma_wait3A_93 : memref<10240x32xf32, #tpu.memory_space<vmem_shared>>)
    %dma_wait3A_94 = arith.constant 9472 : i32
    %dma_wait3A_95 = tpu.memref_slice %arg7[%dma_wait3A_94] : memref<10240xi32, #tpu.memory_space<vmem>> -> memref<256xi32, #tpu.memory_space<vmem>>
    %dma_wait3A_96 = arith.constant 0 : i32
    %dma_wait3A_97 = arith.constant 0 : i32
    %dma_wait3A_98 = tpu.memref_slice %arg12[%dma_wait3A_96, %dma_wait3A_97] : memref<10240x32xf32, #tpu.memory_space<vmem_shared>> -> memref<10240x32xf32, #tpu.memory_space<vmem_shared>>
    tpu.wait_indirect_dma semaphore(%arg19 : memref<!tpu.dma_semaphore, #tpu.memory_space<semaphore_mem>>) src(%arg9 : memref<256x32xf32, #tpu.memory_space<vmem>>) dst(%dma_wait3A_98 : memref<10240x32xf32, #tpu.memory_space<vmem_shared>>)
    %dma_wait3A_99 = arith.constant 9728 : i32
    %dma_wait3A_100 = tpu.memref_slice %arg7[%dma_wait3A_99] : memref<10240xi32, #tpu.memory_space<vmem>> -> memref<256xi32, #tpu.memory_space<vmem>>
    %dma_wait3A_101 = arith.constant 0 : i32
    %dma_wait3A_102 = arith.constant 0 : i32
    %dma_wait3A_103 = tpu.memref_slice %arg12[%dma_wait3A_101, %dma_wait3A_102] : memref<10240x32xf32, #tpu.memory_space<vmem_shared>> -> memref<10240x32xf32, #tpu.memory_space<vmem_shared>>
    tpu.wait_indirect_dma semaphore(%arg20 : memref<!tpu.dma_semaphore, #tpu.memory_space<semaphore_mem>>) src(%arg10 : memref<256x32xf32, #tpu.memory_space<vmem>>) dst(%dma_wait3A_103 : memref<10240x32xf32, #tpu.memory_space<vmem_shared>>)
    %dma_wait3A_104 = arith.constant 9984 : i32
    %dma_wait3A_105 = tpu.memref_slice %arg7[%dma_wait3A_104] : memref<10240xi32, #tpu.memory_space<vmem>> -> memref<256xi32, #tpu.memory_space<vmem>>
    %dma_wait3A_106 = arith.constant 0 : i32
    %dma_wait3A_107 = arith.constant 0 : i32
    %dma_wait3A_108 = tpu.memref_slice %arg12[%dma_wait3A_106, %dma_wait3A_107] : memref<10240x32xf32, #tpu.memory_space<vmem_shared>> -> memref<10240x32xf32, #tpu.memory_space<vmem_shared>>
    tpu.wait_indirect_dma semaphore(%arg21 : memref<!tpu.dma_semaphore, #tpu.memory_space<semaphore_mem>>) src(%arg11 : memref<256x32xf32, #tpu.memory_space<vmem>>) dst(%dma_wait3A_108 : memref<10240x32xf32, #tpu.memory_space<vmem_shared>>)
    %barrier3A_109 = arith.constant 0 : index
    tpu.barrier barrier_id(%barrier3A_109)
    %mul3A_110 = arith.constant 640 : i32
    %mul3A_111 = arith.muli %arg1, %mul3A_110 : i32
    %mul3A_112 = arith.constant 640 : i32
    %mul3A_113 = arith.muli %arg1, %mul3A_112 : i32
    "tpu.region"() ({
      %run_scoped3A = tpu.sem_alloc : memref<!tpu.dma_semaphore, #tpu.memory_space<semaphore_mem>>
      %dma_start3A_114 = arith.constant 0 : i32
      %dma_start3A_115 = tpu.memref_slice %arg5[%arg0, %mul3A_113, %dma_start3A_114] : memref<2x10240x32xf32, #tpu.memory_space<hbm>> -> memref<1x640x32xf32, #tpu.memory_space<hbm>>
      %dma_start3A_116 = tpu.memref_squeeze %dma_start3A_115 : memref<1x640x32xf32, #tpu.memory_space<hbm>> -> memref<640x32xf32, #tpu.memory_space<hbm>>
      %dma_start3A_117 = arith.constant 0 : i32
      %dma_start3A_118 = tpu.memref_slice %arg12[%mul3A_111, %dma_start3A_117] : memref<10240x32xf32, #tpu.memory_space<vmem_shared>> -> memref<640x32xf32, #tpu.memory_space<vmem_shared>>
      tpu.enqueue_dma source(%dma_start3A_118 : memref<640x32xf32, #tpu.memory_space<vmem_shared>>) target(%dma_start3A_116 : memref<640x32xf32, #tpu.memory_space<hbm>>) target_semaphore(%run_scoped3A : memref<!tpu.dma_semaphore, #tpu.memory_space<semaphore_mem>>)
      %dma_wait3A_119 = arith.constant 0 : i32
      %dma_wait3A_120 = tpu.memref_slice %arg5[%arg0, %mul3A_113, %dma_wait3A_119] : memref<2x10240x32xf32, #tpu.memory_space<hbm>> -> memref<1x640x32xf32, #tpu.memory_space<hbm>>
      %dma_wait3A_121 = tpu.memref_squeeze %dma_wait3A_120 : memref<1x640x32xf32, #tpu.memory_space<hbm>> -> memref<640x32xf32, #tpu.memory_space<hbm>>
      %dma_wait3A_122 = arith.constant 0 : i32
      %dma_wait3A_123 = tpu.memref_slice %arg12[%mul3A_111, %dma_wait3A_122] : memref<10240x32xf32, #tpu.memory_space<vmem_shared>> -> memref<640x32xf32, #tpu.memory_space<vmem_shared>>
      tpu.wait_dma2 semaphore(%run_scoped3A : memref<!tpu.dma_semaphore, #tpu.memory_space<semaphore_mem>>) src(%dma_wait3A_123 : memref<640x32xf32, #tpu.memory_space<vmem_shared>>) dst(%dma_wait3A_121 : memref<640x32xf32, #tpu.memory_space<hbm>>)
      tpu.yield
    }) : () -> ()
    return
  }
}

#map = affine_map<(d0, d1) -> (0, 0)>
#map1 = affine_map<(d0, d1) -> (0, 0, 0)>
module attributes {stable_mosaic.version = 14 : i64} {
  func.func @_scatter_kernel(%arg0: i32, %arg1: i32, %arg2: memref<10240x32xf32, #tpu.memory_space<hbm>>, %arg3: memref<2x320000xi32, #tpu.memory_space<hbm>>, %arg4: memref<640x32xf32, #tpu.memory_space<hbm>>, %arg5: memref<2x10240x32xf32, #tpu.memory_space<hbm>>, %arg6: memref<10240xi32, #tpu.memory_space<vmem>>, %arg7: memref<10240xi32, #tpu.memory_space<vmem>>, %arg8: memref<256x32xf32, #tpu.memory_space<vmem>>, %arg9: memref<256x32xf32, #tpu.memory_space<vmem>>, %arg10: memref<256x32xf32, #tpu.memory_space<vmem>>, %arg11: memref<256x32xf32, #tpu.memory_space<vmem>>, %arg12: memref<10240x32xf32, #tpu.memory_space<vmem_shared>>, %arg13: memref<10240x32xf32, #tpu.memory_space<vmem_shared>>, %arg14: memref<!tpu.dma_semaphore, #tpu.memory_space<semaphore_mem>>, %arg15: memref<!tpu.dma_semaphore, #tpu.memory_space<semaphore_mem>>, %arg16: memref<!tpu.dma_semaphore, #tpu.memory_space<semaphore_mem>>, %arg17: memref<!tpu.dma_semaphore, #tpu.memory_space<semaphore_mem>>, %arg18: memref<!tpu.dma_semaphore, #tpu.memory_space<semaphore_mem>>, %arg19: memref<!tpu.dma_semaphore, #tpu.memory_space<semaphore_mem>>, %arg20: memref<!tpu.dma_semaphore, #tpu.memory_space<semaphore_mem>>, %arg21: memref<!tpu.dma_semaphore, #tpu.memory_space<semaphore_mem>>) attributes {dimension_semantics = [#tpu.dimension_semantics<core_parallel>, #tpu.dimension_semantics<subcore_parallel>], iteration_bounds = array<i64: 2, 16>, scalar_prefetch = 0 : i64, scratch_operands = 16 : i64, tpu.core_type = #tpu.core_type<sc_vector_subcore>, window_params = [{transform_indices = #map}, {transform_indices = #map}, {transform_indices = #map}, {transform_indices = #map1}]} {
    %mul3A = arith.constant 2 : i32
    %mul3A_0 = arith.muli %arg1, %mul3A : i32
    %add3A = arith.addi %mul3A_0, %arg0 : i32
    %mul3A_1 = arith.constant 640 : i32
    %mul3A_2 = arith.muli %arg1, %mul3A_1 : i32
    %dma_start3A = arith.constant 0 : i32
    %dma_start3A_3 = tpu.memref_slice %arg12[%mul3A_2, %dma_start3A] : memref<10240x32xf32, #tpu.memory_space<vmem_shared>> -> memref<640x32xf32, #tpu.memory_space<vmem_shared>>
    tpu.enqueue_dma source(%arg4 : memref<640x32xf32, #tpu.memory_space<hbm>>) target(%dma_start3A_3 : memref<640x32xf32, #tpu.memory_space<vmem_shared>>) target_semaphore(%arg14 : memref<!tpu.dma_semaphore, #tpu.memory_space<semaphore_mem>>)
    %mul3A_4 = arith.constant 640 : i32
    %mul3A_5 = arith.muli %arg1, %mul3A_4 : i32
    %mul3A_6 = arith.constant 640 : i32
    %mul3A_7 = arith.muli %arg1, %mul3A_6 : i32
    %dma_start3A_8 = arith.constant 0 : i32
    %dma_start3A_9 = tpu.memref_slice %arg13[%mul3A_7, %dma_start3A_8] : memref<10240x32xf32, #tpu.memory_space<vmem_shared>> -> memref<640x32xf32, #tpu.memory_space<vmem_shared>>
    %dma_start3A_10 = arith.constant 0 : i32
    %dma_start3A_11 = tpu.memref_slice %arg2[%mul3A_5, %dma_start3A_10] : memref<10240x32xf32, #tpu.memory_space<hbm>> -> memref<640x32xf32, #tpu.memory_space<hbm>>
    tpu.enqueue_dma source(%dma_start3A_11 : memref<640x32xf32, #tpu.memory_space<hbm>>) target(%dma_start3A_9 : memref<640x32xf32, #tpu.memory_space<vmem_shared>>) target_semaphore(%arg15 : memref<!tpu.dma_semaphore, #tpu.memory_space<semaphore_mem>>)
    %mul3A_12 = arith.constant 10000 : i32
    %mul3A_13 = arith.muli %add3A, %mul3A_12 : i32
    %dma_start3A_14 = arith.constant 0 : i32
    %dma_start3A_15 = arith.constant 0 : i32
    %dma_start3A_16 = tpu.memref_slice %arg6[%dma_start3A_15] : memref<10240xi32, #tpu.memory_space<vmem>> -> memref<10000xi32, #tpu.memory_space<vmem>>
    %dma_start3A_17 = tpu.memref_slice %arg3[%dma_start3A_14, %mul3A_13] : memref<2x320000xi32, #tpu.memory_space<hbm>> -> memref<1x10000xi32, #tpu.memory_space<hbm>>
    %dma_start3A_18 = tpu.memref_squeeze %dma_start3A_17 : memref<1x10000xi32, #tpu.memory_space<hbm>> -> memref<10000xi32, #tpu.memory_space<hbm>>
    %dma_start3A_19 = arith.constant 0 : i32
    %dma_start3A_20 = tpu.memref_slice %arg6[%dma_start3A_19] : memref<10240xi32, #tpu.memory_space<vmem>> -> memref<10000xi32, #tpu.memory_space<vmem>>
    %dma_start3A_21 = tpu.memref_slice %arg3[%dma_start3A_14, %mul3A_13] : memref<2x320000xi32, #tpu.memory_space<hbm>> -> memref<1x10000xi32, #tpu.memory_space<hbm>>
    %dma_start3A_22 = tpu.memref_squeeze %dma_start3A_21 : memref<1x10000xi32, #tpu.memory_space<hbm>> -> memref<10000xi32, #tpu.memory_space<hbm>>
    tpu.enqueue_dma source(%dma_start3A_22 : memref<10000xi32, #tpu.memory_space<hbm>>) target(%dma_start3A_20 : memref<10000xi32, #tpu.memory_space<vmem>>) target_semaphore(%arg16 : memref<!tpu.dma_semaphore, #tpu.memory_space<semaphore_mem>>)
    %mul3A_23 = arith.constant 10000 : i32
    %mul3A_24 = arith.muli %add3A, %mul3A_23 : i32
    %dma_start3A_25 = arith.constant 1 : i32
    %dma_start3A_26 = arith.constant 0 : i32
    %dma_start3A_27 = tpu.memref_slice %arg7[%dma_start3A_26] : memref<10240xi32, #tpu.memory_space<vmem>> -> memref<10000xi32, #tpu.memory_space<vmem>>
    %dma_start3A_28 = tpu.memref_slice %arg3[%dma_start3A_25, %mul3A_24] : memref<2x320000xi32, #tpu.memory_space<hbm>> -> memref<1x10000xi32, #tpu.memory_space<hbm>>
    %dma_start3A_29 = tpu.memref_squeeze %dma_start3A_28 : memref<1x10000xi32, #tpu.memory_space<hbm>> -> memref<10000xi32, #tpu.memory_space<hbm>>
    %dma_start3A_30 = arith.constant 0 : i32
    %dma_start3A_31 = tpu.memref_slice %arg7[%dma_start3A_30] : memref<10240xi32, #tpu.memory_space<vmem>> -> memref<10000xi32, #tpu.memory_space<vmem>>
    %dma_start3A_32 = tpu.memref_slice %arg3[%dma_start3A_25, %mul3A_24] : memref<2x320000xi32, #tpu.memory_space<hbm>> -> memref<1x10000xi32, #tpu.memory_space<hbm>>
    %dma_start3A_33 = tpu.memref_squeeze %dma_start3A_32 : memref<1x10000xi32, #tpu.memory_space<hbm>> -> memref<10000xi32, #tpu.memory_space<hbm>>
    tpu.enqueue_dma source(%dma_start3A_33 : memref<10000xi32, #tpu.memory_space<hbm>>) target(%dma_start3A_31 : memref<10000xi32, #tpu.memory_space<vmem>>) target_semaphore(%arg17 : memref<!tpu.dma_semaphore, #tpu.memory_space<semaphore_mem>>)
    %broadcast_in_dim3A = arith.constant 10000 : i32
    %broadcast_in_dim3A_34 = vector.broadcast %broadcast_in_dim3A : i32 to vector<16xi32>
    %scan3A = arith.constant 0 : i32
    %scan3A_35 = arith.constant 0 : i32
    %scan3A_36 = arith.constant 15 : i32
    %scan3A_37 = arith.addi %scan3A_35, %scan3A_36 : i32
    %scan3A_38 = arith.constant 1 : i32
    scf.for %scan3A_114 = %scan3A_35 to %scan3A_37 step %scan3A_38  : i32 {
      %mul3A_115 = arith.constant 16 : i32
      %mul3A_116 = arith.muli %scan3A_114, %mul3A_115 : i32
      %add3A_117 = arith.constant 10000 : i32
      %add3A_118 = arith.addi %add3A_117, %mul3A_116 : i32
      %swap3A = arith.index_cast %add3A_118 : i32 to index
      %swap3A_119 = tpu.vector_load %arg6[%swap3A] {strides = array<i32>} : memref<10240xi32, #tpu.memory_space<vmem>>, vector<16xi32>,
      %swap3A_120 = vector.shape_cast %swap3A_119 : vector<16xi32> to vector<16xi32>
      %swap3A_121 = vector.shape_cast %broadcast_in_dim3A_34 : vector<16xi32> to vector<16xi32>
      tpu.vector_store %arg6[%swap3A], %swap3A_121 {strides = array<i32>} : memref<10240xi32, #tpu.memory_space<vmem>>, vector<16xi32>,
      %mul3A_122 = arith.constant 16 : i32
      %mul3A_123 = arith.muli %scan3A_114, %mul3A_122 : i32
      %add3A_124 = arith.constant 10000 : i32
      %add3A_125 = arith.addi %add3A_124, %mul3A_123 : i32
      %swap3A_126 = arith.index_cast %add3A_125 : i32 to index
      %swap3A_127 = tpu.vector_load %arg7[%swap3A_126] {strides = array<i32>} : memref<10240xi32, #tpu.memory_space<vmem>>, vector<16xi32>,
      %swap3A_128 = vector.shape_cast %swap3A_127 : vector<16xi32> to vector<16xi32>
      %swap3A_129 = vector.shape_cast %broadcast_in_dim3A_34 : vector<16xi32> to vector<16xi32>
      tpu.vector_store %arg7[%swap3A_126], %swap3A_129 {strides = array<i32>} : memref<10240xi32, #tpu.memory_space<vmem>>, vector<16xi32>,
    }
    %scan3A_39 = arith.constant 15 : i32
    %dma_wait3A = arith.constant 0 : i32
    %dma_wait3A_40 = tpu.memref_slice %arg12[%mul3A_2, %dma_wait3A] : memref<10240x32xf32, #tpu.memory_space<vmem_shared>> -> memref<640x32xf32, #tpu.memory_space<vmem_shared>>
    tpu.wait_dma2 semaphore(%arg14 : memref<!tpu.dma_semaphore, #tpu.memory_space<semaphore_mem>>) src(%arg4 : memref<640x32xf32, #tpu.memory_space<hbm>>) dst(%dma_wait3A_40 : memref<640x32xf32, #tpu.memory_space<vmem_shared>>)
    %dma_wait3A_41 = arith.constant 0 : i32
    %dma_wait3A_42 = tpu.memref_slice %arg13[%mul3A_7, %dma_wait3A_41] : memref<10240x32xf32, #tpu.memory_space<vmem_shared>> -> memref<640x32xf32, #tpu.memory_space<vmem_shared>>
    %dma_wait3A_43 = arith.constant 0 : i32
    %dma_wait3A_44 = tpu.memref_slice %arg2[%mul3A_5, %dma_wait3A_43] : memref<10240x32xf32, #tpu.memory_space<hbm>> -> memref<640x32xf32, #tpu.memory_space<hbm>>
    tpu.wait_dma2 semaphore(%arg15 : memref<!tpu.dma_semaphore, #tpu.memory_space<semaphore_mem>>) src(%dma_wait3A_44 : memref<640x32xf32, #tpu.memory_space<hbm>>) dst(%dma_wait3A_42 : memref<640x32xf32, #tpu.memory_space<vmem_shared>>)
    %dma_wait3A_45 = arith.constant 0 : i32
    %dma_wait3A_46 = arith.constant 0 : i32
    %dma_wait3A_47 = tpu.memref_slice %arg6[%dma_wait3A_46] : memref<10240xi32, #tpu.memory_space<vmem>> -> memref<10000xi32, #tpu.memory_space<vmem>>
    %dma_wait3A_48 = tpu.memref_slice %arg3[%dma_wait3A_45, %mul3A_13] : memref<2x320000xi32, #tpu.memory_space<hbm>> -> memref<1x10000xi32, #tpu.memory_space<hbm>>
    %dma_wait3A_49 = tpu.memref_squeeze %dma_wait3A_48 : memref<1x10000xi32, #tpu.memory_space<hbm>> -> memref<10000xi32, #tpu.memory_space<hbm>>
    %dma_wait3A_50 = arith.constant 0 : i32
    %dma_wait3A_51 = tpu.memref_slice %arg6[%dma_wait3A_50] : memref<10240xi32, #tpu.memory_space<vmem>> -> memref<10000xi32, #tpu.memory_space<vmem>>
    %dma_wait3A_52 = tpu.memref_slice %arg3[%dma_wait3A_45, %mul3A_13] : memref<2x320000xi32, #tpu.memory_space<hbm>> -> memref<1x10000xi32, #tpu.memory_space<hbm>>
    %dma_wait3A_53 = tpu.memref_squeeze %dma_wait3A_52 : memref<1x10000xi32, #tpu.memory_space<hbm>> -> memref<10000xi32, #tpu.memory_space<hbm>>
    tpu.wait_dma2 semaphore(%arg16 : memref<!tpu.dma_semaphore, #tpu.memory_space<semaphore_mem>>) src(%dma_wait3A_53 : memref<10000xi32, #tpu.memory_space<hbm>>) dst(%dma_wait3A_51 : memref<10000xi32, #tpu.memory_space<vmem>>)
    %dma_wait3A_54 = arith.constant 1 : i32
    %dma_wait3A_55 = arith.constant 0 : i32
    %dma_wait3A_56 = tpu.memref_slice %arg7[%dma_wait3A_55] : memref<10240xi32, #tpu.memory_space<vmem>> -> memref<10000xi32, #tpu.memory_space<vmem>>
    %dma_wait3A_57 = tpu.memref_slice %arg3[%dma_wait3A_54, %mul3A_24] : memref<2x320000xi32, #tpu.memory_space<hbm>> -> memref<1x10000xi32, #tpu.memory_space<hbm>>
    %dma_wait3A_58 = tpu.memref_squeeze %dma_wait3A_57 : memref<1x10000xi32, #tpu.memory_space<hbm>> -> memref<10000xi32, #tpu.memory_space<hbm>>
    %dma_wait3A_59 = arith.constant 0 : i32
    %dma_wait3A_60 = tpu.memref_slice %arg7[%dma_wait3A_59] : memref<10240xi32, #tpu.memory_space<vmem>> -> memref<10000xi32, #tpu.memory_space<vmem>>
    %dma_wait3A_61 = tpu.memref_slice %arg3[%dma_wait3A_54, %mul3A_24] : memref<2x320000xi32, #tpu.memory_space<hbm>> -> memref<1x10000xi32, #tpu.memory_space<hbm>>
    %dma_wait3A_62 = tpu.memref_squeeze %dma_wait3A_61 : memref<1x10000xi32, #tpu.memory_space<hbm>> -> memref<10000xi32, #tpu.memory_space<hbm>>
    tpu.wait_dma2 semaphore(%arg17 : memref<!tpu.dma_semaphore, #tpu.memory_space<semaphore_mem>>) src(%dma_wait3A_62 : memref<10000xi32, #tpu.memory_space<hbm>>) dst(%dma_wait3A_60 : memref<10000xi32, #tpu.memory_space<vmem>>)
    %barrier3A = arith.constant 0 : index
    tpu.barrier barrier_id(%barrier3A)
    %dma_start3A_63 = arith.constant 0 : i32
    %dma_start3A_64 = tpu.memref_slice %arg6[%dma_start3A_63] : memref<10240xi32, #tpu.memory_space<vmem>> -> memref<256xi32, #tpu.memory_space<vmem>>
    %dma_start3A_65 = arith.constant 0 : i32
    %dma_start3A_66 = arith.constant 0 : i32
    %dma_start3A_67 = tpu.memref_slice %arg13[%dma_start3A_65, %dma_start3A_66] : memref<10240x32xf32, #tpu.memory_space<vmem_shared>> -> memref<10240x32xf32, #tpu.memory_space<vmem_shared>>
    tpu.enqueue_indirect_dma source(%dma_start3A_67 : memref<10240x32xf32, #tpu.memory_space<vmem_shared>>) target(%arg8 : memref<256x32xf32, #tpu.memory_space<vmem>>) offsets(%dma_start3A_64 : memref<256xi32, #tpu.memory_space<vmem>>) semaphore(%arg14 : memref<!tpu.dma_semaphore, #tpu.memory_space<semaphore_mem>>)
    %dma_start3A_68 = arith.constant 256 : i32
    %dma_start3A_69 = tpu.memref_slice %arg6[%dma_start3A_68] : memref<10240xi32, #tpu.memory_space<vmem>> -> memref<256xi32, #tpu.memory_space<vmem>>
    %dma_start3A_70 = arith.constant 0 : i32
    %dma_start3A_71 = arith.constant 0 : i32
    %dma_start3A_72 = tpu.memref_slice %arg13[%dma_start3A_70, %dma_start3A_71] : memref<10240x32xf32, #tpu.memory_space<vmem_shared>> -> memref<10240x32xf32, #tpu.memory_space<vmem_shared>>
    tpu.enqueue_indirect_dma source(%dma_start3A_72 : memref<10240x32xf32, #tpu.memory_space<vmem_shared>>) target(%arg9 : memref<256x32xf32, #tpu.memory_space<vmem>>) offsets(%dma_start3A_69 : memref<256xi32, #tpu.memory_space<vmem>>) semaphore(%arg15 : memref<!tpu.dma_semaphore, #tpu.memory_space<semaphore_mem>>)
    %dma_start3A_73 = arith.constant 512 : i32
    %dma_start3A_74 = tpu.memref_slice %arg6[%dma_start3A_73] : memref<10240xi32, #tpu.memory_space<vmem>> -> memref<256xi32, #tpu.memory_space<vmem>>
    %dma_start3A_75 = arith.constant 0 : i32
    %dma_start3A_76 = arith.constant 0 : i32
    %dma_start3A_77 = tpu.memref_slice %arg13[%dma_start3A_75, %dma_start3A_76] : memref<10240x32xf32, #tpu.memory_space<vmem_shared>> -> memref<10240x32xf32, #tpu.memory_space<vmem_shared>>
    tpu.enqueue_indirect_dma source(%dma_start3A_77 : memref<10240x32xf32, #tpu.memory_space<vmem_shared>>) target(%arg10 : memref<256x32xf32, #tpu.memory_space<vmem>>) offsets(%dma_start3A_74 : memref<256xi32, #tpu.memory_space<vmem>>) semaphore(%arg16 : memref<!tpu.dma_semaphore, #tpu.memory_space<semaphore_mem>>)
    %dma_start3A_78 = arith.constant 768 : i32
    %dma_start3A_79 = tpu.memref_slice %arg6[%dma_start3A_78] : memref<10240xi32, #tpu.memory_space<vmem>> -> memref<256xi32, #tpu.memory_space<vmem>>
    %dma_start3A_80 = arith.constant 0 : i32
    %dma_start3A_81 = arith.constant 0 : i32
    %dma_start3A_82 = tpu.memref_slice %arg13[%dma_start3A_80, %dma_start3A_81] : memref<10240x32xf32, #tpu.memory_space<vmem_shared>> -> memref<10240x32xf32, #tpu.memory_space<vmem_shared>>
    tpu.enqueue_indirect_dma source(%dma_start3A_82 : memref<10240x32xf32, #tpu.memory_space<vmem_shared>>) target(%arg11 : memref<256x32xf32, #tpu.memory_space<vmem>>) offsets(%dma_start3A_79 : memref<256xi32, #tpu.memory_space<vmem>>) semaphore(%arg17 : memref<!tpu.dma_semaphore, #tpu.memory_space<semaphore_mem>>)
    %scan3A_83 = arith.constant 0 : i32
    %scan3A_84 = arith.constant 0 : i32
    %scan3A_85 = arith.constant 10 : i32
    %scan3A_86 = arith.addi %scan3A_84, %scan3A_85 : i32
    %scan3A_87 = arith.constant 1 : i32
    scf.for %scan3A_114 = %scan3A_84 to %scan3A_86 step %scan3A_87  : i32 {
      %mul3A_115 = arith.constant 4 : i32
      %mul3A_116 = arith.muli %scan3A_114, %mul3A_115 : i32
      %add3A_117 = arith.constant 0 : i32
      %add3A_118 = arith.addi %mul3A_116, %add3A_117 : i32
      %mul3A_119 = arith.constant 256 : i32
      %mul3A_120 = arith.muli %add3A_118, %mul3A_119 : i32
      %dma_wait3A_121 = tpu.memref_slice %arg6[%mul3A_120] : memref<10240xi32, #tpu.memory_space<vmem>> -> memref<256xi32, #tpu.memory_space<vmem>>
      %dma_wait3A_122 = arith.constant 0 : i32
      %dma_wait3A_123 = arith.constant 0 : i32
      %dma_wait3A_124 = tpu.memref_slice %arg13[%dma_wait3A_122, %dma_wait3A_123] : memref<10240x32xf32, #tpu.memory_space<vmem_shared>> -> memref<10240x32xf32, #tpu.memory_space<vmem_shared>>
      tpu.wait_indirect_dma semaphore(%arg14 : memref<!tpu.dma_semaphore, #tpu.memory_space<semaphore_mem>>) src(%dma_wait3A_124 : memref<10240x32xf32, #tpu.memory_space<vmem_shared>>) dst(%arg8 : memref<256x32xf32, #tpu.memory_space<vmem>>)
      %add3A_125 = arith.constant 0 : i32
      %add3A_126 = arith.addi %mul3A_116, %add3A_125 : i32
      %mul3A_127 = arith.constant 256 : i32
      %mul3A_128 = arith.muli %add3A_126, %mul3A_127 : i32
      %dma_start3A_129 = tpu.memref_slice %arg7[%mul3A_128] : memref<10240xi32, #tpu.memory_space<vmem>> -> memref<256xi32, #tpu.memory_space<vmem>>
      %dma_start3A_130 = arith.constant 0 : i32
      %dma_start3A_131 = arith.constant 0 : i32
      %dma_start3A_132 = tpu.memref_slice %arg12[%dma_start3A_130, %dma_start3A_131] : memref<10240x32xf32, #tpu.memory_space<vmem_shared>> -> memref<10240x32xf32, #tpu.memory_space<vmem_shared>>
      tpu.enqueue_indirect_dma source(%arg8 : memref<256x32xf32, #tpu.memory_space<vmem>>) target(%dma_start3A_132 : memref<10240x32xf32, #tpu.memory_space<vmem_shared>>) offsets(%dma_start3A_129 : memref<256xi32, #tpu.memory_space<vmem>>) semaphore(%arg18 : memref<!tpu.dma_semaphore, #tpu.memory_space<semaphore_mem>>) {add = true}
      %add3A_133 = arith.constant 1 : i32
      %add3A_134 = arith.addi %mul3A_116, %add3A_133 : i32
      %mul3A_135 = arith.constant 256 : i32
      %mul3A_136 = arith.muli %add3A_134, %mul3A_135 : i32
      %dma_wait3A_137 = tpu.memref_slice %arg6[%mul3A_136] : memref<10240xi32, #tpu.memory_space<vmem>> -> memref<256xi32, #tpu.memory_space<vmem>>
      %dma_wait3A_138 = arith.constant 0 : i32
      %dma_wait3A_139 = arith.constant 0 : i32
      %dma_wait3A_140 = tpu.memref_slice %arg13[%dma_wait3A_138, %dma_wait3A_139] : memref<10240x32xf32, #tpu.memory_space<vmem_shared>> -> memref<10240x32xf32, #tpu.memory_space<vmem_shared>>
      tpu.wait_indirect_dma semaphore(%arg15 : memref<!tpu.dma_semaphore, #tpu.memory_space<semaphore_mem>>) src(%dma_wait3A_140 : memref<10240x32xf32, #tpu.memory_space<vmem_shared>>) dst(%arg9 : memref<256x32xf32, #tpu.memory_space<vmem>>)
      %add3A_141 = arith.constant 1 : i32
      %add3A_142 = arith.addi %mul3A_116, %add3A_141 : i32
      %mul3A_143 = arith.constant 256 : i32
      %mul3A_144 = arith.muli %add3A_142, %mul3A_143 : i32
      %dma_start3A_145 = tpu.memref_slice %arg7[%mul3A_144] : memref<10240xi32, #tpu.memory_space<vmem>> -> memref<256xi32, #tpu.memory_space<vmem>>
      %dma_start3A_146 = arith.constant 0 : i32
      %dma_start3A_147 = arith.constant 0 : i32
      %dma_start3A_148 = tpu.memref_slice %arg12[%dma_start3A_146, %dma_start3A_147] : memref<10240x32xf32, #tpu.memory_space<vmem_shared>> -> memref<10240x32xf32, #tpu.memory_space<vmem_shared>>
      tpu.enqueue_indirect_dma source(%arg9 : memref<256x32xf32, #tpu.memory_space<vmem>>) target(%dma_start3A_148 : memref<10240x32xf32, #tpu.memory_space<vmem_shared>>) offsets(%dma_start3A_145 : memref<256xi32, #tpu.memory_space<vmem>>) semaphore(%arg19 : memref<!tpu.dma_semaphore, #tpu.memory_space<semaphore_mem>>) {add = true}
      %add3A_149 = arith.constant 2 : i32
      %add3A_150 = arith.addi %mul3A_116, %add3A_149 : i32
      %mul3A_151 = arith.constant 256 : i32
      %mul3A_152 = arith.muli %add3A_150, %mul3A_151 : i32
      %dma_wait3A_153 = tpu.memref_slice %arg6[%mul3A_152] : memref<10240xi32, #tpu.memory_space<vmem>> -> memref<256xi32, #tpu.memory_space<vmem>>
      %dma_wait3A_154 = arith.constant 0 : i32
      %dma_wait3A_155 = arith.constant 0 : i32
      %dma_wait3A_156 = tpu.memref_slice %arg13[%dma_wait3A_154, %dma_wait3A_155] : memref<10240x32xf32, #tpu.memory_space<vmem_shared>> -> memref<10240x32xf32, #tpu.memory_space<vmem_shared>>
      tpu.wait_indirect_dma semaphore(%arg16 : memref<!tpu.dma_semaphore, #tpu.memory_space<semaphore_mem>>) src(%dma_wait3A_156 : memref<10240x32xf32, #tpu.memory_space<vmem_shared>>) dst(%arg10 : memref<256x32xf32, #tpu.memory_space<vmem>>)
      %add3A_157 = arith.constant 2 : i32
      %add3A_158 = arith.addi %mul3A_116, %add3A_157 : i32
      %mul3A_159 = arith.constant 256 : i32
      %mul3A_160 = arith.muli %add3A_158, %mul3A_159 : i32
      %dma_start3A_161 = tpu.memref_slice %arg7[%mul3A_160] : memref<10240xi32, #tpu.memory_space<vmem>> -> memref<256xi32, #tpu.memory_space<vmem>>
      %dma_start3A_162 = arith.constant 0 : i32
      %dma_start3A_163 = arith.constant 0 : i32
      %dma_start3A_164 = tpu.memref_slice %arg12[%dma_start3A_162, %dma_start3A_163] : memref<10240x32xf32, #tpu.memory_space<vmem_shared>> -> memref<10240x32xf32, #tpu.memory_space<vmem_shared>>
      tpu.enqueue_indirect_dma source(%arg10 : memref<256x32xf32, #tpu.memory_space<vmem>>) target(%dma_start3A_164 : memref<10240x32xf32, #tpu.memory_space<vmem_shared>>) offsets(%dma_start3A_161 : memref<256xi32, #tpu.memory_space<vmem>>) semaphore(%arg20 : memref<!tpu.dma_semaphore, #tpu.memory_space<semaphore_mem>>) {add = true}
      %add3A_165 = arith.constant 3 : i32
      %add3A_166 = arith.addi %mul3A_116, %add3A_165 : i32
      %mul3A_167 = arith.constant 256 : i32
      %mul3A_168 = arith.muli %add3A_166, %mul3A_167 : i32
      %dma_wait3A_169 = tpu.memref_slice %arg6[%mul3A_168] : memref<10240xi32, #tpu.memory_space<vmem>> -> memref<256xi32, #tpu.memory_space<vmem>>
      %dma_wait3A_170 = arith.constant 0 : i32
      %dma_wait3A_171 = arith.constant 0 : i32
      %dma_wait3A_172 = tpu.memref_slice %arg13[%dma_wait3A_170, %dma_wait3A_171] : memref<10240x32xf32, #tpu.memory_space<vmem_shared>> -> memref<10240x32xf32, #tpu.memory_space<vmem_shared>>
      tpu.wait_indirect_dma semaphore(%arg17 : memref<!tpu.dma_semaphore, #tpu.memory_space<semaphore_mem>>) src(%dma_wait3A_172 : memref<10240x32xf32, #tpu.memory_space<vmem_shared>>) dst(%arg11 : memref<256x32xf32, #tpu.memory_space<vmem>>)
      %add3A_173 = arith.constant 3 : i32
      %add3A_174 = arith.addi %mul3A_116, %add3A_173 : i32
      %mul3A_175 = arith.constant 256 : i32
      %mul3A_176 = arith.muli %add3A_174, %mul3A_175 : i32
      %dma_start3A_177 = tpu.memref_slice %arg7[%mul3A_176] : memref<10240xi32, #tpu.memory_space<vmem>> -> memref<256xi32, #tpu.memory_space<vmem>>
      %dma_start3A_178 = arith.constant 0 : i32
      %dma_start3A_179 = arith.constant 0 : i32
      %dma_start3A_180 = tpu.memref_slice %arg12[%dma_start3A_178, %dma_start3A_179] : memref<10240x32xf32, #tpu.memory_space<vmem_shared>> -> memref<10240x32xf32, #tpu.memory_space<vmem_shared>>
      tpu.enqueue_indirect_dma source(%arg11 : memref<256x32xf32, #tpu.memory_space<vmem>>) target(%dma_start3A_180 : memref<10240x32xf32, #tpu.memory_space<vmem_shared>>) offsets(%dma_start3A_177 : memref<256xi32, #tpu.memory_space<vmem>>) semaphore(%arg21 : memref<!tpu.dma_semaphore, #tpu.memory_space<semaphore_mem>>) {add = true}
      %lt3A = arith.constant 9 : i32
      %lt3A_181 = arith.cmpi slt, %scan3A_114, %lt3A : i32
      %convert_element_type3A = arith.extui %lt3A_181 : i1 to i32
      %cond3A = arith.constant 0 : i32
      %cond3A_182 = arith.cmpi ne, %convert_element_type3A, %cond3A : i32
      scf.if %cond3A_182 {
        %add3A_183 = arith.constant 0 : i32
        %add3A_184 = arith.addi %mul3A_116, %add3A_183 : i32
        %mul3A_185 = arith.constant 256 : i32
        %mul3A_186 = arith.muli %add3A_184, %mul3A_185 : i32
        %dma_wait3A_187 = tpu.memref_slice %arg7[%mul3A_186] : memref<10240xi32, #tpu.memory_space<vmem>> -> memref<256xi32, #tpu.memory_space<vmem>>
        %dma_wait3A_188 = arith.constant 0 : i32
        %dma_wait3A_189 = arith.constant 0 : i32
        %dma_wait3A_190 = tpu.memref_slice %arg12[%dma_wait3A_188, %dma_wait3A_189] : memref<10240x32xf32, #tpu.memory_space<vmem_shared>> -> memref<10240x32xf32, #tpu.memory_space<vmem_shared>>
        tpu.wait_indirect_dma semaphore(%arg18 : memref<!tpu.dma_semaphore, #tpu.memory_space<semaphore_mem>>) src(%arg8 : memref<256x32xf32, #tpu.memory_space<vmem>>) dst(%dma_wait3A_190 : memref<10240x32xf32, #tpu.memory_space<vmem_shared>>)
        %add3A_191 = arith.constant 0 : i32
        %add3A_192 = arith.addi %mul3A_116, %add3A_191 : i32
        %add3A_193 = arith.constant 4 : i32
        %add3A_194 = arith.addi %add3A_192, %add3A_193 : i32
        %mul3A_195 = arith.constant 256 : i32
        %mul3A_196 = arith.muli %add3A_194, %mul3A_195 : i32
        %dma_start3A_197 = tpu.memref_slice %arg6[%mul3A_196] : memref<10240xi32, #tpu.memory_space<vmem>> -> memref<256xi32, #tpu.memory_space<vmem>>
        %dma_start3A_198 = arith.constant 0 : i32
        %dma_start3A_199 = arith.constant 0 : i32
        %dma_start3A_200 = tpu.memref_slice %arg13[%dma_start3A_198, %dma_start3A_199] : memref<10240x32xf32, #tpu.memory_space<vmem_shared>> -> memref<10240x32xf32, #tpu.memory_space<vmem_shared>>
        tpu.enqueue_indirect_dma source(%dma_start3A_200 : memref<10240x32xf32, #tpu.memory_space<vmem_shared>>) target(%arg8 : memref<256x32xf32, #tpu.memory_space<vmem>>) offsets(%dma_start3A_197 : memref<256xi32, #tpu.memory_space<vmem>>) semaphore(%arg14 : memref<!tpu.dma_semaphore, #tpu.memory_space<semaphore_mem>>)
        %add3A_201 = arith.constant 1 : i32
        %add3A_202 = arith.addi %mul3A_116, %add3A_201 : i32
        %mul3A_203 = arith.constant 256 : i32
        %mul3A_204 = arith.muli %add3A_202, %mul3A_203 : i32
        %dma_wait3A_205 = tpu.memref_slice %arg7[%mul3A_204] : memref<10240xi32, #tpu.memory_space<vmem>> -> memref<256xi32, #tpu.memory_space<vmem>>
        %dma_wait3A_206 = arith.constant 0 : i32
        %dma_wait3A_207 = arith.constant 0 : i32
        %dma_wait3A_208 = tpu.memref_slice %arg12[%dma_wait3A_206, %dma_wait3A_207] : memref<10240x32xf32, #tpu.memory_space<vmem_shared>> -> memref<10240x32xf32, #tpu.memory_space<vmem_shared>>
        tpu.wait_indirect_dma semaphore(%arg19 : memref<!tpu.dma_semaphore, #tpu.memory_space<semaphore_mem>>) src(%arg9 : memref<256x32xf32, #tpu.memory_space<vmem>>) dst(%dma_wait3A_208 : memref<10240x32xf32, #tpu.memory_space<vmem_shared>>)
        %add3A_209 = arith.constant 1 : i32
        %add3A_210 = arith.addi %mul3A_116, %add3A_209 : i32
        %add3A_211 = arith.constant 4 : i32
        %add3A_212 = arith.addi %add3A_210, %add3A_211 : i32
        %mul3A_213 = arith.constant 256 : i32
        %mul3A_214 = arith.muli %add3A_212, %mul3A_213 : i32
        %dma_start3A_215 = tpu.memref_slice %arg6[%mul3A_214] : memref<10240xi32, #tpu.memory_space<vmem>> -> memref<256xi32, #tpu.memory_space<vmem>>
        %dma_start3A_216 = arith.constant 0 : i32
        %dma_start3A_217 = arith.constant 0 : i32
        %dma_start3A_218 = tpu.memref_slice %arg13[%dma_start3A_216, %dma_start3A_217] : memref<10240x32xf32, #tpu.memory_space<vmem_shared>> -> memref<10240x32xf32, #tpu.memory_space<vmem_shared>>
        tpu.enqueue_indirect_dma source(%dma_start3A_218 : memref<10240x32xf32, #tpu.memory_space<vmem_shared>>) target(%arg9 : memref<256x32xf32, #tpu.memory_space<vmem>>) offsets(%dma_start3A_215 : memref<256xi32, #tpu.memory_space<vmem>>) semaphore(%arg15 : memref<!tpu.dma_semaphore, #tpu.memory_space<semaphore_mem>>)
        %add3A_219 = arith.constant 2 : i32
        %add3A_220 = arith.addi %mul3A_116, %add3A_219 : i32
        %mul3A_221 = arith.constant 256 : i32
        %mul3A_222 = arith.muli %add3A_220, %mul3A_221 : i32
        %dma_wait3A_223 = tpu.memref_slice %arg7[%mul3A_222] : memref<10240xi32, #tpu.memory_space<vmem>> -> memref<256xi32, #tpu.memory_space<vmem>>
        %dma_wait3A_224 = arith.constant 0 : i32
        %dma_wait3A_225 = arith.constant 0 : i32
        %dma_wait3A_226 = tpu.memref_slice %arg12[%dma_wait3A_224, %dma_wait3A_225] : memref<10240x32xf32, #tpu.memory_space<vmem_shared>> -> memref<10240x32xf32, #tpu.memory_space<vmem_shared>>
        tpu.wait_indirect_dma semaphore(%arg20 : memref<!tpu.dma_semaphore, #tpu.memory_space<semaphore_mem>>) src(%arg10 : memref<256x32xf32, #tpu.memory_space<vmem>>) dst(%dma_wait3A_226 : memref<10240x32xf32, #tpu.memory_space<vmem_shared>>)
        %add3A_227 = arith.constant 2 : i32
        %add3A_228 = arith.addi %mul3A_116, %add3A_227 : i32
        %add3A_229 = arith.constant 4 : i32
        %add3A_230 = arith.addi %add3A_228, %add3A_229 : i32
        %mul3A_231 = arith.constant 256 : i32
        %mul3A_232 = arith.muli %add3A_230, %mul3A_231 : i32
        %dma_start3A_233 = tpu.memref_slice %arg6[%mul3A_232] : memref<10240xi32, #tpu.memory_space<vmem>> -> memref<256xi32, #tpu.memory_space<vmem>>
        %dma_start3A_234 = arith.constant 0 : i32
        %dma_start3A_235 = arith.constant 0 : i32
        %dma_start3A_236 = tpu.memref_slice %arg13[%dma_start3A_234, %dma_start3A_235] : memref<10240x32xf32, #tpu.memory_space<vmem_shared>> -> memref<10240x32xf32, #tpu.memory_space<vmem_shared>>
        tpu.enqueue_indirect_dma source(%dma_start3A_236 : memref<10240x32xf32, #tpu.memory_space<vmem_shared>>) target(%arg10 : memref<256x32xf32, #tpu.memory_space<vmem>>) offsets(%dma_start3A_233 : memref<256xi32, #tpu.memory_space<vmem>>) semaphore(%arg16 : memref<!tpu.dma_semaphore, #tpu.memory_space<semaphore_mem>>)
        %add3A_237 = arith.constant 3 : i32
        %add3A_238 = arith.addi %mul3A_116, %add3A_237 : i32
        %mul3A_239 = arith.constant 256 : i32
        %mul3A_240 = arith.muli %add3A_238, %mul3A_239 : i32
        %dma_wait3A_241 = tpu.memref_slice %arg7[%mul3A_240] : memref<10240xi32, #tpu.memory_space<vmem>> -> memref<256xi32, #tpu.memory_space<vmem>>
        %dma_wait3A_242 = arith.constant 0 : i32
        %dma_wait3A_243 = arith.constant 0 : i32
        %dma_wait3A_244 = tpu.memref_slice %arg12[%dma_wait3A_242, %dma_wait3A_243] : memref<10240x32xf32, #tpu.memory_space<vmem_shared>> -> memref<10240x32xf32, #tpu.memory_space<vmem_shared>>
        tpu.wait_indirect_dma semaphore(%arg21 : memref<!tpu.dma_semaphore, #tpu.memory_space<semaphore_mem>>) src(%arg11 : memref<256x32xf32, #tpu.memory_space<vmem>>) dst(%dma_wait3A_244 : memref<10240x32xf32, #tpu.memory_space<vmem_shared>>)
        %add3A_245 = arith.constant 3 : i32
        %add3A_246 = arith.addi %mul3A_116, %add3A_245 : i32
        %add3A_247 = arith.constant 4 : i32
        %add3A_248 = arith.addi %add3A_246, %add3A_247 : i32
        %mul3A_249 = arith.constant 256 : i32
        %mul3A_250 = arith.muli %add3A_248, %mul3A_249 : i32
        %dma_start3A_251 = tpu.memref_slice %arg6[%mul3A_250] : memref<10240xi32, #tpu.memory_space<vmem>> -> memref<256xi32, #tpu.memory_space<vmem>>
        %dma_start3A_252 = arith.constant 0 : i32
        %dma_start3A_253 = arith.constant 0 : i32
        %dma_start3A_254 = tpu.memref_slice %arg13[%dma_start3A_252, %dma_start3A_253] : memref<10240x32xf32, #tpu.memory_space<vmem_shared>> -> memref<10240x32xf32, #tpu.memory_space<vmem_shared>>
        tpu.enqueue_indirect_dma source(%dma_start3A_254 : memref<10240x32xf32, #tpu.memory_space<vmem_shared>>) target(%arg11 : memref<256x32xf32, #tpu.memory_space<vmem>>) offsets(%dma_start3A_251 : memref<256xi32, #tpu.memory_space<vmem>>) semaphore(%arg17 : memref<!tpu.dma_semaphore, #tpu.memory_space<semaphore_mem>>)
      } else {
      }
    }
    %scan3A_88 = arith.constant 10 : i32
    %dma_wait3A_89 = arith.constant 9216 : i32
    %dma_wait3A_90 = tpu.memref_slice %arg7[%dma_wait3A_89] : memref<10240xi32, #tpu.memory_space<vmem>> -> memref<256xi32, #tpu.memory_space<vmem>>
    %dma_wait3A_91 = arith.constant 0 : i32
    %dma_wait3A_92 = arith.constant 0 : i32
    %dma_wait3A_93 = tpu.memref_slice %arg12[%dma_wait3A_91, %dma_wait3A_92] : memref<10240x32xf32, #tpu.memory_space<vmem_shared>> -> memref<10240x32xf32, #tpu.memory_space<vmem_shared>>
    tpu.wait_indirect_dma semaphore(%arg18 : memref<!tpu.dma_semaphore, #tpu.memory_space<semaphore_mem>>) src(%arg8 : memref<256x32xf32, #tpu.memory_space<vmem>>) dst(%dma_wait3A_93 : memref<10240x32xf32, #tpu.memory_space<vmem_shared>>)
    %dma_wait3A_94 = arith.constant 9472 : i32
    %dma_wait3A_95 = tpu.memref_slice %arg7[%dma_wait3A_94] : memref<10240xi32, #tpu.memory_space<vmem>> -> memref<256xi32, #tpu.memory_space<vmem>>
    %dma_wait3A_96 = arith.constant 0 : i32
    %dma_wait3A_97 = arith.constant 0 : i32
    %dma_wait3A_98 = tpu.memref_slice %arg12[%dma_wait3A_96, %dma_wait3A_97] : memref<10240x32xf32, #tpu.memory_space<vmem_shared>> -> memref<10240x32xf32, #tpu.memory_space<vmem_shared>>
    tpu.wait_indirect_dma semaphore(%arg19 : memref<!tpu.dma_semaphore, #tpu.memory_space<semaphore_mem>>) src(%arg9 : memref<256x32xf32, #tpu.memory_space<vmem>>) dst(%dma_wait3A_98 : memref<10240x32xf32, #tpu.memory_space<vmem_shared>>)
    %dma_wait3A_99 = arith.constant 9728 : i32
    %dma_wait3A_100 = tpu.memref_slice %arg7[%dma_wait3A_99] : memref<10240xi32, #tpu.memory_space<vmem>> -> memref<256xi32, #tpu.memory_space<vmem>>
    %dma_wait3A_101 = arith.constant 0 : i32
    %dma_wait3A_102 = arith.constant 0 : i32
    %dma_wait3A_103 = tpu.memref_slice %arg12[%dma_wait3A_101, %dma_wait3A_102] : memref<10240x32xf32, #tpu.memory_space<vmem_shared>> -> memref<10240x32xf32, #tpu.memory_space<vmem_shared>>
    tpu.wait_indirect_dma semaphore(%arg20 : memref<!tpu.dma_semaphore, #tpu.memory_space<semaphore_mem>>) src(%arg10 : memref<256x32xf32, #tpu.memory_space<vmem>>) dst(%dma_wait3A_103 : memref<10240x32xf32, #tpu.memory_space<vmem_shared>>)
    %dma_wait3A_104 = arith.constant 9984 : i32
    %dma_wait3A_105 = tpu.memref_slice %arg7[%dma_wait3A_104] : memref<10240xi32, #tpu.memory_space<vmem>> -> memref<256xi32, #tpu.memory_space<vmem>>
    %dma_wait3A_106 = arith.constant 0 : i32
    %dma_wait3A_107 = arith.constant 0 : i32
    %dma_wait3A_108 = tpu.memref_slice %arg12[%dma_wait3A_106, %dma_wait3A_107] : memref<10240x32xf32, #tpu.memory_space<vmem_shared>> -> memref<10240x32xf32, #tpu.memory_space<vmem_shared>>
    tpu.wait_indirect_dma semaphore(%arg21 : memref<!tpu.dma_semaphore, #tpu.memory_space<semaphore_mem>>) src(%arg11 : memref<256x32xf32, #tpu.memory_space<vmem>>) dst(%dma_wait3A_108 : memref<10240x32xf32, #tpu.memory_space<vmem_shared>>)
    %barrier3A_109 = arith.constant 0 : index
    tpu.barrier barrier_id(%barrier3A_109)
    %mul3A_110 = arith.constant 640 : i32
    %mul3A_111 = arith.muli %arg1, %mul3A_110 : i32
    %mul3A_112 = arith.constant 640 : i32
    %mul3A_113 = arith.muli %arg1, %mul3A_112 : i32
    "tpu.region"() ({
      %run_scoped3A = tpu.sem_alloc : memref<!tpu.dma_semaphore, #tpu.memory_space<semaphore_mem>>
      %dma_start3A_114 = arith.constant 0 : i32
      %dma_start3A_115 = tpu.memref_slice %arg5[%arg0, %mul3A_113, %dma_start3A_114] : memref<2x10240x32xf32, #tpu.memory_space<hbm>> -> memref<1x640x32xf32, #tpu.memory_space<hbm>>
      %dma_start3A_116 = tpu.memref_squeeze %dma_start3A_115 : memref<1x640x32xf32, #tpu.memory_space<hbm>> -> memref<640x32xf32, #tpu.memory_space<hbm>>
      %dma_start3A_117 = arith.constant 0 : i32
      %dma_start3A_118 = tpu.memref_slice %arg12[%mul3A_111, %dma_start3A_117] : memref<10240x32xf32, #tpu.memory_space<vmem_shared>> -> memref<640x32xf32, #tpu.memory_space<vmem_shared>>
      tpu.enqueue_dma source(%dma_start3A_118 : memref<640x32xf32, #tpu.memory_space<vmem_shared>>) target(%dma_start3A_116 : memref<640x32xf32, #tpu.memory_space<hbm>>) target_semaphore(%run_scoped3A : memref<!tpu.dma_semaphore, #tpu.memory_space<semaphore_mem>>)
      %dma_wait3A_119 = arith.constant 0 : i32
      %dma_wait3A_120 = tpu.memref_slice %arg5[%arg0, %mul3A_113, %dma_wait3A_119] : memref<2x10240x32xf32, #tpu.memory_space<hbm>> -> memref<1x640x32xf32, #tpu.memory_space<hbm>>
      %dma_wait3A_121 = tpu.memref_squeeze %dma_wait3A_120 : memref<1x640x32xf32, #tpu.memory_space<hbm>> -> memref<640x32xf32, #tpu.memory_space<hbm>>
      %dma_wait3A_122 = arith.constant 0 : i32
      %dma_wait3A_123 = tpu.memref_slice %arg12[%mul3A_111, %dma_wait3A_122] : memref<10240x32xf32, #tpu.memory_space<vmem_shared>> -> memref<640x32xf32, #tpu.memory_space<vmem_shared>>
      tpu.wait_dma2 semaphore(%run_scoped3A : memref<!tpu.dma_semaphore, #tpu.memory_space<semaphore_mem>>) src(%dma_wait3A_123 : memref<640x32xf32, #tpu.memory_space<vmem_shared>>) dst(%dma_wait3A_121 : memref<640x32xf32, #tpu.memory_space<hbm>>)
      tpu.yield
    }) : () -> ()
    return
  }
}

module attributes {stable_mosaic.version = 14 : i64} {
  func.func @_stage_a_body(%arg0: i32, %arg1: memref<2560x128xf32, #tpu.memory_space<vmem>>, %arg2: memref<128x32xf32, #tpu.memory_space<vmem>>, %arg3: memref<2x2560x8xf32, #tpu.memory_space<vmem>>, %arg4: memref<2560x32xf32, #tpu.memory_space<vmem>>, %arg5: memref<2560x32xf32, #tpu.memory_space<vmem>>) attributes {dimension_semantics = [#tpu.dimension_semantics<arbitrary>], iteration_bounds = array<i64: 4>, scalar_prefetch = 0 : i64, scratch_operands = 0 : i64, tpu.core_type = #tpu.core_type<tc>, window_params = [{transform_indices = @transform_0, window_bounds = array<i64: 2560, 128>}, {pipeline_mode = #tpu.pipeline_mode<synchronous>, transform_indices = @transform_1, window_bounds = array<i64: 128, 32>}, {transform_indices = @transform_2, window_bounds = array<i64: 2, 2560, 8>}, {transform_indices = @transform_3, window_bounds = array<i64: 2560, 32>}, {transform_indices = @transform_4, window_bounds = array<i64: 2560, 32>}]} {
    %get3A = arith.constant 0 : index
    %get3A_0 = arith.constant 0 : index
    %get3A_1 = vector.load %arg1[%get3A, %get3A_0] : memref<2560x128xf32, #tpu.memory_space<vmem>>, vector<2560x128xf32>
    %get3A_2 = arith.constant 0 : index
    %get3A_3 = arith.constant 0 : index
    %get3A_4 = vector.load %arg2[%get3A_2, %get3A_3] : memref<128x32xf32, #tpu.memory_space<vmem>>, vector<128x32xf32>
    %dot_general3A = arith.constant dense<0.000000e+00> : vector<2560x32xf32>
    %dot_general3A_5 = tpu.matmul %get3A_1, %get3A_4, %dot_general3A {dimension_numbers = #tpu.dot_dimension_numbers<[1], [0], [0], [1], [0, 0, 1, 1], [], []>, transpose_lhs_hint = false} : vector<2560x128xf32>, vector<128x32xf32>, vector<2560x32xf32> -> vector<2560x32xf32>
    %get3A_6 = arith.constant 0 : index
    %get3A_7 = arith.constant 0 : index
    %get3A_8 = arith.constant 0 : index
    %get3A_9 = vector.load %arg3[%get3A_6, %get3A_7, %get3A_8] : memref<2x2560x8xf32, #tpu.memory_space<vmem>>, vector<1x2560x1xf32>
    %get3A_10 = vector.shape_cast %get3A_9 : vector<1x2560x1xf32> to vector<2560x1xf32>
    %get3A_11 = arith.constant 1 : index
    %get3A_12 = arith.constant 0 : index
    %get3A_13 = arith.constant 0 : index
    %get3A_14 = vector.load %arg3[%get3A_11, %get3A_12, %get3A_13] : memref<2x2560x8xf32, #tpu.memory_space<vmem>>, vector<1x2560x1xf32>
    %get3A_15 = vector.shape_cast %get3A_14 : vector<1x2560x1xf32> to vector<2560x1xf32>
    %add3A = arith.addf %get3A_10, %get3A_15 : vector<2560x1xf32>
    %add3A_16 = arith.constant 1.000000e+00 : f32
    %add3A_17 = vector.broadcast %add3A_16 : f32 to vector<2560x1xf32>
    %add3A_18 = arith.addf %add3A, %add3A_17 : vector<2560x1xf32>
    %rsqrt3A = math.rsqrt %add3A_18 : vector<2560x1xf32>
    %mul3A = vector.broadcast %rsqrt3A : vector<2560x1xf32> to vector<2560x32xf32>
    %mul3A_19 = arith.mulf %dot_general3A_5, %mul3A : vector<2560x32xf32>
    %swap3A = arith.constant 0 : index
    %swap3A_20 = arith.constant 0 : index
    %swap3A_21 = vector.load %arg4[%swap3A, %swap3A_20] : memref<2560x32xf32, #tpu.memory_space<vmem>>, vector<2560x32xf32>
    tpu.vector_store %arg4[%swap3A, %swap3A_20], %mul3A_19 {strides = array<i32>} : memref<2560x32xf32, #tpu.memory_space<vmem>>, vector<2560x32xf32>,
    %broadcast_in_dim3A = vector.shape_cast %rsqrt3A : vector<2560x1xf32> to vector<2560x1xf32>
    %broadcast_in_dim3A_22 = vector.broadcast %broadcast_in_dim3A : vector<2560x1xf32> to vector<2560x32xf32>
    %swap3A_23 = arith.constant 0 : index
    %swap3A_24 = arith.constant 0 : index
    %swap3A_25 = vector.load %arg5[%swap3A_23, %swap3A_24] : memref<2560x32xf32, #tpu.memory_space<vmem>>, vector<2560x32xf32>
    tpu.vector_store %arg5[%swap3A_23, %swap3A_24], %broadcast_in_dim3A_22 {strides = array<i32>} : memref<2560x32xf32, #tpu.memory_space<vmem>>, vector<2560x32xf32>,
    return
  }
  func.func @transform_0(%arg0: i32) -> (i32, i32) {
    %c0_i32 = arith.constant 0 : i32
    %c0_i32_0 = arith.constant 0 : i32
    return %arg0, %c0_i32 : i32, i32
  }
  func.func @transform_1(%arg0: i32) -> (i32, i32) {
    %c0_i32 = arith.constant 0 : i32
    %c0_i32_0 = arith.constant 0 : i32
    %c0_i32_1 = arith.constant 0 : i32
    return %c0_i32, %c0_i32_0 : i32, i32
  }
  func.func @transform_2(%arg0: i32) -> (i32, i32, i32) {
    %c0_i32 = arith.constant 0 : i32
    %c0_i32_0 = arith.constant 0 : i32
    %c0_i32_1 = arith.constant 0 : i32
    return %c0_i32, %arg0, %c0_i32_0 : i32, i32, i32
  }
  func.func @transform_3(%arg0: i32) -> (i32, i32) {
    %c0_i32 = arith.constant 0 : i32
    %c0_i32_0 = arith.constant 0 : i32
    return %arg0, %c0_i32 : i32, i32
  }
  func.func @transform_4(%arg0: i32) -> (i32, i32) {
    %c0_i32 = arith.constant 0 : i32
    %c0_i32_0 = arith.constant 0 : i32
    return %arg0, %c0_i32 : i32, i32
  }
}

module attributes {stable_mosaic.version = 14 : i64} {
  func.func @_stage_bc_body(%arg0: i32, %arg1: memref<2x5000x32xf32, #tpu.memory_space<vmem>>, %arg2: memref<5000x32xf32, #tpu.memory_space<vmem>>, %arg3: memref<5000x32xf32, #tpu.memory_space<vmem>>, %arg4: memref<1x32xf32, #tpu.memory_space<vmem>>, %arg5: memref<1x32xf32, #tpu.memory_space<vmem>>, %arg6: memref<1x32xf32, #tpu.memory_space<vmem>>, %arg7: memref<32x32xf32, #tpu.memory_space<vmem>>, %arg8: memref<5000x32xf32, #tpu.memory_space<vmem>>) attributes {dimension_semantics = [#tpu.dimension_semantics<arbitrary>], iteration_bounds = array<i64: 2>, scalar_prefetch = 0 : i64, scratch_operands = 0 : i64, tpu.core_type = #tpu.core_type<tc>, window_params = [{transform_indices = @transform_0, window_bounds = array<i64: 2, 5000, 32>}, {transform_indices = @transform_1, window_bounds = array<i64: 5000, 32>}, {transform_indices = @transform_2, window_bounds = array<i64: 5000, 32>}, {pipeline_mode = #tpu.pipeline_mode<synchronous>, transform_indices = @transform_3, window_bounds = array<i64: 1, 32>}, {pipeline_mode = #tpu.pipeline_mode<synchronous>, transform_indices = @transform_4, window_bounds = array<i64: 1, 32>}, {pipeline_mode = #tpu.pipeline_mode<synchronous>, transform_indices = @transform_5, window_bounds = array<i64: 1, 32>}, {pipeline_mode = #tpu.pipeline_mode<synchronous>, transform_indices = @transform_6, window_bounds = array<i64: 32, 32>}, {transform_indices = @transform_7, window_bounds = array<i64: 5000, 32>}]} {
    %get3A = arith.constant 0 : index
    %get3A_0 = arith.constant 0 : index
    %get3A_1 = vector.load %arg3[%get3A, %get3A_0] : memref<5000x32xf32, #tpu.memory_space<vmem>>, vector<5000x32xf32>
    %get3A_2 = arith.constant 0 : index
    %get3A_3 = arith.constant 0 : index
    %get3A_4 = arith.constant 0 : index
    %get3A_5 = vector.load %arg1[%get3A_2, %get3A_3, %get3A_4] : memref<2x5000x32xf32, #tpu.memory_space<vmem>>, vector<1x5000x32xf32>
    %get3A_6 = vector.shape_cast %get3A_5 : vector<1x5000x32xf32> to vector<5000x32xf32>
    %get3A_7 = arith.constant 1 : index
    %get3A_8 = arith.constant 0 : index
    %get3A_9 = arith.constant 0 : index
    %get3A_10 = vector.load %arg1[%get3A_7, %get3A_8, %get3A_9] : memref<2x5000x32xf32, #tpu.memory_space<vmem>>, vector<1x5000x32xf32>
    %get3A_11 = vector.shape_cast %get3A_10 : vector<1x5000x32xf32> to vector<5000x32xf32>
    %add3A = arith.addf %get3A_6, %get3A_11 : vector<5000x32xf32>
    %get3A_12 = arith.constant 0 : index
    %get3A_13 = arith.constant 0 : index
    %get3A_14 = vector.load %arg2[%get3A_12, %get3A_13] : memref<5000x32xf32, #tpu.memory_space<vmem>>, vector<5000x32xf32>
    %add3A_15 = arith.addf %add3A, %get3A_14 : vector<5000x32xf32>
    %mul3A = arith.mulf %get3A_1, %add3A_15 : vector<5000x32xf32>
    %get3A_16 = arith.constant 0 : index
    %get3A_17 = arith.constant 0 : index
    %get3A_18 = vector.load %arg4[%get3A_16, %get3A_17] : memref<1x32xf32, #tpu.memory_space<vmem>>, vector<1x32xf32>
    %add3A_19 = vector.broadcast %get3A_18 : vector<1x32xf32> to vector<5000x32xf32>
    %add3A_20 = arith.addf %mul3A, %add3A_19 : vector<5000x32xf32>
    %max3A = arith.constant 0.000000e+00 : f32
    %max3A_21 = vector.broadcast %max3A : f32 to vector<5000x32xf32>
    %max3A_22 = arith.maximumf %add3A_20, %max3A_21 : vector<5000x32xf32>
    %reduce_sum3A = arith.constant dense<0.000000e+00> : vector<5000xf32>
    %reduce_sum3A_23 = vector.multi_reduction <add>, %max3A_22, %reduce_sum3A [1] : vector<5000x32xf32> to vector<5000xf32>
    %broadcast_in_dim3A = vector.shape_cast %reduce_sum3A_23 : vector<5000xf32> to vector<5000x1xf32>
    %div3A = arith.constant 3.200000e+01 : f32
    %div3A_24 = vector.broadcast %div3A : f32 to vector<5000x1xf32>
    %div3A_25 = arith.divf %broadcast_in_dim3A, %div3A_24 : vector<5000x1xf32>
    %sub3A = vector.broadcast %div3A_25 : vector<5000x1xf32> to vector<5000x32xf32>
    %sub3A_26 = arith.subf %max3A_22, %sub3A : vector<5000x32xf32>
    %integer_pow3A = arith.mulf %sub3A_26, %sub3A_26 : vector<5000x32xf32>
    %reduce_sum3A_27 = arith.constant dense<0.000000e+00> : vector<5000xf32>
    %reduce_sum3A_28 = vector.multi_reduction <add>, %integer_pow3A, %reduce_sum3A_27 [1] : vector<5000x32xf32> to vector<5000xf32>
    %broadcast_in_dim3A_29 = vector.shape_cast %reduce_sum3A_28 : vector<5000xf32> to vector<5000x1xf32>
    %div3A_30 = arith.constant 3.200000e+01 : f32
    %div3A_31 = vector.broadcast %div3A_30 : f32 to vector<5000x1xf32>
    %div3A_32 = arith.divf %broadcast_in_dim3A_29, %div3A_31 : vector<5000x1xf32>
    %sub3A_33 = vector.broadcast %div3A_25 : vector<5000x1xf32> to vector<5000x32xf32>
    %sub3A_34 = arith.subf %max3A_22, %sub3A_33 : vector<5000x32xf32>
    %add3A_35 = arith.constant 9.99999974E-6 : f32
    %add3A_36 = vector.broadcast %add3A_35 : f32 to vector<5000x1xf32>
    %add3A_37 = arith.addf %div3A_32, %add3A_36 : vector<5000x1xf32>
    %sqrt3A = math.sqrt %add3A_37 : vector<5000x1xf32>
    %div3A_38 = vector.broadcast %sqrt3A : vector<5000x1xf32> to vector<5000x32xf32>
    %div3A_39 = arith.divf %sub3A_34, %div3A_38 : vector<5000x32xf32>
    %get3A_40 = arith.constant 0 : index
    %get3A_41 = arith.constant 0 : index
    %get3A_42 = vector.load %arg5[%get3A_40, %get3A_41] : memref<1x32xf32, #tpu.memory_space<vmem>>, vector<1x32xf32>
    %mul3A_43 = vector.broadcast %get3A_42 : vector<1x32xf32> to vector<5000x32xf32>
    %mul3A_44 = arith.mulf %div3A_39, %mul3A_43 : vector<5000x32xf32>
    %get3A_45 = arith.constant 0 : index
    %get3A_46 = arith.constant 0 : index
    %get3A_47 = vector.load %arg6[%get3A_45, %get3A_46] : memref<1x32xf32, #tpu.memory_space<vmem>>, vector<1x32xf32>
    %add3A_48 = vector.broadcast %get3A_47 : vector<1x32xf32> to vector<5000x32xf32>
    %add3A_49 = arith.addf %mul3A_44, %add3A_48 : vector<5000x32xf32>
    %get3A_50 = arith.constant 0 : index
    %get3A_51 = arith.constant 0 : index
    %get3A_52 = vector.load %arg7[%get3A_50, %get3A_51] : memref<32x32xf32, #tpu.memory_space<vmem>>, vector<32x32xf32>
    %dot_general3A = arith.constant dense<0.000000e+00> : vector<5000x32xf32>
    %dot_general3A_53 = tpu.matmul %add3A_49, %get3A_52, %dot_general3A {dimension_numbers = #tpu.dot_dimension_numbers<[1], [0], [0], [1], [0, 0, 1, 1], [], []>, transpose_lhs_hint = false} : vector<5000x32xf32>, vector<32x32xf32>, vector<5000x32xf32> -> vector<5000x32xf32>
    %mul3A_54 = arith.mulf %dot_general3A_53, %get3A_1 : vector<5000x32xf32>
    %swap3A = arith.constant 0 : index
    %swap3A_55 = arith.constant 0 : index
    %swap3A_56 = vector.load %arg8[%swap3A, %swap3A_55] : memref<5000x32xf32, #tpu.memory_space<vmem>>, vector<5000x32xf32>
    tpu.vector_store %arg8[%swap3A, %swap3A_55], %mul3A_54 {strides = array<i32>} : memref<5000x32xf32, #tpu.memory_space<vmem>>, vector<5000x32xf32>,
    return
  }
  func.func @transform_0(%arg0: i32) -> (i32, i32, i32) {
    %c0_i32 = arith.constant 0 : i32
    %c0_i32_0 = arith.constant 0 : i32
    %c0_i32_1 = arith.constant 0 : i32
    return %c0_i32, %arg0, %c0_i32_0 : i32, i32, i32
  }
  func.func @transform_1(%arg0: i32) -> (i32, i32) {
    %c0_i32 = arith.constant 0 : i32
    %c0_i32_0 = arith.constant 0 : i32
    return %arg0, %c0_i32 : i32, i32
  }
  func.func @transform_2(%arg0: i32) -> (i32, i32) {
    %c0_i32 = arith.constant 0 : i32
    %c0_i32_0 = arith.constant 0 : i32
    return %arg0, %c0_i32 : i32, i32
  }
  func.func @transform_3(%arg0: i32) -> (i32, i32) {
    %c0_i32 = arith.constant 0 : i32
    %c0_i32_0 = arith.constant 0 : i32
    %c0_i32_1 = arith.constant 0 : i32
    return %c0_i32, %c0_i32_0 : i32, i32
  }
  func.func @transform_4(%arg0: i32) -> (i32, i32) {
    %c0_i32 = arith.constant 0 : i32
    %c0_i32_0 = arith.constant 0 : i32
    %c0_i32_1 = arith.constant 0 : i32
    return %c0_i32, %c0_i32_0 : i32, i32
  }
  func.func @transform_5(%arg0: i32) -> (i32, i32) {
    %c0_i32 = arith.constant 0 : i32
    %c0_i32_0 = arith.constant 0 : i32
    %c0_i32_1 = arith.constant 0 : i32
    return %c0_i32, %c0_i32_0 : i32, i32
  }
  func.func @transform_6(%arg0: i32) -> (i32, i32) {
    %c0_i32 = arith.constant 0 : i32
    %c0_i32_0 = arith.constant 0 : i32
    %c0_i32_1 = arith.constant 0 : i32
    return %c0_i32, %c0_i32_0 : i32, i32
  }
  func.func @transform_7(%arg0: i32) -> (i32, i32) {
    %c0_i32 = arith.constant 0 : i32
    %c0_i32_0 = arith.constant 0 : i32
    return %arg0, %c0_i32 : i32, i32
  }
}

module attributes {stable_mosaic.version = 14 : i64} {
  func.func @_stage_d_body(%arg0: i32, %arg1: memref<2x5000x32xf32, #tpu.memory_space<vmem>>, %arg2: memref<5000x32xf32, #tpu.memory_space<vmem>>, %arg3: memref<5000x32xf32, #tpu.memory_space<vmem>>, %arg4: memref<1x32xf32, #tpu.memory_space<vmem>>, %arg5: memref<32x32xf32, #tpu.memory_space<vmem>>, %arg6: memref<1x32xf32, #tpu.memory_space<vmem>>, %arg7: memref<32x40xf32, #tpu.memory_space<vmem>>, %arg8: memref<1x40xf32, #tpu.memory_space<vmem>>, %arg9: memref<5000x32xf32, #tpu.memory_space<vmem>>, %arg10: memref<5000x40xf32, #tpu.memory_space<vmem>>) attributes {dimension_semantics = [#tpu.dimension_semantics<arbitrary>], iteration_bounds = array<i64: 2>, scalar_prefetch = 0 : i64, scratch_operands = 0 : i64, tpu.core_type = #tpu.core_type<tc>, window_params = [{transform_indices = @transform_0, window_bounds = array<i64: 2, 5000, 32>}, {transform_indices = @transform_1, window_bounds = array<i64: 5000, 32>}, {transform_indices = @transform_2, window_bounds = array<i64: 5000, 32>}, {pipeline_mode = #tpu.pipeline_mode<synchronous>, transform_indices = @transform_3, window_bounds = array<i64: 1, 32>}, {pipeline_mode = #tpu.pipeline_mode<synchronous>, transform_indices = @transform_4, window_bounds = array<i64: 32, 32>}, {pipeline_mode = #tpu.pipeline_mode<synchronous>, transform_indices = @transform_5, window_bounds = array<i64: 1, 32>}, {pipeline_mode = #tpu.pipeline_mode<synchronous>, transform_indices = @transform_6, window_bounds = array<i64: 32, 40>}, {pipeline_mode = #tpu.pipeline_mode<synchronous>, transform_indices = @transform_7, window_bounds = array<i64: 1, 40>}, {transform_indices = @transform_8, window_bounds = array<i64: 5000, 32>}, {transform_indices = @transform_9, window_bounds = array<i64: 5000, 40>}]} {
    %get3A = arith.constant 0 : index
    %get3A_0 = arith.constant 0 : index
    %get3A_1 = vector.load %arg3[%get3A, %get3A_0] : memref<5000x32xf32, #tpu.memory_space<vmem>>, vector<5000x32xf32>
    %get3A_2 = arith.constant 0 : index
    %get3A_3 = arith.constant 0 : index
    %get3A_4 = arith.constant 0 : index
    %get3A_5 = vector.load %arg1[%get3A_2, %get3A_3, %get3A_4] : memref<2x5000x32xf32, #tpu.memory_space<vmem>>, vector<1x5000x32xf32>
    %get3A_6 = vector.shape_cast %get3A_5 : vector<1x5000x32xf32> to vector<5000x32xf32>
    %get3A_7 = arith.constant 1 : index
    %get3A_8 = arith.constant 0 : index
    %get3A_9 = arith.constant 0 : index
    %get3A_10 = vector.load %arg1[%get3A_7, %get3A_8, %get3A_9] : memref<2x5000x32xf32, #tpu.memory_space<vmem>>, vector<1x5000x32xf32>
    %get3A_11 = vector.shape_cast %get3A_10 : vector<1x5000x32xf32> to vector<5000x32xf32>
    %add3A = arith.addf %get3A_6, %get3A_11 : vector<5000x32xf32>
    %get3A_12 = arith.constant 0 : index
    %get3A_13 = arith.constant 0 : index
    %get3A_14 = vector.load %arg2[%get3A_12, %get3A_13] : memref<5000x32xf32, #tpu.memory_space<vmem>>, vector<5000x32xf32>
    %add3A_15 = arith.addf %add3A, %get3A_14 : vector<5000x32xf32>
    %mul3A = arith.mulf %get3A_1, %add3A_15 : vector<5000x32xf32>
    %get3A_16 = arith.constant 0 : index
    %get3A_17 = arith.constant 0 : index
    %get3A_18 = vector.load %arg4[%get3A_16, %get3A_17] : memref<1x32xf32, #tpu.memory_space<vmem>>, vector<1x32xf32>
    %add3A_19 = vector.broadcast %get3A_18 : vector<1x32xf32> to vector<5000x32xf32>
    %add3A_20 = arith.addf %mul3A, %add3A_19 : vector<5000x32xf32>
    %swap3A = arith.constant 0 : index
    %swap3A_21 = arith.constant 0 : index
    %swap3A_22 = vector.load %arg9[%swap3A, %swap3A_21] : memref<5000x32xf32, #tpu.memory_space<vmem>>, vector<5000x32xf32>
    tpu.vector_store %arg9[%swap3A, %swap3A_21], %add3A_20 {strides = array<i32>} : memref<5000x32xf32, #tpu.memory_space<vmem>>, vector<5000x32xf32>,
    %max3A = arith.constant 0.000000e+00 : f32
    %max3A_23 = vector.broadcast %max3A : f32 to vector<5000x32xf32>
    %max3A_24 = arith.maximumf %add3A_20, %max3A_23 : vector<5000x32xf32>
    %get3A_25 = arith.constant 0 : index
    %get3A_26 = arith.constant 0 : index
    %get3A_27 = vector.load %arg5[%get3A_25, %get3A_26] : memref<32x32xf32, #tpu.memory_space<vmem>>, vector<32x32xf32>
    %dot_general3A = arith.constant dense<0.000000e+00> : vector<5000x32xf32>
    %dot_general3A_28 = tpu.matmul %max3A_24, %get3A_27, %dot_general3A {dimension_numbers = #tpu.dot_dimension_numbers<[1], [0], [0], [1], [0, 0, 1, 1], [], []>, transpose_lhs_hint = false} : vector<5000x32xf32>, vector<32x32xf32>, vector<5000x32xf32> -> vector<5000x32xf32>
    %get3A_29 = arith.constant 0 : index
    %get3A_30 = arith.constant 0 : index
    %get3A_31 = vector.load %arg6[%get3A_29, %get3A_30] : memref<1x32xf32, #tpu.memory_space<vmem>>, vector<1x32xf32>
    %add3A_32 = vector.broadcast %get3A_31 : vector<1x32xf32> to vector<5000x32xf32>
    %add3A_33 = arith.addf %dot_general3A_28, %add3A_32 : vector<5000x32xf32>
    %get3A_34 = arith.constant 0 : index
    %get3A_35 = arith.constant 0 : index
    %get3A_36 = vector.load %arg7[%get3A_34, %get3A_35] : memref<32x40xf32, #tpu.memory_space<vmem>>, vector<32x40xf32>
    %dot_general3A_37 = arith.constant dense<0.000000e+00> : vector<5000x40xf32>
    %dot_general3A_38 = tpu.matmul %add3A_33, %get3A_36, %dot_general3A_37 {dimension_numbers = #tpu.dot_dimension_numbers<[1], [0], [0], [1], [0, 0, 1, 1], [], []>, transpose_lhs_hint = false} : vector<5000x32xf32>, vector<32x40xf32>, vector<5000x40xf32> -> vector<5000x40xf32>
    %get3A_39 = arith.constant 0 : index
    %get3A_40 = arith.constant 0 : index
    %get3A_41 = vector.load %arg8[%get3A_39, %get3A_40] : memref<1x40xf32, #tpu.memory_space<vmem>>, vector<1x40xf32>
    %add3A_42 = vector.broadcast %get3A_41 : vector<1x40xf32> to vector<5000x40xf32>
    %add3A_43 = arith.addf %dot_general3A_38, %add3A_42 : vector<5000x40xf32>
    %reduce_max3A = arith.constant dense<0xFF800000> : vector<5000xf32>
    %reduce_max3A_44 = vector.multi_reduction <maximumf>, %add3A_43, %reduce_max3A [1] : vector<5000x40xf32> to vector<5000xf32>
    %broadcast_in_dim3A = vector.shape_cast %reduce_max3A_44 : vector<5000xf32> to vector<5000x1xf32>
    %sub3A = vector.broadcast %broadcast_in_dim3A : vector<5000x1xf32> to vector<5000x40xf32>
    %sub3A_45 = arith.subf %add3A_43, %sub3A : vector<5000x40xf32>
    %exp3A = math.exp %sub3A_45 : vector<5000x40xf32>
    %reduce_sum3A = arith.constant dense<0.000000e+00> : vector<5000xf32>
    %reduce_sum3A_46 = vector.multi_reduction <add>, %exp3A, %reduce_sum3A [1] : vector<5000x40xf32> to vector<5000xf32>
    %broadcast_in_dim3A_47 = vector.shape_cast %reduce_sum3A_46 : vector<5000xf32> to vector<5000x1xf32>
    %log3A = math.log %broadcast_in_dim3A_47 : vector<5000x1xf32>
    %add3A_48 = arith.addf %log3A, %broadcast_in_dim3A : vector<5000x1xf32>
    %sub3A_49 = vector.broadcast %add3A_48 : vector<5000x1xf32> to vector<5000x40xf32>
    %sub3A_50 = arith.subf %add3A_43, %sub3A_49 : vector<5000x40xf32>
    %swap3A_51 = arith.constant 0 : index
    %swap3A_52 = arith.constant 0 : index
    %swap3A_53 = vector.load %arg10[%swap3A_51, %swap3A_52] : memref<5000x40xf32, #tpu.memory_space<vmem>>, vector<5000x40xf32>
    tpu.vector_store %arg10[%swap3A_51, %swap3A_52], %sub3A_50 {strides = array<i32>} : memref<5000x40xf32, #tpu.memory_space<vmem>>, vector<5000x40xf32>,
    return
  }
  func.func @transform_0(%arg0: i32) -> (i32, i32, i32) {
    %c0_i32 = arith.constant 0 : i32
    %c0_i32_0 = arith.constant 0 : i32
    %c0_i32_1 = arith.constant 0 : i32
    return %c0_i32, %arg0, %c0_i32_0 : i32, i32, i32
  }
  func.func @transform_1(%arg0: i32) -> (i32, i32) {
    %c0_i32 = arith.constant 0 : i32
    %c0_i32_0 = arith.constant 0 : i32
    return %arg0, %c0_i32 : i32, i32
  }
  func.func @transform_2(%arg0: i32) -> (i32, i32) {
    %c0_i32 = arith.constant 0 : i32
    %c0_i32_0 = arith.constant 0 : i32
    return %arg0, %c0_i32 : i32, i32
  }
  func.func @transform_3(%arg0: i32) -> (i32, i32) {
    %c0_i32 = arith.constant 0 : i32
    %c0_i32_0 = arith.constant 0 : i32
    %c0_i32_1 = arith.constant 0 : i32
    return %c0_i32, %c0_i32_0 : i32, i32
  }
  func.func @transform_4(%arg0: i32) -> (i32, i32) {
    %c0_i32 = arith.constant 0 : i32
    %c0_i32_0 = arith.constant 0 : i32
    %c0_i32_1 = arith.constant 0 : i32
    return %c0_i32, %c0_i32_0 : i32, i32
  }
  func.func @transform_5(%arg0: i32) -> (i32, i32) {
    %c0_i32 = arith.constant 0 : i32
    %c0_i32_0 = arith.constant 0 : i32
    %c0_i32_1 = arith.constant 0 : i32
    return %c0_i32, %c0_i32_0 : i32, i32
  }
  func.func @transform_6(%arg0: i32) -> (i32, i32) {
    %c0_i32 = arith.constant 0 : i32
    %c0_i32_0 = arith.constant 0 : i32
    %c0_i32_1 = arith.constant 0 : i32
    return %c0_i32, %c0_i32_0 : i32, i32
  }
  func.func @transform_7(%arg0: i32) -> (i32, i32) {
    %c0_i32 = arith.constant 0 : i32
    %c0_i32_0 = arith.constant 0 : i32
    %c0_i32_1 = arith.constant 0 : i32
    return %c0_i32, %c0_i32_0 : i32, i32
  }
  func.func @transform_8(%arg0: i32) -> (i32, i32) {
    %c0_i32 = arith.constant 0 : i32
    %c0_i32_0 = arith.constant 0 : i32
    return %arg0, %c0_i32 : i32, i32
  }
  func.func @transform_9(%arg0: i32) -> (i32, i32) {
    %c0_i32 = arith.constant 0 : i32
    %c0_i32_0 = arith.constant 0 : i32
    return %arg0, %c0_i32 : i32, i32
  }
}

</mosaic_0001>

<sc_bundles>
// kernel: kernel.10.cloned.1.call-start
scs
__scs_entry_jumppad:
0x0: {  	(pc) =	sbr.rel $0x88, $3  }
0x1: {  	(tag) =	ssettag $0x0;
	lr =	simm.s32 $0x1  }
0x2: {  	[smem:$0x3F91] =	sst lr;
	_ =	strace $0xD0000000  }
0x3: {  	_ = 	snop  }
0x4: {  	_ = 	snop  }
0x5: {  	_ = 	snop  }
0x6: {  	_ = 	snop  }
0x7: {  	_ = 	snop  }
__scs_overlays_trampoline_lowered:
0x8: {  	[smem:$0x3FA0] =	sst s0  }
0x9: {  	[smem:$0x3FA1] =	sst s1  }
0xa: {  	[smem:$0x3FA2] =	sst s2  }
0xb: {  	[smem:$0x3FA3] =	sst s3  }
0xc: {  	[smem:$0x3FA4] =	sst s4  }
0xd: {  	[smem:$0x3FA5] =	sst s5  }
0xe: {  	[smem:$0x3FA6] =	sst s6  }
0xf: {  	[smem:$0x3FA7] =	sst s7  }
0x10: {  	[smem:$0x3FA8] =	sst s8  }
0x11: {  	[smem:$0x3FA9] =	sst s9;
	s0 =	simm.s32 @!p0 $0x0  }
0x12: {  	s1 =	sld [smem:$0x3F8F];
	s0 =	simm.s32 @p0 $0x1  }
0x13: {  	[smem:$0x3FAA] =	sst s0;
	s0 =	simm.s32 @!p1 $0x0  }
0x14: {  	s2 =	sld [smem:$0x3F8E];
	s0 =	simm.s32 @p1 $0x1  }
0x15: {  	[smem:$0x3FAB] =	sst s0;
	s0 =	simm.s32 @!p2 $0x0  }
0x16: {  	s3 =	sld [smem:$0x3FDB];
	s0 =	simm.s32 @p2 $0x1  }
0x17: {  	s4 =	simm.s32 $0x1BF5;
	[smem:$0x3FAD] =	sst s0  }
0x18: {  	s0 =	sld [smem:$0x3F90];
	_ =	swait.ge [sflag:s4], $0x0  }
0x19: {  	s7 =	sld [smem:$0x3F91]  }
0x1a: {  	s8 =	sadd.s32 $0xFFFFE003, lr  }
0x1b: {  	s9 =	sadd.s32 $0xFFFFFEF7, lr;
	s5 =	simm.s32 $0xFFFFFFFF;
	p2 =	slt.u32 s8, $0xFFFFF086  }
0x1c: {  	p1 =	slt.u32 s9, $0xF7A;
	s5 =	simm.s32 @!p2 $0x0  }
0x1d: {  	s5 =	simm.s32 @p1 $0x1;
	p0 =	seq.s32 s7, s2  }
0x1e: {  	s7 =	smul.u32 @!p0 $0xF7A, s2;
	p2 =	seq.s32 @!p0 s5, $0x0  }
0x1f: {  	s9 =	smul.u32 $0xF7A, s1;
	s8 =	simm.s32 @!p0 $0x1BF5;
	p2 =	por !p2, p0  }
0x20: {  	[sflag:s8] =	ssyncset.s32 @!p0 $0xFFFFF086;
	s6 =	sadd.s32 @!p0 s3, s7;
	s7 =	simm.s32 @!p0 $0x108  }
0x21: {  	s3 =	sadd.s32 s3, s9;
	s6 =	sadd.s32 @!p0 $0x88, s6;
	s7 =	simm.s32 @p2 $0x1082  }
0x22: {  	[simem:s7], [sflag:s8] =	dma.local @!p0 [hbm:s6], $0xF7A  }
0x23: {  	s9 =	sor.u32 $0xD0000000, s2;
	s6 =	simm.s32 $0x108;
	_ =	swait.ge @!p0 [sflag:s8], $0x0  }
0x24: {  	s3 =	sadd.s32 $0x88, s3;
	s6 =	simm.s32 @!p1 $0x1082;
	[sflag:s4] =	ssyncset.s32 $0xFFFFF086  }
0x25: {  	[simem:s6], [sflag:s4] =	dma.local [hbm:s3], $0xF7A  }
0x26: {  	[smem:$0x3F91] =	sst s1;
	(tag) =	ssettag s2;
	_ =	strace s9  }
0x27: {  	s1 =	sld [smem:$0x3FA1]  }
0x28: {  	s2 =	sld [smem:$0x3FA2]  }
0x29: {  	s4 =	sld [smem:$0x3FA4]  }
0x2a: {  	p0 =	seq.s32 s5, $0x0;
	s5 =	sld [smem:$0x3FA5]  }
0x2b: {  	s6 =	sld [smem:$0x3FA6]  }
0x2c: {  	s7 =	sld [smem:$0x3FA7]  }
0x2d: {  	s3 =	simm.s32 $0x108;
	s8 =	sld [smem:$0x3FA8]  }
0x2e: {  	s3 =	simm.s32 @!p0 $0x1082;
	s9 =	sld [smem:$0x3FA9]  }
0x2f: {  	lr =	sadd.s32 s0, s3;
	s0 =	sld [smem:$0x3FA0]  }
0x30: {  	s3 =	sld [smem:$0x3FA3]  }
0x31: {  	[smem:$0x3FAC] =	sst s10  }
0x32: {  	s10 =	sld [smem:$0x3FAA];
	_ =	sdelay $0x3  }
0x33: {  	p0 =	seq.s32 s10, $0x1;
	s10 =	sld [smem:$0x3FAC];
	_ =	sdelay $0x3  }
0x34: {  	[smem:$0x3FAC] =	sst s10  }
0x35: {  	s10 =	sld [smem:$0x3FAB];
	_ =	sdelay $0x3  }
0x36: {  	p1 =	seq.s32 s10, $0x1;
	s10 =	sld [smem:$0x3FAC];
	_ =	sdelay $0x3  }
0x37: {  	[smem:$0x3FAC] =	sst s10  }
0x38: {  	s10 =	sld [smem:$0x3FAD]  }
0x39: {  	_ = 	snop;
	(pc) =	sbr.ind lr, $3  }
0x3a: {  	_ = 	snop  }
0x3b: {  	_ = 	snop  }
0x3c: {  	p2 =	seq.s32 s10, $0x1;
	s10 =	sld [smem:$0x3FAC]  }
0x3d: {  	_ =	shalt  }
0x3e: {  	_ =	shalt  }
0x3f: {  	_ =	shalt  }
0x40: {  	_ =	shalt  }
0x41: {  	_ =	shalt  }
0x42: {  	_ =	shalt  }
0x43: {  	_ =	shalt  }
0x44: {  	_ =	shalt  }
0x45: {  	_ =	shalt  }
0x46: {  	_ =	shalt  }
0x47: {  	_ =	shalt  }
0x48: {  	_ =	shalt  }
0x49: {  	_ =	shalt  }
0x4a: {  	_ =	shalt  }
0x4b: {  	_ =	shalt  }
0x4c: {  	_ =	shalt  }
0x4d: {  	_ =	shalt  }
0x4e: {  	_ =	shalt  }
0x4f: {  	_ =	shalt  }
0x50: {  	_ =	shalt  }
0x51: {  	_ =	shalt  }
0x52: {  	_ =	shalt  }
0x53: {  	_ =	shalt  }
0x54: {  	_ =	shalt  }
0x55: {  	_ =	shalt  }
0x56: {  	_ =	shalt  }
0x57: {  	_ =	shalt  }
0x58: {  	_ =	shalt  }
0x59: {  	_ =	shalt  }
0x5a: {  	_ =	shalt  }
0x5b: {  	_ =	shalt  }
0x5c: {  	_ =	shalt  }
0x5d: {  	_ =	shalt  }
0x5e: {  	_ =	shalt  }
0x5f: {  	_ =	shalt  }
0x60: {  	_ =	shalt  }
0x61: {  	_ =	shalt  }
0x62: {  	_ =	shalt  }
0x63: {  	_ =	shalt  }
0x64: {  	_ =	shalt  }
0x65: {  	_ =	shalt  }
0x66: {  	_ =	shalt  }
0x67: {  	_ =	shalt  }
0x68: {  	_ =	shalt  }
0x69: {  	_ =	shalt  }
0x6a: {  	_ =	shalt  }
0x6b: {  	_ =	shalt  }
0x6c: {  	_ =	shalt  }
0x6d: {  	_ =	shalt  }
0x6e: {  	_ =	shalt  }
0x6f: {  	_ =	shalt  }
0x70: {  	_ =	shalt  }
0x71: {  	_ =	shalt  }
0x72: {  	_ =	shalt  }
0x73: {  	_ =	shalt  }
0x74: {  	_ =	shalt  }
0x75: {  	_ =	shalt  }
0x76: {  	_ =	shalt  }
0x77: {  	_ =	shalt  }
0x78: {  	_ =	shalt  }
0x79: {  	_ =	shalt  }
0x7a: {  	_ =	shalt  }
0x7b: {  	_ =	shalt  }
0x7c: {  	_ =	shalt  }
0x7d: {  	_ =	shalt  }
0x7e: {  	_ =	shalt  }
0x7f: {  	_ =	shalt  }
0x80: {  	_ =	shalt  }
0x81: {  	_ =	shalt  }
0x82: {  	_ =	shalt  }
0x83: {  	_ =	shalt  }
0x84: {  	_ =	shalt  }
0x85: {  	_ =	shalt  }
0x86: {  	_ =	shalt  }
0x87: {  	_ =	shalt  }
.Lfunc_end0:
.L_simem_size_0:
called_computation_lowered:
.L_overlay_start_0:
0x88: {  	s2 =	sld [smem:$0x3FD9]  }
0x89: {  	s3 =	sld [smem:$0x3FFE];
	_ =	sdelay $0x1  }
0x8a: {  	s1 =	srdreg.scid  }
0x8b: {  	s0 =	sand.u32 $0x1, s1  }
0x8c: {  	s14 =	sshll.u32 s0, $0xA;
	s2 =	sadd.s32 s3, s2  }
0x8d: {  	s2 =	sadd.s32 s2, s14  }
0x8e: {  	[smem:$0x3FB8] =	sst s2  }
0x8f: {  	_ = 	snop  }
0x90: {  	s2 =	sld [smem:$0x3FD0];
	_ =	sdelay $0x2  }
0x91: {  	s15 =	simm.s32 $0xA;
	s4 =	simm.s32 $0x10  }
0x92: {  	[smem:s4], [sflag:s15] =	dma.local [hbm:s2], $0x1  }
0x93: {  	_ =	swait.eq [sflag:s15], $0x1  }
0x94: {  	[sflag:s15] =	ssyncset.done $0x0  }
0x95: {  	s16 =	sld [smem:$0x10];
	[sflag:s15] =	ssyncadd.s32 $0xFFFFFFFF  }
0x96: {  	s17 =	sld [smem:$0x11];
	(tm) =	ssettm $0x1  }
0x97: {  	s18 =	sld [smem:$0x3FFB];
	_ =	sdelay $0x3  }
0x98: {  	_ =	strace s18  }
0x99: {  	s4 =	sld [smem:$0x3FFC];
	_ =	sdelay $0x3  }
0x9a: {  	_ =	strace s4  }
0x9b: {  	s4 =	sld [smem:$0x3FFD];
	_ =	sdelay $0x3  }
0x9c: {  	_ =	strace s4  }
0x9d: {  	_ =	strace $0x8FFFFFFF  }
0x9e: {  	s19 =	sld [smem:$0x3FDB];
	_ =	sdelay $0x1  }
0x9f: {  	s5 =	simm.s32 $_scs_section_size  }
0xa0: {  	s6 =	simm.s32 $_size__tile_overlayer_lowered;
	s7 =	simm.s32 $_tile_overlayer_lowered  }
0xa1: {  	s22 =	simm.s32 $0x1BFF;
	s21 =	sshll.u32 s7, $0x1;
	s4 =	sadd.s32 s5, s19  }
0xa2: {  	s8 =	simm.s32 $0x0;
	s20 =	sshll.u32 s6, $0x1;
	s6 =	sadd.s32 s21, s4  }
0xa3: {  	[timem:s8], [sflag:s22] =	dma.local [hbm:s6], s20  }
0xa4: {  	_ =	swait.ge [sflag:s22], s20  }
0xa5: {  	s5 =	ssub.s32 $0x0, s20;
	[sflag:s22] =	ssyncset.done $0x0  }
0xa6: {  	[sflag:s22] =	ssyncadd.s32 s5;
	_ =	sdelay $0x1  }
0xa7: {  	s23 =	simm.s32 $0x1B8B  }
0xa8: {  	_ =	swait.ge [sflag:s23], $0x1  }
0xa9: {  	[sflag:s23] =	ssyncset.done $0x0  }
0xaa: {  	s25 =	simm.s32 $0x1B8E;
	s24 =	sld [smem:$0x3FFE];
	[sflag:s23] =	ssyncadd.s32 $0xFFFFFFFF  }
0xab: {  	s26 =	simm.s32 $execute0_lowered;
	[smem:$0x3FD2] =	sst s25  }
0xac: {  	s6 =	sshll.u32 s26, $0x1;
	_ =	strace $0x80000046;
	[dreg:$0x1] =	wrdreg $0xFFFFFFFF  }
0xad: {  	s28 =	simm.s32 $_size_execute0_lowered;
	s4 =	sadd.s32 s4, s6;
	[dreg:$0x0] =	wrdreg $0x0  }
0xae: {  	s6 =	sshll.u32 s28, $0x1;
	[dreg:$0x2] =	wrdreg s4  }
0xaf: {  	[dreg:$0x3] =	wrdreg s6  }
0xb0: {  	[dreg:$0x4] =	wrdreg $0xC0  }
0xb1: {  	_ =	task [dreg:s8], $0x5FFFF  }
0xb2: {  	[dreg:$0x1] =	wrdreg $0xFFFFFFFF  }
0xb3: {  	[dreg:$0x0] =	wrdreg $0x60  }
0xb4: {  	[dreg:$0x2] =	wrdreg s24  }
0xb5: {  	[dreg:$0x3] =	wrdreg s17  }
0xb6: {  	[dreg:$0x4] =	wrdreg s16  }
0xb7: {  	[dreg:$0x5] =	wrdreg $0x44000  }
0xb8: {  	[dreg:$0x6] =	wrdreg $0x9  }
0xb9: {  	_ =	task.clear_ibuf [dreg:s8], $0x7FFFF;
	_ =	strace $0x90000046  }
0xba: {  	s29 =	simm.s32 $0x9;
	_ =	strace $0x80000048  }
0xbb: {  	_ =	swait.ge [sflag:s29], $0x1  }
0xbc: {  	[sflag:s29] =	ssyncadd.s32 $0xFFFFFFFF  }
0xbd: {  	_ =	strace $0x90000048  }
0xbe: {  	_ =	sfence  }
0xbf: {  	s30 =	sld [smem:$0x0];
	_ =	sdelay $0x2  }
0xc0: {  	s31 =	sshll.u32 s1, $0xD;
	s1 =	sshrl.u32 s1, $0x2  }
0xc1: {  	s3 =	sand.u32 $0x4000, s31;
	s1 =	sadd.s32 s1, s30  }
0xc2: {  	s0 =	sor.u32 s3, s0;
	s1 =	sshll.u32 s1, $0x11  }
0xc3: {  	s0 =	sor.u32 s1, s0  }
0xc4: {  	s0 =	sadd.s32 $0x8F2B, s0  }
0xc5: {  	[sflag:s0] =	ssyncadd.remote.s32 $0x1  }
0xc6: {  	_ =	sfence.sel $0xFFFF  }
0xc7: {  	[dreg:$0x0] =	wrdreg $0xFFFFFFFF;
	(pc) =	sbr.abs _section_cstart, $3  }
0xc8: {  	[dreg:$0x1] =	wrdreg $0xFFFFFFFF  }
0xc9: {  	_ =	task.clear_ibuf [dreg:s8], $0x2FFFF;
	_ =	strace $0x9FFFFFFF  }
0xca: {  	(tm) =	ssettm $0x7FFFFFFF  }
0xcb: {  	_ =	shalt  }
tec
execute0_lowered:
.L_overlay_start_1:
0x0: {  	(tag) =	ssettag $0x1  }
0x1: {  	s0 =	rddreg [dreg:$0x0];
	s1 =	srdreg.scid  }
0x2: {  	s5 =	stileid.u32;
	s2 =	rddreg [dreg:$0x2]  }
0x3: {  	s3 =	rddreg [dreg:$0x3];
	s10 =	simm.s32 $0x2800;
	s11 =	simm.s32 $0x2  }
0x4: {  	s12 =	simm.s32 $0x3000;
	s13 =	simm.s32 $0x100;
	s15 =	simm.s32 $0x1700  }
0x5: {  	s16 =	simm.s32 $0x1800;
	s17 =	simm.s32 $0x1900;
	s18 =	simm.s32 $0x1A00  }
0x6: {  	s19 =	simm.s32 $0x1B00;
	s20 =	simm.s32 $0x1C00;
	s21 =	simm.s32 $0x1D00  }
0x7: {  	s22 =	simm.s32 $0x1E00;
	s23 =	simm.s32 $0x1F00;
	s24 =	simm.s32 $0x2000  }
0x8: {  	s25 =	simm.s32 $0x2100;
	s28 =	simm.s32 $0x2300;
	s29 =	simm.s32 $0x2400  }
0x9: {  	s30 =	simm.s32 $0x2500;
	s31 =	simm.s32 $0x2600;
	s1 =	sand.u32 $0x1, s1  }
0xa: {  	s4 =	sshll.u32 s5, $0x1;
	s6 =	smul.u32 $0x1400, s5;
	s5 =	sadd.s32 $0x17200, s0  }
0xb: {  	s26 =	sor.u32 s1, s4;
	s4 =	simm.s32 $0x0;
	s8 =	smul.u32 $0x14000, s1  }
0xc: {  	s1 =	ssub.s32 $0x2, s1;
	s7 =	smul.u32 $0x2710, s26;
	[smem:$0x7FF] =	sst s4  }
0xd: {  	s9 =	sshrl.u32 s1, $0x1;
	s26 =	simm.s32 $0x2200;
	_ =	strace $0x80000047  }
0xe: {  	s8 =	sadd.s32 s6, s8;
	s1 =	ssub.s32 s1, s9;
	s6 =	sadd.s32 s6, s3  }
0xf: {  	s7 =	sshrl.u32 s7, $0x3;
	s8 =	sshrl.u32 s8, $0x3;
	s9 =	smax.u32 s1, $0x1  }
0x10: {  	s1 =	simm.s32 $0x0;
	s0 =	sadd.s32 s0, s7;
	s8 =	sadd.s32 s2, s8  }
0x11: {  	v0 =	vimm.s32 $0x2710;
	s2 =	simm.s32 $0x2700;
	s7 =	sadd.s32 $0xD440, s0;
	s0 =	simm.s32 $0x1  }
.LBB2_1:
0x12: {  	[tilespmem:s10], [sflag:$0x2] =	stream.linear.gather [hbm4b:s5+s4], $0x800, $0x38;
	[tilespmem:$0x5800] =	vst v63  }
0x13: {  	_ =	swait.ge [sflag:s11], $0x800  }
0x14: {  	[sflag:s11] =	ssyncset.done $0x0  }
0x15: {  	[sflag:s11] =	ssyncadd.s32 $0xFFFFF800  }
0x16: {  	s14 =	rddreg [dreg:$0x1]  }
0x17: {  	[tilespmem:s12], [sflag:$0x2] =	stream.linear.gather [hbm4b:s14+s4], $0x1400, $0x38;
	[tilespmem:$0x5800] =	vst v63  }
0x18: {  	_ =	swait.ge [sflag:s11], $0x1400  }
0x19: {  	[sflag:s11] =	ssyncset.done $0x0  }
0x1a: {  	[sflag:s11] =	ssyncadd.s32 $0xFFFFEC00  }
0x1b: {  	[spmem:s6] =	stream.linear.scatter [tilespmem:s12], [sflag:$0x2], $0x1400, $0x38;
	[tilespmem:$0x5800] =	vst v63  }
0x1c: {  	_ =	swait.ge [sflag:s11], $0x1400  }
0x1d: {  	[sflag:s11] =	ssyncset.done $0x0  }
0x1e: {  	[sflag:s11] =	ssyncadd.s32 $0xFFFFEC00  }
0x1f: {  	[tilespmem:s4], [sflag:$0x2] =	stream.linear.gather [hbm4b:s7+s4], $0x2710, $0x38;
	[tilespmem:$0x5800] =	vst v63  }
0x20: {  	_ =	swait.ge [sflag:s11], $0x2710  }
0x21: {  	[sflag:s11] =	ssyncset.done $0x0  }
0x22: {  	[sflag:s11] =	ssyncadd.s32 $0xFFFFD8F0  }
0x23: {  	[tilespmem:$0x2710] =	vst v0  }
0x24: {  	[tilespmem:$0x2720] =	vst v0  }
0x25: {  	[tilespmem:$0x2730] =	vst v0  }
0x26: {  	[tilespmem:$0x2740] =	vst v0  }
0x27: {  	[tilespmem:$0x2750] =	vst v0  }
0x28: {  	[tilespmem:$0x2760] =	vst v0  }
0x29: {  	[tilespmem:$0x2770] =	vst v0  }
0x2a: {  	[tilespmem:$0x2780] =	vst v0  }
0x2b: {  	[tilespmem:$0x2790] =	vst v0  }
0x2c: {  	[tilespmem:$0x27A0] =	vst v0  }
0x2d: {  	[tilespmem:$0x27B0] =	vst v0  }
0x2e: {  	[tilespmem:$0x27C0] =	vst v0  }
0x2f: {  	[tilespmem:$0x27D0] =	vst v0  }
0x30: {  	[tilespmem:$0x27E0] =	vst v0  }
0x31: {  	[tilespmem:$0x27F0] =	vst v0  }
0x32: {  	[bflag:$0x0] =	sbarrier.arrive $0xFFFF  }
0x33: {  	[spmem:s3] =	stream.indirect.scatter.add.f32 [tilespmem:s10], [sflag:$0x1], $0x8, s4, s13, $0xb8;
	[tilespmem:$0x5800] =	vst v63  }
0x34: {  	_ = 	snop  }
0x35: {  	[spmem:s3] =	stream.indirect.scatter.add.f32 [tilespmem:s10], [sflag:$0x1], $0x8, s13, s13, $0xb8;
	[tilespmem:$0x5800] =	vst v63  }
0x36: {  	s14 =	simm.s32 $0x200  }
0x37: {  	[spmem:s3] =	stream.indirect.scatter.add.f32 [tilespmem:s10], [sflag:$0x1], $0x8, s14, s13, $0xb8;
	[tilespmem:$0x5800] =	vst v63  }
0x38: {  	s14 =	simm.s32 $0x300  }
0x39: {  	[spmem:s3] =	stream.indirect.scatter.add.f32 [tilespmem:s10], [sflag:$0x1], $0x8, s14, s13, $0xb8;
	[tilespmem:$0x5800] =	vst v63  }
0x3a: {  	s14 =	simm.s32 $0x400  }
0x3b: {  	[spmem:s3] =	stream.indirect.scatter.add.f32 [tilespmem:s10], [sflag:$0x1], $0x8, s14, s13, $0xb8;
	[tilespmem:$0x5800] =	vst v63  }
0x3c: {  	s14 =	simm.s32 $0x500  }
0x3d: {  	[spmem:s3] =	stream.indirect.scatter.add.f32 [tilespmem:s10], [sflag:$0x1], $0x8, s14, s13, $0xb8;
	[tilespmem:$0x5800] =	vst v63  }
0x3e: {  	s14 =	simm.s32 $0x600  }
0x3f: {  	[spmem:s3] =	stream.indirect.scatter.add.f32 [tilespmem:s10], [sflag:$0x1], $0x8, s14, s13, $0xb8;
	[tilespmem:$0x5800] =	vst v63  }
0x40: {  	s14 =	simm.s32 $0x700  }
0x41: {  	[spmem:s3] =	stream.indirect.scatter.add.f32 [tilespmem:s10], [sflag:$0x1], $0x8, s14, s13, $0xb8;
	[tilespmem:$0x5800] =	vst v63  }
0x42: {  	s14 =	simm.s32 $0x800  }
0x43: {  	[spmem:s3] =	stream.indirect.scatter.add.f32 [tilespmem:s10], [sflag:$0x1], $0x8, s14, s13, $0xb8;
	[tilespmem:$0x5800] =	vst v63  }
0x44: {  	s14 =	simm.s32 $0x900  }
0x45: {  	[spmem:s3] =	stream.indirect.scatter.add.f32 [tilespmem:s10], [sflag:$0x1], $0x8, s14, s13, $0xb8;
	[tilespmem:$0x5800] =	vst v63  }
0x46: {  	s14 =	simm.s32 $0xA00  }
0x47: {  	[spmem:s3] =	stream.indirect.scatter.add.f32 [tilespmem:s10], [sflag:$0x1], $0x8, s14, s13, $0xb8;
	[tilespmem:$0x5800] =	vst v63  }
0x48: {  	s14 =	simm.s32 $0xB00  }
0x49: {  	[spmem:s3] =	stream.indirect.scatter.add.f32 [tilespmem:s10], [sflag:$0x1], $0x8, s14, s13, $0xb8;
	[tilespmem:$0x5800] =	vst v63  }
0x4a: {  	s14 =	simm.s32 $0xC00  }
0x4b: {  	[spmem:s3] =	stream.indirect.scatter.add.f32 [tilespmem:s10], [sflag:$0x1], $0x8, s14, s13, $0xb8;
	[tilespmem:$0x5800] =	vst v63  }
0x4c: {  	s14 =	simm.s32 $0xD00  }
0x4d: {  	[spmem:s3] =	stream.indirect.scatter.add.f32 [tilespmem:s10], [sflag:$0x1], $0x8, s14, s13, $0xb8;
	[tilespmem:$0x5800] =	vst v63  }
0x4e: {  	s14 =	simm.s32 $0xE00  }
0x4f: {  	[spmem:s3] =	stream.indirect.scatter.add.f32 [tilespmem:s10], [sflag:$0x1], $0x8, s14, s13, $0xb8;
	[tilespmem:$0x5800] =	vst v63  }
0x50: {  	s14 =	simm.s32 $0xF00  }
0x51: {  	[spmem:s3] =	stream.indirect.scatter.add.f32 [tilespmem:s10], [sflag:$0x1], $0x8, s14, s13, $0xb8;
	[tilespmem:$0x5800] =	vst v63  }
0x52: {  	s14 =	simm.s32 $0x1000  }
0x53: {  	[spmem:s3] =	stream.indirect.scatter.add.f32 [tilespmem:s10], [sflag:$0x1], $0x8, s14, s13, $0xb8;
	[tilespmem:$0x5800] =	vst v63  }
0x54: {  	s14 =	simm.s32 $0x1100  }
0x55: {  	[spmem:s3] =	stream.indirect.scatter.add.f32 [tilespmem:s10], [sflag:$0x1], $0x8, s14, s13, $0xb8;
	[tilespmem:$0x5800] =	vst v63  }
0x56: {  	s14 =	simm.s32 $0x1200  }
0x57: {  	[spmem:s3] =	stream.indirect.scatter.add.f32 [tilespmem:s10], [sflag:$0x1], $0x8, s14, s13, $0xb8;
	[tilespmem:$0x5800] =	vst v63  }
0x58: {  	s14 =	simm.s32 $0x1300  }
0x59: {  	[spmem:s3] =	stream.indirect.scatter.add.f32 [tilespmem:s10], [sflag:$0x1], $0x8, s14, s13, $0xb8;
	[tilespmem:$0x5800] =	vst v63  }
0x5a: {  	s14 =	simm.s32 $0x1400  }
0x5b: {  	[spmem:s3] =	stream.indirect.scatter.add.f32 [tilespmem:s10], [sflag:$0x1], $0x8, s14, s13, $0xb8;
	[tilespmem:$0x5800] =	vst v63  }
0x5c: {  	s14 =	simm.s32 $0x1500  }
0x5d: {  	[spmem:s3] =	stream.indirect.scatter.add.f32 [tilespmem:s10], [sflag:$0x1], $0x8, s14, s13, $0xb8;
	[tilespmem:$0x5800] =	vst v63  }
0x5e: {  	s14 =	simm.s32 $0x1600  }
0x5f: {  	[spmem:s3] =	stream.indirect.scatter.add.f32 [tilespmem:s10], [sflag:$0x1], $0x8, s14, s13, $0xb8;
	[tilespmem:$0x5800] =	vst v63  }
0x60: {  	_ = 	snop  }
0x61: {  	[spmem:s3] =	stream.indirect.scatter.add.f32 [tilespmem:s10], [sflag:$0x1], $0x8, s15, s13, $0xb8;
	[tilespmem:$0x5800] =	vst v63  }
0x62: {  	_ = 	snop  }
0x63: {  	[spmem:s3] =	stream.indirect.scatter.add.f32 [tilespmem:s10], [sflag:$0x1], $0x8, s16, s13, $0xb8;
	[tilespmem:$0x5800] =	vst v63  }
0x64: {  	_ = 	snop  }
0x65: {  	[spmem:s3] =	stream.indirect.scatter.add.f32 [tilespmem:s10], [sflag:$0x1], $0x8, s17, s13, $0xb8;
	[tilespmem:$0x5800] =	vst v63  }
0x66: {  	_ = 	snop  }
0x67: {  	[spmem:s3] =	stream.indirect.scatter.add.f32 [tilespmem:s10], [sflag:$0x1], $0x8, s18, s13, $0xb8;
	[tilespmem:$0x5800] =	vst v63  }
0x68: {  	_ = 	snop  }
0x69: {  	[spmem:s3] =	stream.indirect.scatter.add.f32 [tilespmem:s10], [sflag:$0x1], $0x8, s19, s13, $0xb8;
	[tilespmem:$0x5800] =	vst v63  }
0x6a: {  	_ = 	snop  }
0x6b: {  	[spmem:s3] =	stream.indirect.scatter.add.f32 [tilespmem:s10], [sflag:$0x1], $0x8, s20, s13, $0xb8;
	[tilespmem:$0x5800] =	vst v63  }
0x6c: {  	_ = 	snop  }
0x6d: {  	[spmem:s3] =	stream.indirect.scatter.add.f32 [tilespmem:s10], [sflag:$0x1], $0x8, s21, s13, $0xb8;
	[tilespmem:$0x5800] =	vst v63  }
0x6e: {  	_ = 	snop  }
0x6f: {  	[spmem:s3] =	stream.indirect.scatter.add.f32 [tilespmem:s10], [sflag:$0x1], $0x8, s22, s13, $0xb8;
	[tilespmem:$0x5800] =	vst v63  }
0x70: {  	_ = 	snop  }
0x71: {  	[spmem:s3] =	stream.indirect.scatter.add.f32 [tilespmem:s10], [sflag:$0x1], $0x8, s23, s13, $0xb8;
	[tilespmem:$0x5800] =	vst v63  }
0x72: {  	_ = 	snop  }
0x73: {  	[spmem:s3] =	stream.indirect.scatter.add.f32 [tilespmem:s10], [sflag:$0x1], $0x8, s24, s13, $0xb8;
	[tilespmem:$0x5800] =	vst v63  }
0x74: {  	_ = 	snop  }
0x75: {  	[spmem:s3] =	stream.indirect.scatter.add.f32 [tilespmem:s10], [sflag:$0x1], $0x8, s25, s13, $0xb8;
	[tilespmem:$0x5800] =	vst v63  }
0x76: {  	_ = 	snop  }
0x77: {  	[spmem:s3] =	stream.indirect.scatter.add.f32 [tilespmem:s10], [sflag:$0x1], $0x8, s26, s13, $0xb8;
	[tilespmem:$0x5800] =	vst v63  }
0x78: {  	_ = 	snop  }
0x79: {  	[spmem:s3] =	stream.indirect.scatter.add.f32 [tilespmem:s10], [sflag:$0x1], $0x8, s28, s13, $0xb8;
	[tilespmem:$0x5800] =	vst v63  }
0x7a: {  	_ = 	snop  }
0x7b: {  	[spmem:s3] =	stream.indirect.scatter.add.f32 [tilespmem:s10], [sflag:$0x1], $0x8, s29, s13, $0xb8;
	[tilespmem:$0x5800] =	vst v63  }
0x7c: {  	_ = 	snop  }
0x7d: {  	[spmem:s3] =	stream.indirect.scatter.add.f32 [tilespmem:s10], [sflag:$0x1], $0x8, s30, s13, $0xb8;
	[tilespmem:$0x5800] =	vst v63  }
0x7e: {  	_ = 	snop  }
0x7f: {  	[spmem:s3] =	stream.indirect.scatter.add.f32 [tilespmem:s10], [sflag:$0x1], $0x8, s31, s13, $0xb8;
	[tilespmem:$0x5800] =	vst v63  }
0x80: {  	_ = 	snop  }
0x81: {  	[spmem:s3] =	stream.indirect.scatter.add.f32 [tilespmem:s10], [sflag:$0x1], $0x8, s2, s13, $0xb8;
	[tilespmem:$0x5800] =	vst v63  }
0x82: {  	_ =	swait.ge [sflag:s0], $0x800  }
0x83: {  	s14 =	simm.s32 $0x27;
	[sflag:s0] =	ssyncset.done $0x0  }
.LBB2_2:
0x84: {  	p0 =	sne.s32 s14, $0x1;
	s14 =	sadd.s32 $0xFFFFFFFF, s14;
	[sflag:s0] =	ssyncadd.s32 $0xFFFFF800  }
.Ltmp0:
0x85: {  	(pc) =	sbr.rel @p0 .LBB2_2-.Ltmp0, $3  }
0x86: {  	_ =	sdelay $0x1  }
0x87: {  	_ =	swait.ge [sflag:s0], $0x800  }
0x88: {  	[sflag:s0] =	ssyncset.done $0x0  }
0x89: {  	[sflag:s0] =	ssyncadd.s32 $0xFFFFF800  }
0x8a: {  	[bflag:$0x0] =	sbarrier.arrive $0xFFFF  }
0x8b: {  	[tilespmem:s12], [sflag:$0x2] =	stream.linear.gather [spmem:s6], $0x1400, $0x38;
	[tilespmem:$0x5800] =	vst v63  }
0x8c: {  	s1 =	sadd.s32 $0x1, s1;
	_ =	swait.ge [sflag:s11], $0x1400  }
0x8d: {  	p0 =	sne.s32 s1, s9;
	[sflag:s11] =	ssyncset.done $0x0  }
.Ltmp1:
0x8e: {  	[sflag:s11] =	ssyncadd.s32 $0xFFFFEC00;
	(pc) =	sbr.rel @p0 .LBB2_1-.Ltmp1, $4  }
0x8f: {  	[hbm4b:s8+s4] =	stream.linear.scatter [tilespmem:s12], [sflag:$0x2], $0x1400, $0x38;
	[tilespmem:$0x5800] =	vst v63  }
0x90: {  	_ =	swait.ge [sflag:s11], $0x1400  }
0x91: {  	[sflag:s11] =	ssyncset.done $0x0  }
0x92: {  	[sflag:s11] =	ssyncadd.s32 $0xFFFFEC00  }
0x93: {  	_ =	sfence.sel $0x180000  }
0x94: {  	[bflag:$0x0] =	sbarrier.arrive $0xFFFF  }
0x95: {  	_ =	strace $0x90000047  }
0x96: {  	s0 =	stileid.u32;
	[bflag:$0x2] =	sbarrier.arrive $0xFFFF  }
0x97: {  	p0 =	sne.s32 s0, $0x0;
	s0 =	rddreg [dreg:$0x4]  }
0x98: {  	s0 =	sadd.s32 @!p0 $0x100000, s0  }
0x99: {  	[sflag:s0] =	ssyncadd.tile.s32 @!p0 $0x1;
	_ =	shalt  }
.Lfunc_end2:
_tile_overlayer_lowered:
.L_overlay_start_2:
0x9a: {  	(tag) =	ssettag $0x2  }
0x9b: {  	s0 =	rddreg [dreg:$0x0];
	s2 =	stileid.u32  }
0x9c: {  	s1 =	rddreg [dreg:$0x1];
	p0 =	sne.s32 s2, $0x0  }
0x9d: {  	s3 =	rddreg [dreg:$0x2];
	[bflag:$0x3] =	sbarrier.arrive $0xFFFF;
	s2 =	simm.s32 @!p0 $0x1C02  }
0x9e: {  	[timem:s3], [sflag:s2] =	dma.local @!p0 [hbm:s0], s1  }
0x9f: {  	s0 =	simm.s32 @!p0 $0x2  }
0xa0: {  	_ =	swait.ge @!p0 [sflag:s0], s1  }
0xa1: {  	s1 =	ssub.s32 @!p0 $0x0, s1;
	[sflag:s0] =	ssyncset.done @!p0 $0x0  }
0xa2: {  	[sflag:s0] =	ssyncadd.s32 @!p0 s1  }
0xa3: {  	[bflag:$0x3] =	sbarrier.arrive $0xFFFF  }
0xa4: {  	_ =	shalt  }

// kernel: kernel.13.cloned.1.call-start
scs
__scs_entry_jumppad:
0x0: {  	(pc) =	sbr.rel $0x88, $3  }
0x1: {  	(tag) =	ssettag $0x0;
	lr =	simm.s32 $0x1  }
0x2: {  	[smem:$0x3F91] =	sst lr;
	_ =	strace $0xD0000000  }
0x3: {  	_ = 	snop  }
0x4: {  	_ = 	snop  }
0x5: {  	_ = 	snop  }
0x6: {  	_ = 	snop  }
0x7: {  	_ = 	snop  }
__scs_overlays_trampoline_lowered:
0x8: {  	[smem:$0x3FA0] =	sst s0  }
0x9: {  	[smem:$0x3FA1] =	sst s1  }
0xa: {  	[smem:$0x3FA2] =	sst s2  }
0xb: {  	[smem:$0x3FA3] =	sst s3  }
0xc: {  	[smem:$0x3FA4] =	sst s4  }
0xd: {  	[smem:$0x3FA5] =	sst s5  }
0xe: {  	[smem:$0x3FA6] =	sst s6  }
0xf: {  	[smem:$0x3FA7] =	sst s7  }
0x10: {  	[smem:$0x3FA8] =	sst s8  }
0x11: {  	[smem:$0x3FA9] =	sst s9;
	s0 =	simm.s32 @!p0 $0x0  }
0x12: {  	s1 =	sld [smem:$0x3F8F];
	s0 =	simm.s32 @p0 $0x1  }
0x13: {  	[smem:$0x3FAA] =	sst s0;
	s0 =	simm.s32 @!p1 $0x0  }
0x14: {  	s2 =	sld [smem:$0x3F8E];
	s0 =	simm.s32 @p1 $0x1  }
0x15: {  	[smem:$0x3FAB] =	sst s0;
	s0 =	simm.s32 @!p2 $0x0  }
0x16: {  	s3 =	sld [smem:$0x3FDB];
	s0 =	simm.s32 @p2 $0x1  }
0x17: {  	s4 =	simm.s32 $0x1BF5;
	[smem:$0x3FAD] =	sst s0  }
0x18: {  	s0 =	sld [smem:$0x3F90];
	_ =	swait.ge [sflag:s4], $0x0  }
0x19: {  	s7 =	sld [smem:$0x3F91]  }
0x1a: {  	s8 =	sadd.s32 $0xFFFFE003, lr  }
0x1b: {  	s9 =	sadd.s32 $0xFFFFFEF7, lr;
	s5 =	simm.s32 $0xFFFFFFFF;
	p2 =	slt.u32 s8, $0xFFFFF086  }
0x1c: {  	p1 =	slt.u32 s9, $0xF7A;
	s5 =	simm.s32 @!p2 $0x0  }
0x1d: {  	s5 =	simm.s32 @p1 $0x1;
	p0 =	seq.s32 s7, s2  }
0x1e: {  	s7 =	smul.u32 @!p0 $0xF7A, s2;
	p2 =	seq.s32 @!p0 s5, $0x0  }
0x1f: {  	s9 =	smul.u32 $0xF7A, s1;
	s8 =	simm.s32 @!p0 $0x1BF5;
	p2 =	por !p2, p0  }
0x20: {  	[sflag:s8] =	ssyncset.s32 @!p0 $0xFFFFF086;
	s6 =	sadd.s32 @!p0 s3, s7;
	s7 =	simm.s32 @!p0 $0x108  }
0x21: {  	s3 =	sadd.s32 s3, s9;
	s6 =	sadd.s32 @!p0 $0x88, s6;
	s7 =	simm.s32 @p2 $0x1082  }
0x22: {  	[simem:s7], [sflag:s8] =	dma.local @!p0 [hbm:s6], $0xF7A  }
0x23: {  	s9 =	sor.u32 $0xD0000000, s2;
	s6 =	simm.s32 $0x108;
	_ =	swait.ge @!p0 [sflag:s8], $0x0  }
0x24: {  	s3 =	sadd.s32 $0x88, s3;
	s6 =	simm.s32 @!p1 $0x1082;
	[sflag:s4] =	ssyncset.s32 $0xFFFFF086  }
0x25: {  	[simem:s6], [sflag:s4] =	dma.local [hbm:s3], $0xF7A  }
0x26: {  	[smem:$0x3F91] =	sst s1;
	(tag) =	ssettag s2;
	_ =	strace s9  }
0x27: {  	s1 =	sld [smem:$0x3FA1]  }
0x28: {  	s2 =	sld [smem:$0x3FA2]  }
0x29: {  	s4 =	sld [smem:$0x3FA4]  }
0x2a: {  	p0 =	seq.s32 s5, $0x0;
	s5 =	sld [smem:$0x3FA5]  }
0x2b: {  	s6 =	sld [smem:$0x3FA6]  }
0x2c: {  	s7 =	sld [smem:$0x3FA7]  }
0x2d: {  	s3 =	simm.s32 $0x108;
	s8 =	sld [smem:$0x3FA8]  }
0x2e: {  	s3 =	simm.s32 @!p0 $0x1082;
	s9 =	sld [smem:$0x3FA9]  }
0x2f: {  	lr =	sadd.s32 s0, s3;
	s0 =	sld [smem:$0x3FA0]  }
0x30: {  	s3 =	sld [smem:$0x3FA3]  }
0x31: {  	[smem:$0x3FAC] =	sst s10  }
0x32: {  	s10 =	sld [smem:$0x3FAA];
	_ =	sdelay $0x3  }
0x33: {  	p0 =	seq.s32 s10, $0x1;
	s10 =	sld [smem:$0x3FAC];
	_ =	sdelay $0x3  }
0x34: {  	[smem:$0x3FAC] =	sst s10  }
0x35: {  	s10 =	sld [smem:$0x3FAB];
	_ =	sdelay $0x3  }
0x36: {  	p1 =	seq.s32 s10, $0x1;
	s10 =	sld [smem:$0x3FAC];
	_ =	sdelay $0x3  }
0x37: {  	[smem:$0x3FAC] =	sst s10  }
0x38: {  	s10 =	sld [smem:$0x3FAD]  }
0x39: {  	_ = 	snop;
	(pc) =	sbr.ind lr, $3  }
0x3a: {  	_ = 	snop  }
0x3b: {  	_ = 	snop  }
0x3c: {  	p2 =	seq.s32 s10, $0x1;
	s10 =	sld [smem:$0x3FAC]  }
0x3d: {  	_ =	shalt  }
0x3e: {  	_ =	shalt  }
0x3f: {  	_ =	shalt  }
0x40: {  	_ =	shalt  }
0x41: {  	_ =	shalt  }
0x42: {  	_ =	shalt  }
0x43: {  	_ =	shalt  }
0x44: {  	_ =	shalt  }
0x45: {  	_ =	shalt  }
0x46: {  	_ =	shalt  }
0x47: {  	_ =	shalt  }
0x48: {  	_ =	shalt  }
0x49: {  	_ =	shalt  }
0x4a: {  	_ =	shalt  }
0x4b: {  	_ =	shalt  }
0x4c: {  	_ =	shalt  }
0x4d: {  	_ =	shalt  }
0x4e: {  	_ =	shalt  }
0x4f: {  	_ =	shalt  }
0x50: {  	_ =	shalt  }
0x51: {  	_ =	shalt  }
0x52: {  	_ =	shalt  }
0x53: {  	_ =	shalt  }
0x54: {  	_ =	shalt  }
0x55: {  	_ =	shalt  }
0x56: {  	_ =	shalt  }
0x57: {  	_ =	shalt  }
0x58: {  	_ =	shalt  }
0x59: {  	_ =	shalt  }
0x5a: {  	_ =	shalt  }
0x5b: {  	_ =	shalt  }
0x5c: {  	_ =	shalt  }
0x5d: {  	_ =	shalt  }
0x5e: {  	_ =	shalt  }
0x5f: {  	_ =	shalt  }
0x60: {  	_ =	shalt  }
0x61: {  	_ =	shalt  }
0x62: {  	_ =	shalt  }
0x63: {  	_ =	shalt  }
0x64: {  	_ =	shalt  }
0x65: {  	_ =	shalt  }
0x66: {  	_ =	shalt  }
0x67: {  	_ =	shalt  }
0x68: {  	_ =	shalt  }
0x69: {  	_ =	shalt  }
0x6a: {  	_ =	shalt  }
0x6b: {  	_ =	shalt  }
0x6c: {  	_ =	shalt  }
0x6d: {  	_ =	shalt  }
0x6e: {  	_ =	shalt  }
0x6f: {  	_ =	shalt  }
0x70: {  	_ =	shalt  }
0x71: {  	_ =	shalt  }
0x72: {  	_ =	shalt  }
0x73: {  	_ =	shalt  }
0x74: {  	_ =	shalt  }
0x75: {  	_ =	shalt  }
0x76: {  	_ =	shalt  }
0x77: {  	_ =	shalt  }
0x78: {  	_ =	shalt  }
0x79: {  	_ =	shalt  }
0x7a: {  	_ =	shalt  }
0x7b: {  	_ =	shalt  }
0x7c: {  	_ =	shalt  }
0x7d: {  	_ =	shalt  }
0x7e: {  	_ =	shalt  }
0x7f: {  	_ =	shalt  }
0x80: {  	_ =	shalt  }
0x81: {  	_ =	shalt  }
0x82: {  	_ =	shalt  }
0x83: {  	_ =	shalt  }
0x84: {  	_ =	shalt  }
0x85: {  	_ =	shalt  }
0x86: {  	_ =	shalt  }
0x87: {  	_ =	shalt  }
.Lfunc_end0:
.L_simem_size_0:
called_computation.1_lowered:
.L_overlay_start_0:
0x88: {  	s2 =	sld [smem:$0x3FD9]  }
0x89: {  	s3 =	sld [smem:$0x3FFE];
	_ =	sdelay $0x1  }
0x8a: {  	s1 =	srdreg.scid  }
0x8b: {  	s0 =	sand.u32 $0x1, s1  }
0x8c: {  	s14 =	sshll.u32 s0, $0xA;
	s2 =	sadd.s32 s3, s2  }
0x8d: {  	s2 =	sadd.s32 s2, s14  }
0x8e: {  	[smem:$0x3FB8] =	sst s2  }
0x8f: {  	_ = 	snop  }
0x90: {  	s2 =	sld [smem:$0x3FD0];
	_ =	sdelay $0x2  }
0x91: {  	s15 =	simm.s32 $0xA;
	s4 =	simm.s32 $0x10  }
0x92: {  	[smem:s4], [sflag:s15] =	dma.local [hbm:s2], $0x1  }
0x93: {  	_ =	swait.eq [sflag:s15], $0x1  }
0x94: {  	[sflag:s15] =	ssyncset.done $0x0  }
0x95: {  	s16 =	sld [smem:$0x10];
	[sflag:s15] =	ssyncadd.s32 $0xFFFFFFFF  }
0x96: {  	s17 =	sld [smem:$0x11];
	(tm) =	ssettm $0x1  }
0x97: {  	s18 =	sld [smem:$0x3FFB];
	_ =	sdelay $0x3  }
0x98: {  	_ =	strace s18  }
0x99: {  	s4 =	sld [smem:$0x3FFC];
	_ =	sdelay $0x3  }
0x9a: {  	_ =	strace s4  }
0x9b: {  	s4 =	sld [smem:$0x3FFD];
	_ =	sdelay $0x3  }
0x9c: {  	_ =	strace s4  }
0x9d: {  	_ =	strace $0x8FFFFFFF  }
0x9e: {  	s19 =	sld [smem:$0x3FDB];
	_ =	sdelay $0x1  }
0x9f: {  	s5 =	simm.s32 $_scs_section_size  }
0xa0: {  	s6 =	simm.s32 $_size__tile_overlayer_lowered;
	s7 =	simm.s32 $_tile_overlayer_lowered  }
0xa1: {  	s22 =	simm.s32 $0x1BFF;
	s21 =	sshll.u32 s7, $0x1;
	s4 =	sadd.s32 s5, s19  }
0xa2: {  	s8 =	simm.s32 $0x0;
	s20 =	sshll.u32 s6, $0x1;
	s6 =	sadd.s32 s21, s4  }
0xa3: {  	[timem:s8], [sflag:s22] =	dma.local [hbm:s6], s20  }
0xa4: {  	_ =	swait.ge [sflag:s22], s20  }
0xa5: {  	s5 =	ssub.s32 $0x0, s20;
	[sflag:s22] =	ssyncset.done $0x0  }
0xa6: {  	[sflag:s22] =	ssyncadd.s32 s5;
	_ =	sdelay $0x1  }
0xa7: {  	s23 =	simm.s32 $0x1B8B  }
0xa8: {  	_ =	swait.ge [sflag:s23], $0x1  }
0xa9: {  	[sflag:s23] =	ssyncset.done $0x0  }
0xaa: {  	s25 =	simm.s32 $0x1B8E;
	s24 =	sld [smem:$0x3FFE];
	[sflag:s23] =	ssyncadd.s32 $0xFFFFFFFF  }
0xab: {  	s26 =	simm.s32 $execute0_lowered;
	[smem:$0x3FD2] =	sst s25  }
0xac: {  	s6 =	sshll.u32 s26, $0x1;
	_ =	strace $0x80000049;
	[dreg:$0x1] =	wrdreg $0xFFFFFFFF  }
0xad: {  	s28 =	simm.s32 $_size_execute0_lowered;
	s4 =	sadd.s32 s4, s6;
	[dreg:$0x0] =	wrdreg $0x0  }
0xae: {  	s6 =	sshll.u32 s28, $0x1;
	[dreg:$0x2] =	wrdreg s4  }
0xaf: {  	[dreg:$0x3] =	wrdreg s6  }
0xb0: {  	[dreg:$0x4] =	wrdreg $0xC0  }
0xb1: {  	_ =	task [dreg:s8], $0x5FFFF  }
0xb2: {  	[dreg:$0x1] =	wrdreg $0xFFFFFFFF  }
0xb3: {  	[dreg:$0x0] =	wrdreg $0x60  }
0xb4: {  	[dreg:$0x2] =	wrdreg s17  }
0xb5: {  	[dreg:$0x3] =	wrdreg s24  }
0xb6: {  	[dreg:$0x4] =	wrdreg s16  }
0xb7: {  	[dreg:$0x5] =	wrdreg $0xD0000  }
0xb8: {  	[dreg:$0x6] =	wrdreg $0x120000  }
0xb9: {  	[dreg:$0x7] =	wrdreg $0x9  }
0xba: {  	_ =	task.clear_ibuf [dreg:s8], $0x8FFFF;
	_ =	strace $0x90000049  }
0xbb: {  	s29 =	simm.s32 $0x9;
	_ =	strace $0x8000004B  }
0xbc: {  	_ =	swait.ge [sflag:s29], $0x1  }
0xbd: {  	[sflag:s29] =	ssyncadd.s32 $0xFFFFFFFF  }
0xbe: {  	_ =	strace $0x9000004B  }
0xbf: {  	_ =	sfence  }
0xc0: {  	s30 =	sld [smem:$0x0];
	_ =	sdelay $0x2  }
0xc1: {  	s31 =	sshll.u32 s1, $0xD;
	s1 =	sshrl.u32 s1, $0x2  }
0xc2: {  	s3 =	sand.u32 $0x4000, s31;
	s1 =	sadd.s32 s1, s30  }
0xc3: {  	s0 =	sor.u32 s3, s0;
	s1 =	sshll.u32 s1, $0x11  }
0xc4: {  	s0 =	sor.u32 s1, s0  }
0xc5: {  	s0 =	sadd.s32 $0x8F2B, s0  }
0xc6: {  	[sflag:s0] =	ssyncadd.remote.s32 $0x1  }
0xc7: {  	_ =	sfence.sel $0xFFFF  }
0xc8: {  	[dreg:$0x0] =	wrdreg $0xFFFFFFFF;
	(pc) =	sbr.abs _section_cstart, $3  }
0xc9: {  	[dreg:$0x1] =	wrdreg $0xFFFFFFFF  }
0xca: {  	_ =	task.clear_ibuf [dreg:s8], $0x2FFFF;
	_ =	strace $0x9FFFFFFF  }
0xcb: {  	(tm) =	ssettm $0x7FFFFFFF  }
tec
execute0_lowered:
.L_overlay_start_1:
0x0: {  	(tag) =	ssettag $0x1  }
0x1: {  	s0 =	rddreg [dreg:$0x0]  }
0x2: {  	s1 =	rddreg [dreg:$0x1]  }
0x3: {  	s3 =	rddreg [dreg:$0x3]  }
0x4: {  	s4 =	rddreg [dreg:$0x4]  }
0x5: {  	s2 =	srdreg.scid;
	s9 =	stileid.u32  }
0x6: {  	s5 =	simm.s32 $0x0;
	s17 =	simm.s32 $0x1;
	s18 =	simm.s32 $0x2  }
0x7: {  	s19 =	simm.s32 $0x3;
	s20 =	simm.s32 $0x4;
	s21 =	simm.s32 $0x100  }
0x8: {  	s22 =	simm.s32 $0x5000;
	s23 =	simm.s32 $0x7000;
	s25 =	simm.s32 $0x9000  }
0x9: {  	s28 =	simm.s32 $0xB000;
	s29 =	simm.s32 $0x5;
	s30 =	simm.s32 $0x6  }
0xa: {  	s31 =	simm.s32 $0x7;
	s2 =	sand.u32 $0x1, s2;
	s6 =	sshll.u32 s9, $0x1  }
0xb: {  	s8 =	smul.u32 $0x5000, s9;
	[smem:$0x7FF] =	sst s5;
	s6 =	sor.u32 s2, s6  }
0xc: {  	s7 =	smul.u32 $0x50000, s2;
	_ =	strace $0x8000004A;
	s2 =	ssub.s32 $0x2, s2  }
0xd: {  	s6 =	smul.u32 $0x2710, s6;
	s26 =	sshrl.u32 s2, $0x1;
	s13 =	sadd.s32 s8, s3  }
0xe: {  	s15 =	sadd.s32 s8, s4;
	s7 =	sadd.s32 s8, s7;
	s2 =	ssub.s32 s2, s26  }
0xf: {  	s8 =	sshrl.u32 s8, $0x3;
	s13 =	sshrl.u32 s13, $0x3;
	s15 =	sshrl.u32 s15, $0x3  }
0x10: {  	s26 =	simm.s32 $0x9;
	s6 =	sshrl.u32 s6, $0x3;
	s7 =	sshrl.u32 s7, $0x3  }
0x11: {  	s8 =	sadd.s32 s0, s8;
	s12 =	smax.u32 s2, $0x1;
	s0 =	simm.s32 $0x8  }
0x12: {  	s2 =	simm.s32 $0x0;
	s10 =	sadd.s32 s6, s1;
	s6 =	sshll.u32 s9, $0x6  }
0x13: {  	s1 =	sadd.s32 s7, s1;
	s7 =	sor.u32 $0x1C01, s6;
	s9 =	sadd.s32 $0x3800, s10  }
0x14: {  	v0 =	vimm.s32 $0x2710;
	s10 =	sadd.s32 $0xD440, s10;
	s11 =	sadd.s32 $0x17200, s1;
	s14 =	sor.u32 $0x1C02, s6  }
.LBB2_1:
0x15: {  	s1 =	rddreg [dreg:$0x2]  }
0x16: {  	[spmem:s13], [sflag:s7] =	dma.local [hbm:s1], $0xA00  }
0x17: {  	[spmem:s15], [sflag:s14] =	dma.local [hbm:s8], $0xA00  }
0x18: {  	[tilespmem:s5], [sflag:$0x3] =	stream.linear.gather [hbm4b:s9+s5], $0x2710, $0x38;
	[tilespmem:$0x17000] =	vst v63  }
0x19: {  	s16 =	simm.s32 $0x2800  }
0x1a: {  	[tilespmem:s16], [sflag:$0x4] =	stream.linear.gather [hbm4b:s10+s5], $0x2710, $0x38;
	[tilespmem:$0x17000] =	vst v63  }
0x1b: {  	[tilespmem:$0x2710] =	vst v0  }
0x1c: {  	[tilespmem:$0x4F10] =	vst v0  }
0x1d: {  	[tilespmem:$0x2720] =	vst v0  }
0x1e: {  	[tilespmem:$0x4F20] =	vst v0  }
0x1f: {  	[tilespmem:$0x2730] =	vst v0  }
0x20: {  	[tilespmem:$0x4F30] =	vst v0  }
0x21: {  	[tilespmem:$0x2740] =	vst v0  }
0x22: {  	[tilespmem:$0x4F40] =	vst v0  }
0x23: {  	[tilespmem:$0x2750] =	vst v0  }
0x24: {  	[tilespmem:$0x4F50] =	vst v0  }
0x25: {  	[tilespmem:$0x2760] =	vst v0  }
0x26: {  	[tilespmem:$0x4F60] =	vst v0  }
0x27: {  	[tilespmem:$0x2770] =	vst v0  }
0x28: {  	[tilespmem:$0x4F70] =	vst v0  }
0x29: {  	[tilespmem:$0x2780] =	vst v0  }
0x2a: {  	[tilespmem:$0x4F80] =	vst v0  }
0x2b: {  	[tilespmem:$0x2790] =	vst v0  }
0x2c: {  	[tilespmem:$0x4F90] =	vst v0  }
0x2d: {  	[tilespmem:$0x27A0] =	vst v0  }
0x2e: {  	[tilespmem:$0x4FA0] =	vst v0  }
0x2f: {  	[tilespmem:$0x27B0] =	vst v0  }
0x30: {  	[tilespmem:$0x4FB0] =	vst v0  }
0x31: {  	[tilespmem:$0x27C0] =	vst v0  }
0x32: {  	[tilespmem:$0x4FC0] =	vst v0  }
0x33: {  	[tilespmem:$0x27D0] =	vst v0  }
0x34: {  	[tilespmem:$0x4FD0] =	vst v0  }
0x35: {  	[tilespmem:$0x27E0] =	vst v0  }
0x36: {  	[tilespmem:$0x4FE0] =	vst v0  }
0x37: {  	[tilespmem:$0x27F0] =	vst v0  }
0x38: {  	[tilespmem:$0x4FF0] =	vst v0  }
0x39: {  	_ =	swait.ge [sflag:s17], $0xA00  }
0x3a: {  	[sflag:s17] =	ssyncset.done $0x0  }
0x3b: {  	[sflag:s17] =	ssyncadd.s32 $0xFFFFF600  }
0x3c: {  	_ =	swait.ge [sflag:s18], $0xA00  }
0x3d: {  	[sflag:s18] =	ssyncset.done $0x0  }
0x3e: {  	[sflag:s18] =	ssyncadd.s32 $0xFFFFF600  }
0x3f: {  	_ =	swait.ge [sflag:s19], $0x2710  }
0x40: {  	[sflag:s19] =	ssyncset.done $0x0  }
0x41: {  	[sflag:s19] =	ssyncadd.s32 $0xFFFFD8F0  }
0x42: {  	_ =	swait.ge [sflag:s20], $0x2710  }
0x43: {  	[sflag:s20] =	ssyncset.done $0x0  }
0x44: {  	[sflag:s20] =	ssyncadd.s32 $0xFFFFD8F0  }
0x45: {  	[bflag:$0x0] =	sbarrier.arrive $0xFFFF  }
0x46: {  	[tilespmem:s22], [sflag:$0x1] =	stream.indirect.gather [spmem:s4], $0x20, s5, s21, $0xb8;
	[tilespmem:$0x17000] =	vst v63  }
0x47: {  	_ = 	snop  }
0x48: {  	[tilespmem:s23], [sflag:$0x2] =	stream.indirect.gather [spmem:s4], $0x20, s21, s21, $0xb8;
	[tilespmem:$0x17000] =	vst v63  }
0x49: {  	s24 =	simm.s32 $0x200  }
0x4a: {  	[tilespmem:s25], [sflag:$0x3] =	stream.indirect.gather [spmem:s4], $0x20, s24, s21, $0xb8;
	[tilespmem:$0x17000] =	vst v63  }
0x4b: {  	s16 =	simm.s32 $0x300  }
0x4c: {  	[tilespmem:s28], [sflag:$0x4] =	stream.indirect.gather [spmem:s4], $0x20, s16, s21, $0xb8;
	[tilespmem:$0x17000] =	vst v63  }
0x4d: {  	_ =	swait.ge [sflag:s17], $0x2000  }
0x4e: {  	[sflag:s17] =	ssyncset.done $0x0  }
0x4f: {  	s24 =	simm.s32 $0x2800;
	[sflag:s17] =	ssyncadd.s32 $0xFFFFE000  }
0x50: {  	[spmem:s3] =	stream.indirect.scatter.add.f32 [tilespmem:s22], [sflag:$0x5], $0x20, s24, s21, $0xb8;
	[tilespmem:$0x17000] =	vst v63  }
0x51: {  	_ =	swait.ge [sflag:s18], $0x2000  }
0x52: {  	[sflag:s18] =	ssyncset.done $0x0  }
0x53: {  	s16 =	simm.s32 $0x2900;
	[sflag:s18] =	ssyncadd.s32 $0xFFFFE000  }
0x54: {  	[spmem:s3] =	stream.indirect.scatter.add.f32 [tilespmem:s23], [sflag:$0x6], $0x20, s16, s21, $0xb8;
	[tilespmem:$0x17000] =	vst v63  }
0x55: {  	_ =	swait.ge [sflag:s19], $0x2000  }
0x56: {  	[sflag:s19] =	ssyncset.done $0x0  }
0x57: {  	s24 =	simm.s32 $0x2A00;
	[sflag:s19] =	ssyncadd.s32 $0xFFFFE000  }
0x58: {  	[spmem:s3] =	stream.indirect.scatter.add.f32 [tilespmem:s25], [sflag:$0x7], $0x20, s24, s21, $0xb8;
	[tilespmem:$0x17000] =	vst v63  }
0x59: {  	_ =	swait.ge [sflag:s20], $0x2000  }
0x5a: {  	[sflag:s20] =	ssyncset.done $0x0  }
0x5b: {  	s16 =	simm.s32 $0x2B00;
	[sflag:s20] =	ssyncadd.s32 $0xFFFFE000  }
0x5c: {  	[spmem:s3] =	stream.indirect.scatter.add.f32 [tilespmem:s28], [sflag:$0x8], $0x20, s16, s21, $0xb8;
	[tilespmem:$0x17000] =	vst v63  }
0x5d: {  	_ =	swait.ge [sflag:s29], $0x2000  }
0x5e: {  	[sflag:s29] =	ssyncset.done $0x0  }
0x5f: {  	s24 =	simm.s32 $0x400;
	[sflag:s29] =	ssyncadd.s32 $0xFFFFE000  }
0x60: {  	[tilespmem:s22], [sflag:$0x1] =	stream.indirect.gather [spmem:s4], $0x20, s24, s21, $0xb8;
	[tilespmem:$0x17000] =	vst v63  }
0x61: {  	_ =	swait.ge [sflag:s30], $0x2000  }
0x62: {  	[sflag:s30] =	ssyncset.done $0x0  }
0x63: {  	s16 =	simm.s32 $0x500;
	[sflag:s30] =	ssyncadd.s32 $0xFFFFE000  }
0x64: {  	[tilespmem:s23], [sflag:$0x2] =	stream.indirect.gather [spmem:s4], $0x20, s16, s21, $0xb8;
	[tilespmem:$0x17000] =	vst v63  }
0x65: {  	_ =	swait.ge [sflag:s31], $0x2000  }
0x66: {  	[sflag:s31] =	ssyncset.done $0x0  }
0x67: {  	s24 =	simm.s32 $0x600;
	[sflag:s31] =	ssyncadd.s32 $0xFFFFE000  }
0x68: {  	[tilespmem:s25], [sflag:$0x3] =	stream.indirect.gather [spmem:s4], $0x20, s24, s21, $0xb8;
	[tilespmem:$0x17000] =	vst v63  }
0x69: {  	_ =	swait.ge [sflag:s0], $0x2000  }
0x6a: {  	[sflag:s0] =	ssyncset.done $0x0  }
0x6b: {  	s1 =	simm.s32 $0x1000;
	s16 =	simm.s32 $0x700;
	[sflag:s0] =	ssyncadd.s32 $0xFFFFE000  }
.LBB2_2:
0x6c: {  	[tilespmem:s28], [sflag:$0x4] =	stream.indirect.gather [spmem:s4], $0x20, s16, s21, $0xb8;
	[tilespmem:$0x17000] =	vst v63  }
0x6d: {  	s16 =	smov.u32 s1  }
0x6e: {  	p0 =	sne.s32 s1, $0x8000;
	s1 =	sadd.s32 $0x1000, s1;
	_ =	swait.ge [sflag:s17], $0x2000  }
0x6f: {  	s16 =	sshra.s32 s16, $0x2;
	[sflag:s17] =	ssyncset.done $0x0  }
0x70: {  	s24 =	sadd.s32 $0x2800, s16;
	[sflag:s17] =	ssyncadd.s32 $0xFFFFE000  }
0x71: {  	[spmem:s3] =	stream.indirect.scatter.add.f32 [tilespmem:s22], [sflag:$0x5], $0x20, s24, s21, $0xb8;
	[tilespmem:$0x17000] =	vst v63  }
0x72: {  	_ =	swait.ge [sflag:s18], $0x2000  }
0x73: {  	[sflag:s18] =	ssyncset.done $0x0  }
0x74: {  	s24 =	sadd.s32 $0x2900, s16;
	[sflag:s18] =	ssyncadd.s32 $0xFFFFE000  }
0x75: {  	[spmem:s3] =	stream.indirect.scatter.add.f32 [tilespmem:s23], [sflag:$0x6], $0x20, s24, s21, $0xb8;
	[tilespmem:$0x17000] =	vst v63  }
0x76: {  	_ =	swait.ge [sflag:s19], $0x2000  }
0x77: {  	[sflag:s19] =	ssyncset.done $0x0  }
0x78: {  	s24 =	sadd.s32 $0x2A00, s16;
	[sflag:s19] =	ssyncadd.s32 $0xFFFFE000  }
0x79: {  	[spmem:s3] =	stream.indirect.scatter.add.f32 [tilespmem:s25], [sflag:$0x7], $0x20, s24, s21, $0xb8;
	[tilespmem:$0x17000] =	vst v63  }
0x7a: {  	_ =	swait.ge [sflag:s20], $0x2000  }
0x7b: {  	[sflag:s20] =	ssyncset.done $0x0  }
0x7c: {  	s24 =	sadd.s32 $0x2B00, s16;
	[sflag:s20] =	ssyncadd.s32 $0xFFFFE000  }
0x7d: {  	[spmem:s3] =	stream.indirect.scatter.add.f32 [tilespmem:s28], [sflag:$0x8], $0x20, s24, s21, $0xb8;
	[tilespmem:$0x17000] =	vst v63  }
0x7e: {  	_ =	swait.ge [sflag:s29], $0x2000  }
0x7f: {  	[sflag:s29] =	ssyncset.done $0x0  }
0x80: {  	s24 =	sadd.s32 $0x400, s16;
	[sflag:s29] =	ssyncadd.s32 $0xFFFFE000  }
0x81: {  	[tilespmem:s22], [sflag:$0x1] =	stream.indirect.gather [spmem:s4], $0x20, s24, s21, $0xb8;
	[tilespmem:$0x17000] =	vst v63  }
0x82: {  	_ =	swait.ge [sflag:s30], $0x2000  }
0x83: {  	[sflag:s30] =	ssyncset.done $0x0  }
0x84: {  	s24 =	sadd.s32 $0x500, s16;
	[sflag:s30] =	ssyncadd.s32 $0xFFFFE000  }
0x85: {  	[tilespmem:s23], [sflag:$0x2] =	stream.indirect.gather [spmem:s4], $0x20, s24, s21, $0xb8;
	[tilespmem:$0x17000] =	vst v63  }
0x86: {  	_ =	swait.ge [sflag:s31], $0x2000  }
0x87: {  	[sflag:s31] =	ssyncset.done $0x0  }
.Ltmp0:
0x88: {  	s24 =	sadd.s32 $0x600, s16;
	[sflag:s31] =	ssyncadd.s32 $0xFFFFE000;
	(pc) =	sbr.rel @p0 .LBB2_2-.Ltmp0, $4  }
0x89: {  	[tilespmem:s25], [sflag:$0x3] =	stream.indirect.gather [spmem:s4], $0x20, s24, s21, $0xb8;
	[tilespmem:$0x17000] =	vst v63  }
0x8a: {  	_ =	swait.ge [sflag:s0], $0x2000  }
0x8b: {  	[sflag:s0] =	ssyncset.done $0x0  }
0x8c: {  	s16 =	sadd.s32 $0x700, s16;
	[sflag:s0] =	ssyncadd.s32 $0xFFFFE000  }
0x8d: {  	[tilespmem:s28], [sflag:$0x4] =	stream.indirect.gather [spmem:s4], $0x20, s16, s21, $0xb8;
	[tilespmem:$0x17000] =	vst v63  }
0x8e: {  	_ =	swait.ge [sflag:s17], $0x2000  }
0x8f: {  	[sflag:s17] =	ssyncset.done $0x0  }
0x90: {  	s1 =	simm.s32 $0x4C00;
	[sflag:s17] =	ssyncadd.s32 $0xFFFFE000  }
0x91: {  	[spmem:s3] =	stream.indirect.scatter.add.f32 [tilespmem:s22], [sflag:$0x5], $0x20, s1, s21, $0xb8;
	[tilespmem:$0x17000] =	vst v63  }
0x92: {  	_ =	swait.ge [sflag:s18], $0x2000  }
0x93: {  	[sflag:s18] =	ssyncset.done $0x0  }
0x94: {  	s16 =	simm.s32 $0x4D00;
	[sflag:s18] =	ssyncadd.s32 $0xFFFFE000  }
0x95: {  	[spmem:s3] =	stream.indirect.scatter.add.f32 [tilespmem:s23], [sflag:$0x6], $0x20, s16, s21, $0xb8;
	[tilespmem:$0x17000] =	vst v63  }
0x96: {  	_ =	swait.ge [sflag:s19], $0x2000  }
0x97: {  	[sflag:s19] =	ssyncset.done $0x0  }
0x98: {  	s24 =	simm.s32 $0x4E00;
	[sflag:s19] =	ssyncadd.s32 $0xFFFFE000  }
0x99: {  	[spmem:s3] =	stream.indirect.scatter.add.f32 [tilespmem:s25], [sflag:$0x7], $0x20, s24, s21, $0xb8;
	[tilespmem:$0x17000] =	vst v63  }
0x9a: {  	_ =	swait.ge [sflag:s20], $0x2000  }
0x9b: {  	[sflag:s20] =	ssyncset.done $0x0  }
0x9c: {  	s16 =	simm.s32 $0x4F00;
	[sflag:s20] =	ssyncadd.s32 $0xFFFFE000  }
0x9d: {  	[spmem:s3] =	stream.indirect.scatter.add.f32 [tilespmem:s28], [sflag:$0x8], $0x20, s16, s21, $0xb8;
	[tilespmem:$0x17000] =	vst v63  }
0x9e: {  	_ =	swait.ge [sflag:s29], $0x2000  }
0x9f: {  	[sflag:s29] =	ssyncset.done $0x0  }
0xa0: {  	[sflag:s29] =	ssyncadd.s32 $0xFFFFE000  }
0xa1: {  	_ =	swait.ge [sflag:s30], $0x2000  }
0xa2: {  	[sflag:s30] =	ssyncset.done $0x0  }
0xa3: {  	[sflag:s30] =	ssyncadd.s32 $0xFFFFE000  }
0xa4: {  	_ =	swait.ge [sflag:s31], $0x2000  }
0xa5: {  	[sflag:s31] =	ssyncset.done $0x0  }
0xa6: {  	[sflag:s31] =	ssyncadd.s32 $0xFFFFE000  }
0xa7: {  	_ =	swait.ge [sflag:s0], $0x2000  }
0xa8: {  	s2 =	sadd.s32 $0x1, s2;
	[sflag:s0] =	ssyncset.done $0x0  }
0xa9: {  	p0 =	sne.s32 s2, s12;
	[sflag:s0] =	ssyncadd.s32 $0xFFFFE000  }
.Ltmp1:
0xaa: {  	s24 =	sor.u32 $0x1C09, s6;
	[bflag:$0x0] =	sbarrier.arrive $0xFFFF;
	(pc) =	sbr.rel @p0 .LBB2_1-.Ltmp1, $4  }
0xab: {  	[hbm:s11], [sflag:s24] =	dma.local [spmem:s13], $0xA00  }
0xac: {  	_ =	swait.ge [sflag:s26], $0xA00  }
0xad: {  	[sflag:s26] =	ssyncset.done $0x0  }
0xae: {  	[sflag:s26] =	ssyncadd.s32 $0xFFFFF600  }
0xaf: {  	_ =	sfence.sel $0x180000  }
0xb0: {  	[bflag:$0x0] =	sbarrier.arrive $0xFFFF  }
0xb1: {  	_ =	strace $0x9000004A  }
0xb2: {  	s0 =	stileid.u32;
	[bflag:$0x2] =	sbarrier.arrive $0xFFFF  }
0xb3: {  	p0 =	sne.s32 s0, $0x0;
	s0 =	rddreg [dreg:$0x5]  }
0xb4: {  	s0 =	sadd.s32 @!p0 $0x100000, s0  }
0xb5: {  	[sflag:s0] =	ssyncadd.tile.s32 @!p0 $0x1;
	_ =	shalt  }
.Lfunc_end2:
_tile_overlayer_lowered:
.L_overlay_start_2:
0xb6: {  	(tag) =	ssettag $0x2  }
0xb7: {  	s0 =	rddreg [dreg:$0x0];
	s2 =	stileid.u32  }
0xb8: {  	s1 =	rddreg [dreg:$0x1];
	p0 =	sne.s32 s2, $0x0  }
0xb9: {  	s3 =	rddreg [dreg:$0x2];
	[bflag:$0x3] =	sbarrier.arrive $0xFFFF;
	s2 =	simm.s32 @!p0 $0x1C09  }
0xba: {  	[timem:s3], [sflag:s2] =	dma.local @!p0 [hbm:s0], s1  }
0xbb: {  	s0 =	simm.s32 @!p0 $0x9  }
0xbc: {  	_ =	swait.ge @!p0 [sflag:s0], s1  }
0xbd: {  	s1 =	ssub.s32 @!p0 $0x0, s1;
	[sflag:s0] =	ssyncset.done @!p0 $0x0  }
0xbe: {  	[sflag:s0] =	ssyncadd.s32 @!p0 s1  }
0xbf: {  	[bflag:$0x3] =	sbarrier.arrive $0xFFFF  }
0xc0: {  	_ =	shalt  }

// kernel: kernel.16.cloned.1.call-start
scs
__scs_entry_jumppad:
0x0: {  	(pc) =	sbr.rel $0x88, $3  }
0x1: {  	(tag) =	ssettag $0x0;
	lr =	simm.s32 $0x1  }
0x2: {  	[smem:$0x3F91] =	sst lr;
	_ =	strace $0xD0000000  }
0x3: {  	_ = 	snop  }
0x4: {  	_ = 	snop  }
0x5: {  	_ = 	snop  }
0x6: {  	_ = 	snop  }
0x7: {  	_ = 	snop  }
__scs_overlays_trampoline_lowered:
0x8: {  	[smem:$0x3FA0] =	sst s0  }
0x9: {  	[smem:$0x3FA1] =	sst s1  }
0xa: {  	[smem:$0x3FA2] =	sst s2  }
0xb: {  	[smem:$0x3FA3] =	sst s3  }
0xc: {  	[smem:$0x3FA4] =	sst s4  }
0xd: {  	[smem:$0x3FA5] =	sst s5  }
0xe: {  	[smem:$0x3FA6] =	sst s6  }
0xf: {  	[smem:$0x3FA7] =	sst s7  }
0x10: {  	[smem:$0x3FA8] =	sst s8  }
0x11: {  	[smem:$0x3FA9] =	sst s9;
	s0 =	simm.s32 @!p0 $0x0  }
0x12: {  	s1 =	sld [smem:$0x3F8F];
	s0 =	simm.s32 @p0 $0x1  }
0x13: {  	[smem:$0x3FAA] =	sst s0;
	s0 =	simm.s32 @!p1 $0x0  }
0x14: {  	s2 =	sld [smem:$0x3F8E];
	s0 =	simm.s32 @p1 $0x1  }
0x15: {  	[smem:$0x3FAB] =	sst s0;
	s0 =	simm.s32 @!p2 $0x0  }
0x16: {  	s3 =	sld [smem:$0x3FDB];
	s0 =	simm.s32 @p2 $0x1  }
0x17: {  	s4 =	simm.s32 $0x1BF5;
	[smem:$0x3FAD] =	sst s0  }
0x18: {  	s0 =	sld [smem:$0x3F90];
	_ =	swait.ge [sflag:s4], $0x0  }
0x19: {  	s7 =	sld [smem:$0x3F91]  }
0x1a: {  	s8 =	sadd.s32 $0xFFFFE003, lr  }
0x1b: {  	s9 =	sadd.s32 $0xFFFFFEF7, lr;
	s5 =	simm.s32 $0xFFFFFFFF;
	p2 =	slt.u32 s8, $0xFFFFF086  }
0x1c: {  	p1 =	slt.u32 s9, $0xF7A;
	s5 =	simm.s32 @!p2 $0x0  }
0x1d: {  	s5 =	simm.s32 @p1 $0x1;
	p0 =	seq.s32 s7, s2  }
0x1e: {  	s7 =	smul.u32 @!p0 $0xF7A, s2;
	p2 =	seq.s32 @!p0 s5, $0x0  }
0x1f: {  	s9 =	smul.u32 $0xF7A, s1;
	s8 =	simm.s32 @!p0 $0x1BF5;
	p2 =	por !p2, p0  }
0x20: {  	[sflag:s8] =	ssyncset.s32 @!p0 $0xFFFFF086;
	s6 =	sadd.s32 @!p0 s3, s7;
	s7 =	simm.s32 @!p0 $0x108  }
0x21: {  	s3 =	sadd.s32 s3, s9;
	s6 =	sadd.s32 @!p0 $0x88, s6;
	s7 =	simm.s32 @p2 $0x1082  }
0x22: {  	[simem:s7], [sflag:s8] =	dma.local @!p0 [hbm:s6], $0xF7A  }
0x23: {  	s9 =	sor.u32 $0xD0000000, s2;
	s6 =	simm.s32 $0x108;
	_ =	swait.ge @!p0 [sflag:s8], $0x0  }
0x24: {  	s3 =	sadd.s32 $0x88, s3;
	s6 =	simm.s32 @!p1 $0x1082;
	[sflag:s4] =	ssyncset.s32 $0xFFFFF086  }
0x25: {  	[simem:s6], [sflag:s4] =	dma.local [hbm:s3], $0xF7A  }
0x26: {  	[smem:$0x3F91] =	sst s1;
	(tag) =	ssettag s2;
	_ =	strace s9  }
0x27: {  	s1 =	sld [smem:$0x3FA1]  }
0x28: {  	s2 =	sld [smem:$0x3FA2]  }
0x29: {  	s4 =	sld [smem:$0x3FA4]  }
0x2a: {  	p0 =	seq.s32 s5, $0x0;
	s5 =	sld [smem:$0x3FA5]  }
0x2b: {  	s6 =	sld [smem:$0x3FA6]  }
0x2c: {  	s7 =	sld [smem:$0x3FA7]  }
0x2d: {  	s3 =	simm.s32 $0x108;
	s8 =	sld [smem:$0x3FA8]  }
0x2e: {  	s3 =	simm.s32 @!p0 $0x1082;
	s9 =	sld [smem:$0x3FA9]  }
0x2f: {  	lr =	sadd.s32 s0, s3;
	s0 =	sld [smem:$0x3FA0]  }
0x30: {  	s3 =	sld [smem:$0x3FA3]  }
0x31: {  	[smem:$0x3FAC] =	sst s10  }
0x32: {  	s10 =	sld [smem:$0x3FAA];
	_ =	sdelay $0x3  }
0x33: {  	p0 =	seq.s32 s10, $0x1;
	s10 =	sld [smem:$0x3FAC];
	_ =	sdelay $0x3  }
0x34: {  	[smem:$0x3FAC] =	sst s10  }
0x35: {  	s10 =	sld [smem:$0x3FAB];
	_ =	sdelay $0x3  }
0x36: {  	p1 =	seq.s32 s10, $0x1;
	s10 =	sld [smem:$0x3FAC];
	_ =	sdelay $0x3  }
0x37: {  	[smem:$0x3FAC] =	sst s10  }
0x38: {  	s10 =	sld [smem:$0x3FAD]  }
0x39: {  	_ = 	snop;
	(pc) =	sbr.ind lr, $3  }
0x3a: {  	_ = 	snop  }
0x3b: {  	_ = 	snop  }
0x3c: {  	p2 =	seq.s32 s10, $0x1;
	s10 =	sld [smem:$0x3FAC]  }
0x3d: {  	_ =	shalt  }
0x3e: {  	_ =	shalt  }
0x3f: {  	_ =	shalt  }
0x40: {  	_ =	shalt  }
0x41: {  	_ =	shalt  }
0x42: {  	_ =	shalt  }
0x43: {  	_ =	shalt  }
0x44: {  	_ =	shalt  }
0x45: {  	_ =	shalt  }
0x46: {  	_ =	shalt  }
0x47: {  	_ =	shalt  }
0x48: {  	_ =	shalt  }
0x49: {  	_ =	shalt  }
0x4a: {  	_ =	shalt  }
0x4b: {  	_ =	shalt  }
0x4c: {  	_ =	shalt  }
0x4d: {  	_ =	shalt  }
0x4e: {  	_ =	shalt  }
0x4f: {  	_ =	shalt  }
0x50: {  	_ =	shalt  }
0x51: {  	_ =	shalt  }
0x52: {  	_ =	shalt  }
0x53: {  	_ =	shalt  }
0x54: {  	_ =	shalt  }
0x55: {  	_ =	shalt  }
0x56: {  	_ =	shalt  }
0x57: {  	_ =	shalt  }
0x58: {  	_ =	shalt  }
0x59: {  	_ =	shalt  }
0x5a: {  	_ =	shalt  }
0x5b: {  	_ =	shalt  }
0x5c: {  	_ =	shalt  }
0x5d: {  	_ =	shalt  }
0x5e: {  	_ =	shalt  }
0x5f: {  	_ =	shalt  }
0x60: {  	_ =	shalt  }
0x61: {  	_ =	shalt  }
0x62: {  	_ =	shalt  }
0x63: {  	_ =	shalt  }
0x64: {  	_ =	shalt  }
0x65: {  	_ =	shalt  }
0x66: {  	_ =	shalt  }
0x67: {  	_ =	shalt  }
0x68: {  	_ =	shalt  }
0x69: {  	_ =	shalt  }
0x6a: {  	_ =	shalt  }
0x6b: {  	_ =	shalt  }
0x6c: {  	_ =	shalt  }
0x6d: {  	_ =	shalt  }
0x6e: {  	_ =	shalt  }
0x6f: {  	_ =	shalt  }
0x70: {  	_ =	shalt  }
0x71: {  	_ =	shalt  }
0x72: {  	_ =	shalt  }
0x73: {  	_ =	shalt  }
0x74: {  	_ =	shalt  }
0x75: {  	_ =	shalt  }
0x76: {  	_ =	shalt  }
0x77: {  	_ =	shalt  }
0x78: {  	_ =	shalt  }
0x79: {  	_ =	shalt  }
0x7a: {  	_ =	shalt  }
0x7b: {  	_ =	shalt  }
0x7c: {  	_ =	shalt  }
0x7d: {  	_ =	shalt  }
0x7e: {  	_ =	shalt  }
0x7f: {  	_ =	shalt  }
0x80: {  	_ =	shalt  }
0x81: {  	_ =	shalt  }
0x82: {  	_ =	shalt  }
0x83: {  	_ =	shalt  }
0x84: {  	_ =	shalt  }
0x85: {  	_ =	shalt  }
0x86: {  	_ =	shalt  }
0x87: {  	_ =	shalt  }
.Lfunc_end0:
.L_simem_size_0:
called_computation.2_lowered:
.L_overlay_start_0:
0x88: {  	s2 =	sld [smem:$0x3FD9]  }
0x89: {  	s3 =	sld [smem:$0x3FFE];
	_ =	sdelay $0x1  }
0x8a: {  	s1 =	srdreg.scid  }
0x8b: {  	s0 =	sand.u32 $0x1, s1  }
0x8c: {  	s14 =	sshll.u32 s0, $0xA;
	s2 =	sadd.s32 s3, s2  }
0x8d: {  	s2 =	sadd.s32 s2, s14  }
0x8e: {  	[smem:$0x3FB8] =	sst s2  }
0x8f: {  	_ = 	snop  }
0x90: {  	s2 =	sld [smem:$0x3FD0];
	_ =	sdelay $0x2  }
0x91: {  	s15 =	simm.s32 $0xA;
	s4 =	simm.s32 $0x10  }
0x92: {  	[smem:s4], [sflag:s15] =	dma.local [hbm:s2], $0x1  }
0x93: {  	_ =	swait.eq [sflag:s15], $0x1  }
0x94: {  	[sflag:s15] =	ssyncset.done $0x0  }
0x95: {  	s16 =	sld [smem:$0x10];
	[sflag:s15] =	ssyncadd.s32 $0xFFFFFFFF  }
0x96: {  	s17 =	sld [smem:$0x11];
	(tm) =	ssettm $0x1  }
0x97: {  	s18 =	sld [smem:$0x3FFB];
	_ =	sdelay $0x3  }
0x98: {  	_ =	strace s18  }
0x99: {  	s4 =	sld [smem:$0x3FFC];
	_ =	sdelay $0x3  }
0x9a: {  	_ =	strace s4  }
0x9b: {  	s4 =	sld [smem:$0x3FFD];
	_ =	sdelay $0x3  }
0x9c: {  	_ =	strace s4  }
0x9d: {  	_ =	strace $0x8FFFFFFF  }
0x9e: {  	s19 =	sld [smem:$0x3FDB];
	_ =	sdelay $0x1  }
0x9f: {  	s5 =	simm.s32 $_scs_section_size  }
0xa0: {  	s6 =	simm.s32 $_size__tile_overlayer_lowered;
	s7 =	simm.s32 $_tile_overlayer_lowered  }
0xa1: {  	s22 =	simm.s32 $0x1BFF;
	s21 =	sshll.u32 s7, $0x1;
	s4 =	sadd.s32 s5, s19  }
0xa2: {  	s8 =	simm.s32 $0x0;
	s20 =	sshll.u32 s6, $0x1;
	s6 =	sadd.s32 s21, s4  }
0xa3: {  	[timem:s8], [sflag:s22] =	dma.local [hbm:s6], s20  }
0xa4: {  	_ =	swait.ge [sflag:s22], s20  }
0xa5: {  	s5 =	ssub.s32 $0x0, s20;
	[sflag:s22] =	ssyncset.done $0x0  }
0xa6: {  	[sflag:s22] =	ssyncadd.s32 s5;
	_ =	sdelay $0x1  }
0xa7: {  	s23 =	simm.s32 $0x1B8B  }
0xa8: {  	_ =	swait.ge [sflag:s23], $0x1  }
0xa9: {  	[sflag:s23] =	ssyncset.done $0x0  }
0xaa: {  	s25 =	simm.s32 $0x1B8E;
	s24 =	sld [smem:$0x3FFE];
	[sflag:s23] =	ssyncadd.s32 $0xFFFFFFFF  }
0xab: {  	s26 =	simm.s32 $execute0_lowered;
	[smem:$0x3FD2] =	sst s25  }
0xac: {  	s6 =	sshll.u32 s26, $0x1;
	_ =	strace $0x8000004C;
	[dreg:$0x1] =	wrdreg $0xFFFFFFFF  }
0xad: {  	s28 =	simm.s32 $_size_execute0_lowered;
	s4 =	sadd.s32 s4, s6;
	[dreg:$0x0] =	wrdreg $0x0  }
0xae: {  	s6 =	sshll.u32 s28, $0x1;
	[dreg:$0x2] =	wrdreg s4  }
0xaf: {  	[dreg:$0x3] =	wrdreg s6  }
0xb0: {  	[dreg:$0x4] =	wrdreg $0xC0  }
0xb1: {  	_ =	task [dreg:s8], $0x5FFFF  }
0xb2: {  	[dreg:$0x1] =	wrdreg $0xFFFFFFFF  }
0xb3: {  	[dreg:$0x0] =	wrdreg $0x60  }
0xb4: {  	[dreg:$0x2] =	wrdreg s17  }
0xb5: {  	[dreg:$0x3] =	wrdreg s24  }
0xb6: {  	[dreg:$0x4] =	wrdreg s16  }
0xb7: {  	[dreg:$0x5] =	wrdreg $0xD0000  }
0xb8: {  	[dreg:$0x6] =	wrdreg $0x120000  }
0xb9: {  	[dreg:$0x7] =	wrdreg $0x9  }
0xba: {  	_ =	task.clear_ibuf [dreg:s8], $0x8FFFF;
	_ =	strace $0x9000004C  }
0xbb: {  	s29 =	simm.s32 $0x9;
	_ =	strace $0x8000004E  }
0xbc: {  	_ =	swait.ge [sflag:s29], $0x1  }
0xbd: {  	[sflag:s29] =	ssyncadd.s32 $0xFFFFFFFF  }
0xbe: {  	_ =	strace $0x9000004E  }
0xbf: {  	_ =	sfence  }
0xc0: {  	s30 =	sld [smem:$0x0];
	_ =	sdelay $0x2  }
0xc1: {  	s31 =	sshll.u32 s1, $0xD;
	s1 =	sshrl.u32 s1, $0x2  }
0xc2: {  	s3 =	sand.u32 $0x4000, s31;
	s1 =	sadd.s32 s1, s30  }
0xc3: {  	s0 =	sor.u32 s3, s0;
	s1 =	sshll.u32 s1, $0x11  }
0xc4: {  	s0 =	sor.u32 s1, s0  }
0xc5: {  	s0 =	sadd.s32 $0x8F2B, s0  }
0xc6: {  	[sflag:s0] =	ssyncadd.remote.s32 $0x1  }
0xc7: {  	_ =	sfence.sel $0xFFFF  }
0xc8: {  	[dreg:$0x0] =	wrdreg $0xFFFFFFFF;
	(pc) =	sbr.abs _section_cstart, $3  }
0xc9: {  	[dreg:$0x1] =	wrdreg $0xFFFFFFFF  }
0xca: {  	_ =	task.clear_ibuf [dreg:s8], $0x2FFFF;
	_ =	strace $0x9FFFFFFF  }
0xcb: {  	(tm) =	ssettm $0x7FFFFFFF  }
tec
execute0_lowered:
.L_overlay_start_1:
0x0: {  	(tag) =	ssettag $0x1  }
0x1: {  	s0 =	rddreg [dreg:$0x0]  }
0x2: {  	s1 =	rddreg [dreg:$0x1]  }
0x3: {  	s3 =	rddreg [dreg:$0x3]  }
0x4: {  	s4 =	rddreg [dreg:$0x4]  }
0x5: {  	s2 =	srdreg.scid;
	s9 =	stileid.u32  }
0x6: {  	s5 =	simm.s32 $0x0;
	s17 =	simm.s32 $0x1;
	s18 =	simm.s32 $0x2  }
0x7: {  	s19 =	simm.s32 $0x3;
	s20 =	simm.s32 $0x4;
	s21 =	simm.s32 $0x100  }
0x8: {  	s22 =	simm.s32 $0x5000;
	s23 =	simm.s32 $0x7000;
	s25 =	simm.s32 $0x9000  }
0x9: {  	s28 =	simm.s32 $0xB000;
	s29 =	simm.s32 $0x5;
	s30 =	simm.s32 $0x6  }
0xa: {  	s31 =	simm.s32 $0x7;
	s2 =	sand.u32 $0x1, s2;
	s6 =	sshll.u32 s9, $0x1  }
0xb: {  	s8 =	smul.u32 $0x5000, s9;
	[smem:$0x7FF] =	sst s5;
	s6 =	sor.u32 s2, s6  }
0xc: {  	s7 =	smul.u32 $0x50000, s2;
	_ =	strace $0x8000004D;
	s2 =	ssub.s32 $0x2, s2  }
0xd: {  	s6 =	smul.u32 $0x2710, s6;
	s26 =	sshrl.u32 s2, $0x1;
	s13 =	sadd.s32 s8, s3  }
0xe: {  	s15 =	sadd.s32 s8, s4;
	s7 =	sadd.s32 s8, s7;
	s2 =	ssub.s32 s2, s26  }
0xf: {  	s8 =	sshrl.u32 s8, $0x3;
	s13 =	sshrl.u32 s13, $0x3;
	s15 =	sshrl.u32 s15, $0x3  }
0x10: {  	s26 =	simm.s32 $0x9;
	s6 =	sshrl.u32 s6, $0x3;
	s7 =	sshrl.u32 s7, $0x3  }
0x11: {  	s8 =	sadd.s32 s0, s8;
	s12 =	smax.u32 s2, $0x1;
	s0 =	simm.s32 $0x8  }
0x12: {  	s2 =	simm.s32 $0x0;
	s10 =	sadd.s32 s6, s1;
	s6 =	sshll.u32 s9, $0x6  }
0x13: {  	s1 =	sadd.s32 s7, s1;
	s7 =	sor.u32 $0x1C01, s6;
	s9 =	sadd.s32 $0x3800, s10  }
0x14: {  	v0 =	vimm.s32 $0x2710;
	s10 =	sadd.s32 $0xD440, s10;
	s11 =	sadd.s32 $0x17200, s1;
	s14 =	sor.u32 $0x1C02, s6  }
.LBB2_1:
0x15: {  	s1 =	rddreg [dreg:$0x2]  }
0x16: {  	[spmem:s13], [sflag:s7] =	dma.local [hbm:s1], $0xA00  }
0x17: {  	[spmem:s15], [sflag:s14] =	dma.local [hbm:s8], $0xA00  }
0x18: {  	[tilespmem:s5], [sflag:$0x3] =	stream.linear.gather [hbm4b:s9+s5], $0x2710, $0x38;
	[tilespmem:$0x17000] =	vst v63  }
0x19: {  	s16 =	simm.s32 $0x2800  }
0x1a: {  	[tilespmem:s16], [sflag:$0x4] =	stream.linear.gather [hbm4b:s10+s5], $0x2710, $0x38;
	[tilespmem:$0x17000] =	vst v63  }
0x1b: {  	[tilespmem:$0x2710] =	vst v0  }
0x1c: {  	[tilespmem:$0x4F10] =	vst v0  }
0x1d: {  	[tilespmem:$0x2720] =	vst v0  }
0x1e: {  	[tilespmem:$0x4F20] =	vst v0  }
0x1f: {  	[tilespmem:$0x2730] =	vst v0  }
0x20: {  	[tilespmem:$0x4F30] =	vst v0  }
0x21: {  	[tilespmem:$0x2740] =	vst v0  }
0x22: {  	[tilespmem:$0x4F40] =	vst v0  }
0x23: {  	[tilespmem:$0x2750] =	vst v0  }
0x24: {  	[tilespmem:$0x4F50] =	vst v0  }
0x25: {  	[tilespmem:$0x2760] =	vst v0  }
0x26: {  	[tilespmem:$0x4F60] =	vst v0  }
0x27: {  	[tilespmem:$0x2770] =	vst v0  }
0x28: {  	[tilespmem:$0x4F70] =	vst v0  }
0x29: {  	[tilespmem:$0x2780] =	vst v0  }
0x2a: {  	[tilespmem:$0x4F80] =	vst v0  }
0x2b: {  	[tilespmem:$0x2790] =	vst v0  }
0x2c: {  	[tilespmem:$0x4F90] =	vst v0  }
0x2d: {  	[tilespmem:$0x27A0] =	vst v0  }
0x2e: {  	[tilespmem:$0x4FA0] =	vst v0  }
0x2f: {  	[tilespmem:$0x27B0] =	vst v0  }
0x30: {  	[tilespmem:$0x4FB0] =	vst v0  }
0x31: {  	[tilespmem:$0x27C0] =	vst v0  }
0x32: {  	[tilespmem:$0x4FC0] =	vst v0  }
0x33: {  	[tilespmem:$0x27D0] =	vst v0  }
0x34: {  	[tilespmem:$0x4FD0] =	vst v0  }
0x35: {  	[tilespmem:$0x27E0] =	vst v0  }
0x36: {  	[tilespmem:$0x4FE0] =	vst v0  }
0x37: {  	[tilespmem:$0x27F0] =	vst v0  }
0x38: {  	[tilespmem:$0x4FF0] =	vst v0  }
0x39: {  	_ =	swait.ge [sflag:s17], $0xA00  }
0x3a: {  	[sflag:s17] =	ssyncset.done $0x0  }
0x3b: {  	[sflag:s17] =	ssyncadd.s32 $0xFFFFF600  }
0x3c: {  	_ =	swait.ge [sflag:s18], $0xA00  }
0x3d: {  	[sflag:s18] =	ssyncset.done $0x0  }
0x3e: {  	[sflag:s18] =	ssyncadd.s32 $0xFFFFF600  }
0x3f: {  	_ =	swait.ge [sflag:s19], $0x2710  }
0x40: {  	[sflag:s19] =	ssyncset.done $0x0  }
0x41: {  	[sflag:s19] =	ssyncadd.s32 $0xFFFFD8F0  }
0x42: {  	_ =	swait.ge [sflag:s20], $0x2710  }
0x43: {  	[sflag:s20] =	ssyncset.done $0x0  }
0x44: {  	[sflag:s20] =	ssyncadd.s32 $0xFFFFD8F0  }
0x45: {  	[bflag:$0x0] =	sbarrier.arrive $0xFFFF  }
0x46: {  	[tilespmem:s22], [sflag:$0x1] =	stream.indirect.gather [spmem:s4], $0x20, s5, s21, $0xb8;
	[tilespmem:$0x17000] =	vst v63  }
0x47: {  	_ = 	snop  }
0x48: {  	[tilespmem:s23], [sflag:$0x2] =	stream.indirect.gather [spmem:s4], $0x20, s21, s21, $0xb8;
	[tilespmem:$0x17000] =	vst v63  }
0x49: {  	s24 =	simm.s32 $0x200  }
0x4a: {  	[tilespmem:s25], [sflag:$0x3] =	stream.indirect.gather [spmem:s4], $0x20, s24, s21, $0xb8;
	[tilespmem:$0x17000] =	vst v63  }
0x4b: {  	s16 =	simm.s32 $0x300  }
0x4c: {  	[tilespmem:s28], [sflag:$0x4] =	stream.indirect.gather [spmem:s4], $0x20, s16, s21, $0xb8;
	[tilespmem:$0x17000] =	vst v63  }
0x4d: {  	_ =	swait.ge [sflag:s17], $0x2000  }
0x4e: {  	[sflag:s17] =	ssyncset.done $0x0  }
0x4f: {  	s24 =	simm.s32 $0x2800;
	[sflag:s17] =	ssyncadd.s32 $0xFFFFE000  }
0x50: {  	[spmem:s3] =	stream.indirect.scatter.add.f32 [tilespmem:s22], [sflag:$0x5], $0x20, s24, s21, $0xb8;
	[tilespmem:$0x17000] =	vst v63  }
0x51: {  	_ =	swait.ge [sflag:s18], $0x2000  }
0x52: {  	[sflag:s18] =	ssyncset.done $0x0  }
0x53: {  	s16 =	simm.s32 $0x2900;
	[sflag:s18] =	ssyncadd.s32 $0xFFFFE000  }
0x54: {  	[spmem:s3] =	stream.indirect.scatter.add.f32 [tilespmem:s23], [sflag:$0x6], $0x20, s16, s21, $0xb8;
	[tilespmem:$0x17000] =	vst v63  }
0x55: {  	_ =	swait.ge [sflag:s19], $0x2000  }
0x56: {  	[sflag:s19] =	ssyncset.done $0x0  }
0x57: {  	s24 =	simm.s32 $0x2A00;
	[sflag:s19] =	ssyncadd.s32 $0xFFFFE000  }
0x58: {  	[spmem:s3] =	stream.indirect.scatter.add.f32 [tilespmem:s25], [sflag:$0x7], $0x20, s24, s21, $0xb8;
	[tilespmem:$0x17000] =	vst v63  }
0x59: {  	_ =	swait.ge [sflag:s20], $0x2000  }
0x5a: {  	[sflag:s20] =	ssyncset.done $0x0  }
0x5b: {  	s16 =	simm.s32 $0x2B00;
	[sflag:s20] =	ssyncadd.s32 $0xFFFFE000  }
0x5c: {  	[spmem:s3] =	stream.indirect.scatter.add.f32 [tilespmem:s28], [sflag:$0x8], $0x20, s16, s21, $0xb8;
	[tilespmem:$0x17000] =	vst v63  }
0x5d: {  	_ =	swait.ge [sflag:s29], $0x2000  }
0x5e: {  	[sflag:s29] =	ssyncset.done $0x0  }
0x5f: {  	s24 =	simm.s32 $0x400;
	[sflag:s29] =	ssyncadd.s32 $0xFFFFE000  }
0x60: {  	[tilespmem:s22], [sflag:$0x1] =	stream.indirect.gather [spmem:s4], $0x20, s24, s21, $0xb8;
	[tilespmem:$0x17000] =	vst v63  }
0x61: {  	_ =	swait.ge [sflag:s30], $0x2000  }
0x62: {  	[sflag:s30] =	ssyncset.done $0x0  }
0x63: {  	s16 =	simm.s32 $0x500;
	[sflag:s30] =	ssyncadd.s32 $0xFFFFE000  }
0x64: {  	[tilespmem:s23], [sflag:$0x2] =	stream.indirect.gather [spmem:s4], $0x20, s16, s21, $0xb8;
	[tilespmem:$0x17000] =	vst v63  }
0x65: {  	_ =	swait.ge [sflag:s31], $0x2000  }
0x66: {  	[sflag:s31] =	ssyncset.done $0x0  }
0x67: {  	s24 =	simm.s32 $0x600;
	[sflag:s31] =	ssyncadd.s32 $0xFFFFE000  }
0x68: {  	[tilespmem:s25], [sflag:$0x3] =	stream.indirect.gather [spmem:s4], $0x20, s24, s21, $0xb8;
	[tilespmem:$0x17000] =	vst v63  }
0x69: {  	_ =	swait.ge [sflag:s0], $0x2000  }
0x6a: {  	[sflag:s0] =	ssyncset.done $0x0  }
0x6b: {  	s1 =	simm.s32 $0x1000;
	s16 =	simm.s32 $0x700;
	[sflag:s0] =	ssyncadd.s32 $0xFFFFE000  }
.LBB2_2:
0x6c: {  	[tilespmem:s28], [sflag:$0x4] =	stream.indirect.gather [spmem:s4], $0x20, s16, s21, $0xb8;
	[tilespmem:$0x17000] =	vst v63  }
0x6d: {  	s16 =	smov.u32 s1  }
0x6e: {  	p0 =	sne.s32 s1, $0x8000;
	s1 =	sadd.s32 $0x1000, s1;
	_ =	swait.ge [sflag:s17], $0x2000  }
0x6f: {  	s16 =	sshra.s32 s16, $0x2;
	[sflag:s17] =	ssyncset.done $0x0  }
0x70: {  	s24 =	sadd.s32 $0x2800, s16;
	[sflag:s17] =	ssyncadd.s32 $0xFFFFE000  }
0x71: {  	[spmem:s3] =	stream.indirect.scatter.add.f32 [tilespmem:s22], [sflag:$0x5], $0x20, s24, s21, $0xb8;
	[tilespmem:$0x17000] =	vst v63  }
0x72: {  	_ =	swait.ge [sflag:s18], $0x2000  }
0x73: {  	[sflag:s18] =	ssyncset.done $0x0  }
0x74: {  	s24 =	sadd.s32 $0x2900, s16;
	[sflag:s18] =	ssyncadd.s32 $0xFFFFE000  }
0x75: {  	[spmem:s3] =	stream.indirect.scatter.add.f32 [tilespmem:s23], [sflag:$0x6], $0x20, s24, s21, $0xb8;
	[tilespmem:$0x17000] =	vst v63  }
0x76: {  	_ =	swait.ge [sflag:s19], $0x2000  }
0x77: {  	[sflag:s19] =	ssyncset.done $0x0  }
0x78: {  	s24 =	sadd.s32 $0x2A00, s16;
	[sflag:s19] =	ssyncadd.s32 $0xFFFFE000  }
0x79: {  	[spmem:s3] =	stream.indirect.scatter.add.f32 [tilespmem:s25], [sflag:$0x7], $0x20, s24, s21, $0xb8;
	[tilespmem:$0x17000] =	vst v63  }
0x7a: {  	_ =	swait.ge [sflag:s20], $0x2000  }
0x7b: {  	[sflag:s20] =	ssyncset.done $0x0  }
0x7c: {  	s24 =	sadd.s32 $0x2B00, s16;
	[sflag:s20] =	ssyncadd.s32 $0xFFFFE000  }
0x7d: {  	[spmem:s3] =	stream.indirect.scatter.add.f32 [tilespmem:s28], [sflag:$0x8], $0x20, s24, s21, $0xb8;
	[tilespmem:$0x17000] =	vst v63  }
0x7e: {  	_ =	swait.ge [sflag:s29], $0x2000  }
0x7f: {  	[sflag:s29] =	ssyncset.done $0x0  }
0x80: {  	s24 =	sadd.s32 $0x400, s16;
	[sflag:s29] =	ssyncadd.s32 $0xFFFFE000  }
0x81: {  	[tilespmem:s22], [sflag:$0x1] =	stream.indirect.gather [spmem:s4], $0x20, s24, s21, $0xb8;
	[tilespmem:$0x17000] =	vst v63  }
0x82: {  	_ =	swait.ge [sflag:s30], $0x2000  }
0x83: {  	[sflag:s30] =	ssyncset.done $0x0  }
0x84: {  	s24 =	sadd.s32 $0x500, s16;
	[sflag:s30] =	ssyncadd.s32 $0xFFFFE000  }
0x85: {  	[tilespmem:s23], [sflag:$0x2] =	stream.indirect.gather [spmem:s4], $0x20, s24, s21, $0xb8;
	[tilespmem:$0x17000] =	vst v63  }
0x86: {  	_ =	swait.ge [sflag:s31], $0x2000  }
0x87: {  	[sflag:s31] =	ssyncset.done $0x0  }
.Ltmp0:
0x88: {  	s24 =	sadd.s32 $0x600, s16;
	[sflag:s31] =	ssyncadd.s32 $0xFFFFE000;
	(pc) =	sbr.rel @p0 .LBB2_2-.Ltmp0, $4  }
0x89: {  	[tilespmem:s25], [sflag:$0x3] =	stream.indirect.gather [spmem:s4], $0x20, s24, s21, $0xb8;
	[tilespmem:$0x17000] =	vst v63  }
0x8a: {  	_ =	swait.ge [sflag:s0], $0x2000  }
0x8b: {  	[sflag:s0] =	ssyncset.done $0x0  }
0x8c: {  	s16 =	sadd.s32 $0x700, s16;
	[sflag:s0] =	ssyncadd.s32 $0xFFFFE000  }
0x8d: {  	[tilespmem:s28], [sflag:$0x4] =	stream.indirect.gather [spmem:s4], $0x20, s16, s21, $0xb8;
	[tilespmem:$0x17000] =	vst v63  }
0x8e: {  	_ =	swait.ge [sflag:s17], $0x2000  }
0x8f: {  	[sflag:s17] =	ssyncset.done $0x0  }
0x90: {  	s1 =	simm.s32 $0x4C00;
	[sflag:s17] =	ssyncadd.s32 $0xFFFFE000  }
0x91: {  	[spmem:s3] =	stream.indirect.scatter.add.f32 [tilespmem:s22], [sflag:$0x5], $0x20, s1, s21, $0xb8;
	[tilespmem:$0x17000] =	vst v63  }
0x92: {  	_ =	swait.ge [sflag:s18], $0x2000  }
0x93: {  	[sflag:s18] =	ssyncset.done $0x0  }
0x94: {  	s16 =	simm.s32 $0x4D00;
	[sflag:s18] =	ssyncadd.s32 $0xFFFFE000  }
0x95: {  	[spmem:s3] =	stream.indirect.scatter.add.f32 [tilespmem:s23], [sflag:$0x6], $0x20, s16, s21, $0xb8;
	[tilespmem:$0x17000] =	vst v63  }
0x96: {  	_ =	swait.ge [sflag:s19], $0x2000  }
0x97: {  	[sflag:s19] =	ssyncset.done $0x0  }
0x98: {  	s24 =	simm.s32 $0x4E00;
	[sflag:s19] =	ssyncadd.s32 $0xFFFFE000  }
0x99: {  	[spmem:s3] =	stream.indirect.scatter.add.f32 [tilespmem:s25], [sflag:$0x7], $0x20, s24, s21, $0xb8;
	[tilespmem:$0x17000] =	vst v63  }
0x9a: {  	_ =	swait.ge [sflag:s20], $0x2000  }
0x9b: {  	[sflag:s20] =	ssyncset.done $0x0  }
0x9c: {  	s16 =	simm.s32 $0x4F00;
	[sflag:s20] =	ssyncadd.s32 $0xFFFFE000  }
0x9d: {  	[spmem:s3] =	stream.indirect.scatter.add.f32 [tilespmem:s28], [sflag:$0x8], $0x20, s16, s21, $0xb8;
	[tilespmem:$0x17000] =	vst v63  }
0x9e: {  	_ =	swait.ge [sflag:s29], $0x2000  }
0x9f: {  	[sflag:s29] =	ssyncset.done $0x0  }
0xa0: {  	[sflag:s29] =	ssyncadd.s32 $0xFFFFE000  }
0xa1: {  	_ =	swait.ge [sflag:s30], $0x2000  }
0xa2: {  	[sflag:s30] =	ssyncset.done $0x0  }
0xa3: {  	[sflag:s30] =	ssyncadd.s32 $0xFFFFE000  }
0xa4: {  	_ =	swait.ge [sflag:s31], $0x2000  }
0xa5: {  	[sflag:s31] =	ssyncset.done $0x0  }
0xa6: {  	[sflag:s31] =	ssyncadd.s32 $0xFFFFE000  }
0xa7: {  	_ =	swait.ge [sflag:s0], $0x2000  }
0xa8: {  	s2 =	sadd.s32 $0x1, s2;
	[sflag:s0] =	ssyncset.done $0x0  }
0xa9: {  	p0 =	sne.s32 s2, s12;
	[sflag:s0] =	ssyncadd.s32 $0xFFFFE000  }
.Ltmp1:
0xaa: {  	s24 =	sor.u32 $0x1C09, s6;
	[bflag:$0x0] =	sbarrier.arrive $0xFFFF;
	(pc) =	sbr.rel @p0 .LBB2_1-.Ltmp1, $4  }
0xab: {  	[hbm:s11], [sflag:s24] =	dma.local [spmem:s13], $0xA00  }
0xac: {  	_ =	swait.ge [sflag:s26], $0xA00  }
0xad: {  	[sflag:s26] =	ssyncset.done $0x0  }
0xae: {  	[sflag:s26] =	ssyncadd.s32 $0xFFFFF600  }
0xaf: {  	_ =	sfence.sel $0x180000  }
0xb0: {  	[bflag:$0x0] =	sbarrier.arrive $0xFFFF  }
0xb1: {  	_ =	strace $0x9000004D  }
0xb2: {  	s0 =	stileid.u32;
	[bflag:$0x2] =	sbarrier.arrive $0xFFFF  }
0xb3: {  	p0 =	sne.s32 s0, $0x0;
	s0 =	rddreg [dreg:$0x5]  }
0xb4: {  	s0 =	sadd.s32 @!p0 $0x100000, s0  }
0xb5: {  	[sflag:s0] =	ssyncadd.tile.s32 @!p0 $0x1;
	_ =	shalt  }
.Lfunc_end2:
_tile_overlayer_lowered:
.L_overlay_start_2:
0xb6: {  	(tag) =	ssettag $0x2  }
0xb7: {  	s0 =	rddreg [dreg:$0x0];
	s2 =	stileid.u32  }
0xb8: {  	s1 =	rddreg [dreg:$0x1];
	p0 =	sne.s32 s2, $0x0  }
0xb9: {  	s3 =	rddreg [dreg:$0x2];
	[bflag:$0x3] =	sbarrier.arrive $0xFFFF;
	s2 =	simm.s32 @!p0 $0x1C09  }
0xba: {  	[timem:s3], [sflag:s2] =	dma.local @!p0 [hbm:s0], s1  }
0xbb: {  	s0 =	simm.s32 @!p0 $0x9  }
0xbc: {  	_ =	swait.ge @!p0 [sflag:s0], s1  }
0xbd: {  	s1 =	ssub.s32 @!p0 $0x0, s1;
	[sflag:s0] =	ssyncset.done @!p0 $0x0  }
0xbe: {  	[sflag:s0] =	ssyncadd.s32 @!p0 s1  }
0xbf: {  	[bflag:$0x3] =	sbarrier.arrive $0xFFFF  }
0xc0: {  	_ =	shalt  }

// kernel: kernel.19.cloned.1.call-start
scs
__scs_entry_jumppad:
0x0: {  	(pc) =	sbr.rel $0x88, $3  }
0x1: {  	(tag) =	ssettag $0x0;
	lr =	simm.s32 $0x1  }
0x2: {  	[smem:$0x3F91] =	sst lr;
	_ =	strace $0xD0000000  }
0x3: {  	_ = 	snop  }
0x4: {  	_ = 	snop  }
0x5: {  	_ = 	snop  }
0x6: {  	_ = 	snop  }
0x7: {  	_ = 	snop  }
__scs_overlays_trampoline_lowered:
0x8: {  	[smem:$0x3FA0] =	sst s0  }
0x9: {  	[smem:$0x3FA1] =	sst s1  }
0xa: {  	[smem:$0x3FA2] =	sst s2  }
0xb: {  	[smem:$0x3FA3] =	sst s3  }
0xc: {  	[smem:$0x3FA4] =	sst s4  }
0xd: {  	[smem:$0x3FA5] =	sst s5  }
0xe: {  	[smem:$0x3FA6] =	sst s6  }
0xf: {  	[smem:$0x3FA7] =	sst s7  }
0x10: {  	[smem:$0x3FA8] =	sst s8  }
0x11: {  	[smem:$0x3FA9] =	sst s9;
	s0 =	simm.s32 @!p0 $0x0  }
0x12: {  	s1 =	sld [smem:$0x3F8F];
	s0 =	simm.s32 @p0 $0x1  }
0x13: {  	[smem:$0x3FAA] =	sst s0;
	s0 =	simm.s32 @!p1 $0x0  }
0x14: {  	s2 =	sld [smem:$0x3F8E];
	s0 =	simm.s32 @p1 $0x1  }
0x15: {  	[smem:$0x3FAB] =	sst s0;
	s0 =	simm.s32 @!p2 $0x0  }
0x16: {  	s3 =	sld [smem:$0x3FDB];
	s0 =	simm.s32 @p2 $0x1  }
0x17: {  	s4 =	simm.s32 $0x1BF5;
	[smem:$0x3FAD] =	sst s0  }
0x18: {  	s0 =	sld [smem:$0x3F90];
	_ =	swait.ge [sflag:s4], $0x0  }
0x19: {  	s7 =	sld [smem:$0x3F91]  }
0x1a: {  	s8 =	sadd.s32 $0xFFFFE003, lr  }
0x1b: {  	s9 =	sadd.s32 $0xFFFFFEF7, lr;
	s5 =	simm.s32 $0xFFFFFFFF;
	p2 =	slt.u32 s8, $0xFFFFF086  }
0x1c: {  	p1 =	slt.u32 s9, $0xF7A;
	s5 =	simm.s32 @!p2 $0x0  }
0x1d: {  	s5 =	simm.s32 @p1 $0x1;
	p0 =	seq.s32 s7, s2  }
0x1e: {  	s7 =	smul.u32 @!p0 $0xF7A, s2;
	p2 =	seq.s32 @!p0 s5, $0x0  }
0x1f: {  	s9 =	smul.u32 $0xF7A, s1;
	s8 =	simm.s32 @!p0 $0x1BF5;
	p2 =	por !p2, p0  }
0x20: {  	[sflag:s8] =	ssyncset.s32 @!p0 $0xFFFFF086;
	s6 =	sadd.s32 @!p0 s3, s7;
	s7 =	simm.s32 @!p0 $0x108  }
0x21: {  	s3 =	sadd.s32 s3, s9;
	s6 =	sadd.s32 @!p0 $0x88, s6;
	s7 =	simm.s32 @p2 $0x1082  }
0x22: {  	[simem:s7], [sflag:s8] =	dma.local @!p0 [hbm:s6], $0xF7A  }
0x23: {  	s9 =	sor.u32 $0xD0000000, s2;
	s6 =	simm.s32 $0x108;
	_ =	swait.ge @!p0 [sflag:s8], $0x0  }
0x24: {  	s3 =	sadd.s32 $0x88, s3;
	s6 =	simm.s32 @!p1 $0x1082;
	[sflag:s4] =	ssyncset.s32 $0xFFFFF086  }
0x25: {  	[simem:s6], [sflag:s4] =	dma.local [hbm:s3], $0xF7A  }
0x26: {  	[smem:$0x3F91] =	sst s1;
	(tag) =	ssettag s2;
	_ =	strace s9  }
0x27: {  	s1 =	sld [smem:$0x3FA1]  }
0x28: {  	s2 =	sld [smem:$0x3FA2]  }
0x29: {  	s4 =	sld [smem:$0x3FA4]  }
0x2a: {  	p0 =	seq.s32 s5, $0x0;
	s5 =	sld [smem:$0x3FA5]  }
0x2b: {  	s6 =	sld [smem:$0x3FA6]  }
0x2c: {  	s7 =	sld [smem:$0x3FA7]  }
0x2d: {  	s3 =	simm.s32 $0x108;
	s8 =	sld [smem:$0x3FA8]  }
0x2e: {  	s3 =	simm.s32 @!p0 $0x1082;
	s9 =	sld [smem:$0x3FA9]  }
0x2f: {  	lr =	sadd.s32 s0, s3;
	s0 =	sld [smem:$0x3FA0]  }
0x30: {  	s3 =	sld [smem:$0x3FA3]  }
0x31: {  	[smem:$0x3FAC] =	sst s10  }
0x32: {  	s10 =	sld [smem:$0x3FAA];
	_ =	sdelay $0x3  }
0x33: {  	p0 =	seq.s32 s10, $0x1;
	s10 =	sld [smem:$0x3FAC];
	_ =	sdelay $0x3  }
0x34: {  	[smem:$0x3FAC] =	sst s10  }
0x35: {  	s10 =	sld [smem:$0x3FAB];
	_ =	sdelay $0x3  }
0x36: {  	p1 =	seq.s32 s10, $0x1;
	s10 =	sld [smem:$0x3FAC];
	_ =	sdelay $0x3  }
0x37: {  	[smem:$0x3FAC] =	sst s10  }
0x38: {  	s10 =	sld [smem:$0x3FAD]  }
0x39: {  	_ = 	snop;
	(pc) =	sbr.ind lr, $3  }
0x3a: {  	_ = 	snop  }
0x3b: {  	_ = 	snop  }
0x3c: {  	p2 =	seq.s32 s10, $0x1;
	s10 =	sld [smem:$0x3FAC]  }
0x3d: {  	_ =	shalt  }
0x3e: {  	_ =	shalt  }
0x3f: {  	_ =	shalt  }
0x40: {  	_ =	shalt  }
0x41: {  	_ =	shalt  }
0x42: {  	_ =	shalt  }
0x43: {  	_ =	shalt  }
0x44: {  	_ =	shalt  }
0x45: {  	_ =	shalt  }
0x46: {  	_ =	shalt  }
0x47: {  	_ =	shalt  }
0x48: {  	_ =	shalt  }
0x49: {  	_ =	shalt  }
0x4a: {  	_ =	shalt  }
0x4b: {  	_ =	shalt  }
0x4c: {  	_ =	shalt  }
0x4d: {  	_ =	shalt  }
0x4e: {  	_ =	shalt  }
0x4f: {  	_ =	shalt  }
0x50: {  	_ =	shalt  }
0x51: {  	_ =	shalt  }
0x52: {  	_ =	shalt  }
0x53: {  	_ =	shalt  }
0x54: {  	_ =	shalt  }
0x55: {  	_ =	shalt  }
0x56: {  	_ =	shalt  }
0x57: {  	_ =	shalt  }
0x58: {  	_ =	shalt  }
0x59: {  	_ =	shalt  }
0x5a: {  	_ =	shalt  }
0x5b: {  	_ =	shalt  }
0x5c: {  	_ =	shalt  }
0x5d: {  	_ =	shalt  }
0x5e: {  	_ =	shalt  }
0x5f: {  	_ =	shalt  }
0x60: {  	_ =	shalt  }
0x61: {  	_ =	shalt  }
0x62: {  	_ =	shalt  }
0x63: {  	_ =	shalt  }
0x64: {  	_ =	shalt  }
0x65: {  	_ =	shalt  }
0x66: {  	_ =	shalt  }
0x67: {  	_ =	shalt  }
0x68: {  	_ =	shalt  }
0x69: {  	_ =	shalt  }
0x6a: {  	_ =	shalt  }
0x6b: {  	_ =	shalt  }
0x6c: {  	_ =	shalt  }
0x6d: {  	_ =	shalt  }
0x6e: {  	_ =	shalt  }
0x6f: {  	_ =	shalt  }
0x70: {  	_ =	shalt  }
0x71: {  	_ =	shalt  }
0x72: {  	_ =	shalt  }
0x73: {  	_ =	shalt  }
0x74: {  	_ =	shalt  }
0x75: {  	_ =	shalt  }
0x76: {  	_ =	shalt  }
0x77: {  	_ =	shalt  }
0x78: {  	_ =	shalt  }
0x79: {  	_ =	shalt  }
0x7a: {  	_ =	shalt  }
0x7b: {  	_ =	shalt  }
0x7c: {  	_ =	shalt  }
0x7d: {  	_ =	shalt  }
0x7e: {  	_ =	shalt  }
0x7f: {  	_ =	shalt  }
0x80: {  	_ =	shalt  }
0x81: {  	_ =	shalt  }
0x82: {  	_ =	shalt  }
0x83: {  	_ =	shalt  }
0x84: {  	_ =	shalt  }
0x85: {  	_ =	shalt  }
0x86: {  	_ =	shalt  }
0x87: {  	_ =	shalt  }
.Lfunc_end0:
.L_simem_size_0:
called_computation.3_lowered:
.L_overlay_start_0:
0x88: {  	s2 =	sld [smem:$0x3FD9]  }
0x89: {  	s3 =	sld [smem:$0x3FFE];
	_ =	sdelay $0x1  }
0x8a: {  	s1 =	srdreg.scid  }
0x8b: {  	s0 =	sand.u32 $0x1, s1  }
0x8c: {  	s14 =	sshll.u32 s0, $0xA;
	s2 =	sadd.s32 s3, s2  }
0x8d: {  	s2 =	sadd.s32 s2, s14  }
0x8e: {  	[smem:$0x3FB8] =	sst s2  }
0x8f: {  	_ = 	snop  }
0x90: {  	s2 =	sld [smem:$0x3FD0];
	_ =	sdelay $0x2  }
0x91: {  	s15 =	simm.s32 $0xA;
	s4 =	simm.s32 $0x10  }
0x92: {  	[smem:s4], [sflag:s15] =	dma.local [hbm:s2], $0x1  }
0x93: {  	_ =	swait.eq [sflag:s15], $0x1  }
0x94: {  	[sflag:s15] =	ssyncset.done $0x0  }
0x95: {  	s16 =	sld [smem:$0x10];
	[sflag:s15] =	ssyncadd.s32 $0xFFFFFFFF  }
0x96: {  	s17 =	sld [smem:$0x11];
	(tm) =	ssettm $0x1  }
0x97: {  	s18 =	sld [smem:$0x3FFB];
	_ =	sdelay $0x3  }
0x98: {  	_ =	strace s18  }
0x99: {  	s4 =	sld [smem:$0x3FFC];
	_ =	sdelay $0x3  }
0x9a: {  	_ =	strace s4  }
0x9b: {  	s4 =	sld [smem:$0x3FFD];
	_ =	sdelay $0x3  }
0x9c: {  	_ =	strace s4  }
0x9d: {  	_ =	strace $0x8FFFFFFF  }
0x9e: {  	s19 =	sld [smem:$0x3FDB];
	_ =	sdelay $0x1  }
0x9f: {  	s5 =	simm.s32 $_scs_section_size  }
0xa0: {  	s6 =	simm.s32 $_size__tile_overlayer_lowered;
	s7 =	simm.s32 $_tile_overlayer_lowered  }
0xa1: {  	s22 =	simm.s32 $0x1BFF;
	s21 =	sshll.u32 s7, $0x1;
	s4 =	sadd.s32 s5, s19  }
0xa2: {  	s8 =	simm.s32 $0x0;
	s20 =	sshll.u32 s6, $0x1;
	s6 =	sadd.s32 s21, s4  }
0xa3: {  	[timem:s8], [sflag:s22] =	dma.local [hbm:s6], s20  }
0xa4: {  	_ =	swait.ge [sflag:s22], s20  }
0xa5: {  	s5 =	ssub.s32 $0x0, s20;
	[sflag:s22] =	ssyncset.done $0x0  }
0xa6: {  	[sflag:s22] =	ssyncadd.s32 s5;
	_ =	sdelay $0x1  }
0xa7: {  	s23 =	simm.s32 $0x1B8B  }
0xa8: {  	_ =	swait.ge [sflag:s23], $0x1  }
0xa9: {  	[sflag:s23] =	ssyncset.done $0x0  }
0xaa: {  	s25 =	simm.s32 $0x1B8E;
	s24 =	sld [smem:$0x3FFE];
	[sflag:s23] =	ssyncadd.s32 $0xFFFFFFFF  }
0xab: {  	s26 =	simm.s32 $execute0_lowered;
	[smem:$0x3FD2] =	sst s25  }
0xac: {  	s6 =	sshll.u32 s26, $0x1;
	_ =	strace $0x8000004F;
	[dreg:$0x1] =	wrdreg $0xFFFFFFFF  }
0xad: {  	s28 =	simm.s32 $_size_execute0_lowered;
	s4 =	sadd.s32 s4, s6;
	[dreg:$0x0] =	wrdreg $0x0  }
0xae: {  	s6 =	sshll.u32 s28, $0x1;
	[dreg:$0x2] =	wrdreg s4  }
0xaf: {  	[dreg:$0x3] =	wrdreg s6  }
0xb0: {  	[dreg:$0x4] =	wrdreg $0xC0  }
0xb1: {  	_ =	task [dreg:s8], $0x5FFFF  }
0xb2: {  	[dreg:$0x1] =	wrdreg $0xFFFFFFFF  }
0xb3: {  	[dreg:$0x0] =	wrdreg $0x60  }
0xb4: {  	[dreg:$0x2] =	wrdreg s17  }
0xb5: {  	[dreg:$0x3] =	wrdreg s24  }
0xb6: {  	[dreg:$0x4] =	wrdreg s16  }
0xb7: {  	[dreg:$0x5] =	wrdreg $0xD0000  }
0xb8: {  	[dreg:$0x6] =	wrdreg $0x120000  }
0xb9: {  	[dreg:$0x7] =	wrdreg $0x9  }
0xba: {  	_ =	task.clear_ibuf [dreg:s8], $0x8FFFF;
	_ =	strace $0x9000004F  }
0xbb: {  	s29 =	simm.s32 $0x9;
	_ =	strace $0x80000051  }
0xbc: {  	_ =	swait.ge [sflag:s29], $0x1  }
0xbd: {  	[sflag:s29] =	ssyncadd.s32 $0xFFFFFFFF  }
0xbe: {  	_ =	strace $0x90000051  }
0xbf: {  	_ =	sfence  }
0xc0: {  	s30 =	sld [smem:$0x0];
	_ =	sdelay $0x2  }
0xc1: {  	s31 =	sshll.u32 s1, $0xD;
	s1 =	sshrl.u32 s1, $0x2  }
0xc2: {  	s3 =	sand.u32 $0x4000, s31;
	s1 =	sadd.s32 s1, s30  }
0xc3: {  	s0 =	sor.u32 s3, s0;
	s1 =	sshll.u32 s1, $0x11  }
0xc4: {  	s0 =	sor.u32 s1, s0  }
0xc5: {  	s0 =	sadd.s32 $0x8F2B, s0  }
0xc6: {  	[sflag:s0] =	ssyncadd.remote.s32 $0x1  }
0xc7: {  	_ =	sfence.sel $0xFFFF  }
0xc8: {  	[dreg:$0x0] =	wrdreg $0xFFFFFFFF;
	(pc) =	sbr.abs _section_cstart, $3  }
0xc9: {  	[dreg:$0x1] =	wrdreg $0xFFFFFFFF  }
0xca: {  	_ =	task.clear_ibuf [dreg:s8], $0x2FFFF;
	_ =	strace $0x9FFFFFFF  }
0xcb: {  	(tm) =	ssettm $0x7FFFFFFF  }
tec
execute0_lowered:
.L_overlay_start_1:
0x0: {  	(tag) =	ssettag $0x1  }
0x1: {  	s0 =	rddreg [dreg:$0x0]  }
0x2: {  	s1 =	rddreg [dreg:$0x1]  }
0x3: {  	s3 =	rddreg [dreg:$0x3]  }
0x4: {  	s4 =	rddreg [dreg:$0x4]  }
0x5: {  	s2 =	srdreg.scid;
	s9 =	stileid.u32  }
0x6: {  	s5 =	simm.s32 $0x0;
	s17 =	simm.s32 $0x1;
	s18 =	simm.s32 $0x2  }
0x7: {  	s19 =	simm.s32 $0x3;
	s20 =	simm.s32 $0x4;
	s21 =	simm.s32 $0x100  }
0x8: {  	s22 =	simm.s32 $0x5000;
	s23 =	simm.s32 $0x7000;
	s25 =	simm.s32 $0x9000  }
0x9: {  	s28 =	simm.s32 $0xB000;
	s29 =	simm.s32 $0x5;
	s30 =	simm.s32 $0x6  }
0xa: {  	s31 =	simm.s32 $0x7;
	s2 =	sand.u32 $0x1, s2;
	s6 =	sshll.u32 s9, $0x1  }
0xb: {  	s8 =	smul.u32 $0x5000, s9;
	[smem:$0x7FF] =	sst s5;
	s6 =	sor.u32 s2, s6  }
0xc: {  	s7 =	smul.u32 $0x50000, s2;
	_ =	strace $0x80000050;
	s2 =	ssub.s32 $0x2, s2  }
0xd: {  	s6 =	smul.u32 $0x2710, s6;
	s26 =	sshrl.u32 s2, $0x1;
	s13 =	sadd.s32 s8, s3  }
0xe: {  	s15 =	sadd.s32 s8, s4;
	s7 =	sadd.s32 s8, s7;
	s2 =	ssub.s32 s2, s26  }
0xf: {  	s8 =	sshrl.u32 s8, $0x3;
	s13 =	sshrl.u32 s13, $0x3;
	s15 =	sshrl.u32 s15, $0x3  }
0x10: {  	s26 =	simm.s32 $0x9;
	s6 =	sshrl.u32 s6, $0x3;
	s7 =	sshrl.u32 s7, $0x3  }
0x11: {  	s8 =	sadd.s32 s0, s8;
	s12 =	smax.u32 s2, $0x1;
	s0 =	simm.s32 $0x8  }
0x12: {  	s2 =	simm.s32 $0x0;
	s10 =	sadd.s32 s6, s1;
	s6 =	sshll.u32 s9, $0x6  }
0x13: {  	s1 =	sadd.s32 s7, s1;
	s7 =	sor.u32 $0x1C01, s6;
	s9 =	sadd.s32 $0x3800, s10  }
0x14: {  	v0 =	vimm.s32 $0x2710;
	s10 =	sadd.s32 $0xD440, s10;
	s11 =	sadd.s32 $0x17200, s1;
	s14 =	sor.u32 $0x1C02, s6  }
.LBB2_1:
0x15: {  	s1 =	rddreg [dreg:$0x2]  }
0x16: {  	[spmem:s13], [sflag:s7] =	dma.local [hbm:s1], $0xA00  }
0x17: {  	[spmem:s15], [sflag:s14] =	dma.local [hbm:s8], $0xA00  }
0x18: {  	[tilespmem:s5], [sflag:$0x3] =	stream.linear.gather [hbm4b:s9+s5], $0x2710, $0x38;
	[tilespmem:$0x17000] =	vst v63  }
0x19: {  	s16 =	simm.s32 $0x2800  }
0x1a: {  	[tilespmem:s16], [sflag:$0x4] =	stream.linear.gather [hbm4b:s10+s5], $0x2710, $0x38;
	[tilespmem:$0x17000] =	vst v63  }
0x1b: {  	[tilespmem:$0x2710] =	vst v0  }
0x1c: {  	[tilespmem:$0x4F10] =	vst v0  }
0x1d: {  	[tilespmem:$0x2720] =	vst v0  }
0x1e: {  	[tilespmem:$0x4F20] =	vst v0  }
0x1f: {  	[tilespmem:$0x2730] =	vst v0  }
0x20: {  	[tilespmem:$0x4F30] =	vst v0  }
0x21: {  	[tilespmem:$0x2740] =	vst v0  }
0x22: {  	[tilespmem:$0x4F40] =	vst v0  }
0x23: {  	[tilespmem:$0x2750] =	vst v0  }
0x24: {  	[tilespmem:$0x4F50] =	vst v0  }
0x25: {  	[tilespmem:$0x2760] =	vst v0  }
0x26: {  	[tilespmem:$0x4F60] =	vst v0  }
0x27: {  	[tilespmem:$0x2770] =	vst v0  }
0x28: {  	[tilespmem:$0x4F70] =	vst v0  }
0x29: {  	[tilespmem:$0x2780] =	vst v0  }
0x2a: {  	[tilespmem:$0x4F80] =	vst v0  }
0x2b: {  	[tilespmem:$0x2790] =	vst v0  }
0x2c: {  	[tilespmem:$0x4F90] =	vst v0  }
0x2d: {  	[tilespmem:$0x27A0] =	vst v0  }
0x2e: {  	[tilespmem:$0x4FA0] =	vst v0  }
0x2f: {  	[tilespmem:$0x27B0] =	vst v0  }
0x30: {  	[tilespmem:$0x4FB0] =	vst v0  }
0x31: {  	[tilespmem:$0x27C0] =	vst v0  }
0x32: {  	[tilespmem:$0x4FC0] =	vst v0  }
0x33: {  	[tilespmem:$0x27D0] =	vst v0  }
0x34: {  	[tilespmem:$0x4FD0] =	vst v0  }
0x35: {  	[tilespmem:$0x27E0] =	vst v0  }
0x36: {  	[tilespmem:$0x4FE0] =	vst v0  }
0x37: {  	[tilespmem:$0x27F0] =	vst v0  }
0x38: {  	[tilespmem:$0x4FF0] =	vst v0  }
0x39: {  	_ =	swait.ge [sflag:s17], $0xA00  }
0x3a: {  	[sflag:s17] =	ssyncset.done $0x0  }
0x3b: {  	[sflag:s17] =	ssyncadd.s32 $0xFFFFF600  }
0x3c: {  	_ =	swait.ge [sflag:s18], $0xA00  }
0x3d: {  	[sflag:s18] =	ssyncset.done $0x0  }
0x3e: {  	[sflag:s18] =	ssyncadd.s32 $0xFFFFF600  }
0x3f: {  	_ =	swait.ge [sflag:s19], $0x2710  }
0x40: {  	[sflag:s19] =	ssyncset.done $0x0  }
0x41: {  	[sflag:s19] =	ssyncadd.s32 $0xFFFFD8F0  }
0x42: {  	_ =	swait.ge [sflag:s20], $0x2710  }
0x43: {  	[sflag:s20] =	ssyncset.done $0x0  }
0x44: {  	[sflag:s20] =	ssyncadd.s32 $0xFFFFD8F0  }
0x45: {  	[bflag:$0x0] =	sbarrier.arrive $0xFFFF  }
0x46: {  	[tilespmem:s22], [sflag:$0x1] =	stream.indirect.gather [spmem:s4], $0x20, s5, s21, $0xb8;
	[tilespmem:$0x17000] =	vst v63  }
0x47: {  	_ = 	snop  }
0x48: {  	[tilespmem:s23], [sflag:$0x2] =	stream.indirect.gather [spmem:s4], $0x20, s21, s21, $0xb8;
	[tilespmem:$0x17000] =	vst v63  }
0x49: {  	s24 =	simm.s32 $0x200  }
0x4a: {  	[tilespmem:s25], [sflag:$0x3] =	stream.indirect.gather [spmem:s4], $0x20, s24, s21, $0xb8;
	[tilespmem:$0x17000] =	vst v63  }
0x4b: {  	s16 =	simm.s32 $0x300  }
0x4c: {  	[tilespmem:s28], [sflag:$0x4] =	stream.indirect.gather [spmem:s4], $0x20, s16, s21, $0xb8;
	[tilespmem:$0x17000] =	vst v63  }
0x4d: {  	_ =	swait.ge [sflag:s17], $0x2000  }
0x4e: {  	[sflag:s17] =	ssyncset.done $0x0  }
0x4f: {  	s24 =	simm.s32 $0x2800;
	[sflag:s17] =	ssyncadd.s32 $0xFFFFE000  }
0x50: {  	[spmem:s3] =	stream.indirect.scatter.add.f32 [tilespmem:s22], [sflag:$0x5], $0x20, s24, s21, $0xb8;
	[tilespmem:$0x17000] =	vst v63  }
0x51: {  	_ =	swait.ge [sflag:s18], $0x2000  }
0x52: {  	[sflag:s18] =	ssyncset.done $0x0  }
0x53: {  	s16 =	simm.s32 $0x2900;
	[sflag:s18] =	ssyncadd.s32 $0xFFFFE000  }
0x54: {  	[spmem:s3] =	stream.indirect.scatter.add.f32 [tilespmem:s23], [sflag:$0x6], $0x20, s16, s21, $0xb8;
	[tilespmem:$0x17000] =	vst v63  }
0x55: {  	_ =	swait.ge [sflag:s19], $0x2000  }
0x56: {  	[sflag:s19] =	ssyncset.done $0x0  }
0x57: {  	s24 =	simm.s32 $0x2A00;
	[sflag:s19] =	ssyncadd.s32 $0xFFFFE000  }
0x58: {  	[spmem:s3] =	stream.indirect.scatter.add.f32 [tilespmem:s25], [sflag:$0x7], $0x20, s24, s21, $0xb8;
	[tilespmem:$0x17000] =	vst v63  }
0x59: {  	_ =	swait.ge [sflag:s20], $0x2000  }
0x5a: {  	[sflag:s20] =	ssyncset.done $0x0  }
0x5b: {  	s16 =	simm.s32 $0x2B00;
	[sflag:s20] =	ssyncadd.s32 $0xFFFFE000  }
0x5c: {  	[spmem:s3] =	stream.indirect.scatter.add.f32 [tilespmem:s28], [sflag:$0x8], $0x20, s16, s21, $0xb8;
	[tilespmem:$0x17000] =	vst v63  }
0x5d: {  	_ =	swait.ge [sflag:s29], $0x2000  }
0x5e: {  	[sflag:s29] =	ssyncset.done $0x0  }
0x5f: {  	s24 =	simm.s32 $0x400;
	[sflag:s29] =	ssyncadd.s32 $0xFFFFE000  }
0x60: {  	[tilespmem:s22], [sflag:$0x1] =	stream.indirect.gather [spmem:s4], $0x20, s24, s21, $0xb8;
	[tilespmem:$0x17000] =	vst v63  }
0x61: {  	_ =	swait.ge [sflag:s30], $0x2000  }
0x62: {  	[sflag:s30] =	ssyncset.done $0x0  }
0x63: {  	s16 =	simm.s32 $0x500;
	[sflag:s30] =	ssyncadd.s32 $0xFFFFE000  }
0x64: {  	[tilespmem:s23], [sflag:$0x2] =	stream.indirect.gather [spmem:s4], $0x20, s16, s21, $0xb8;
	[tilespmem:$0x17000] =	vst v63  }
0x65: {  	_ =	swait.ge [sflag:s31], $0x2000  }
0x66: {  	[sflag:s31] =	ssyncset.done $0x0  }
0x67: {  	s24 =	simm.s32 $0x600;
	[sflag:s31] =	ssyncadd.s32 $0xFFFFE000  }
0x68: {  	[tilespmem:s25], [sflag:$0x3] =	stream.indirect.gather [spmem:s4], $0x20, s24, s21, $0xb8;
	[tilespmem:$0x17000] =	vst v63  }
0x69: {  	_ =	swait.ge [sflag:s0], $0x2000  }
0x6a: {  	[sflag:s0] =	ssyncset.done $0x0  }
0x6b: {  	s1 =	simm.s32 $0x1000;
	s16 =	simm.s32 $0x700;
	[sflag:s0] =	ssyncadd.s32 $0xFFFFE000  }
.LBB2_2:
0x6c: {  	[tilespmem:s28], [sflag:$0x4] =	stream.indirect.gather [spmem:s4], $0x20, s16, s21, $0xb8;
	[tilespmem:$0x17000] =	vst v63  }
0x6d: {  	s16 =	smov.u32 s1  }
0x6e: {  	p0 =	sne.s32 s1, $0x8000;
	s1 =	sadd.s32 $0x1000, s1;
	_ =	swait.ge [sflag:s17], $0x2000  }
0x6f: {  	s16 =	sshra.s32 s16, $0x2;
	[sflag:s17] =	ssyncset.done $0x0  }
0x70: {  	s24 =	sadd.s32 $0x2800, s16;
	[sflag:s17] =	ssyncadd.s32 $0xFFFFE000  }
0x71: {  	[spmem:s3] =	stream.indirect.scatter.add.f32 [tilespmem:s22], [sflag:$0x5], $0x20, s24, s21, $0xb8;
	[tilespmem:$0x17000] =	vst v63  }
0x72: {  	_ =	swait.ge [sflag:s18], $0x2000  }
0x73: {  	[sflag:s18] =	ssyncset.done $0x0  }
0x74: {  	s24 =	sadd.s32 $0x2900, s16;
	[sflag:s18] =	ssyncadd.s32 $0xFFFFE000  }
0x75: {  	[spmem:s3] =	stream.indirect.scatter.add.f32 [tilespmem:s23], [sflag:$0x6], $0x20, s24, s21, $0xb8;
	[tilespmem:$0x17000] =	vst v63  }
0x76: {  	_ =	swait.ge [sflag:s19], $0x2000  }
0x77: {  	[sflag:s19] =	ssyncset.done $0x0  }
0x78: {  	s24 =	sadd.s32 $0x2A00, s16;
	[sflag:s19] =	ssyncadd.s32 $0xFFFFE000  }
0x79: {  	[spmem:s3] =	stream.indirect.scatter.add.f32 [tilespmem:s25], [sflag:$0x7], $0x20, s24, s21, $0xb8;
	[tilespmem:$0x17000] =	vst v63  }
0x7a: {  	_ =	swait.ge [sflag:s20], $0x2000  }
0x7b: {  	[sflag:s20] =	ssyncset.done $0x0  }
0x7c: {  	s24 =	sadd.s32 $0x2B00, s16;
	[sflag:s20] =	ssyncadd.s32 $0xFFFFE000  }
0x7d: {  	[spmem:s3] =	stream.indirect.scatter.add.f32 [tilespmem:s28], [sflag:$0x8], $0x20, s24, s21, $0xb8;
	[tilespmem:$0x17000] =	vst v63  }
0x7e: {  	_ =	swait.ge [sflag:s29], $0x2000  }
0x7f: {  	[sflag:s29] =	ssyncset.done $0x0  }
0x80: {  	s24 =	sadd.s32 $0x400, s16;
	[sflag:s29] =	ssyncadd.s32 $0xFFFFE000  }
0x81: {  	[tilespmem:s22], [sflag:$0x1] =	stream.indirect.gather [spmem:s4], $0x20, s24, s21, $0xb8;
	[tilespmem:$0x17000] =	vst v63  }
0x82: {  	_ =	swait.ge [sflag:s30], $0x2000  }
0x83: {  	[sflag:s30] =	ssyncset.done $0x0  }
0x84: {  	s24 =	sadd.s32 $0x500, s16;
	[sflag:s30] =	ssyncadd.s32 $0xFFFFE000  }
0x85: {  	[tilespmem:s23], [sflag:$0x2] =	stream.indirect.gather [spmem:s4], $0x20, s24, s21, $0xb8;
	[tilespmem:$0x17000] =	vst v63  }
0x86: {  	_ =	swait.ge [sflag:s31], $0x2000  }
0x87: {  	[sflag:s31] =	ssyncset.done $0x0  }
.Ltmp0:
0x88: {  	s24 =	sadd.s32 $0x600, s16;
	[sflag:s31] =	ssyncadd.s32 $0xFFFFE000;
	(pc) =	sbr.rel @p0 .LBB2_2-.Ltmp0, $4  }
0x89: {  	[tilespmem:s25], [sflag:$0x3] =	stream.indirect.gather [spmem:s4], $0x20, s24, s21, $0xb8;
	[tilespmem:$0x17000] =	vst v63  }
0x8a: {  	_ =	swait.ge [sflag:s0], $0x2000  }
0x8b: {  	[sflag:s0] =	ssyncset.done $0x0  }
0x8c: {  	s16 =	sadd.s32 $0x700, s16;
	[sflag:s0] =	ssyncadd.s32 $0xFFFFE000  }
0x8d: {  	[tilespmem:s28], [sflag:$0x4] =	stream.indirect.gather [spmem:s4], $0x20, s16, s21, $0xb8;
	[tilespmem:$0x17000] =	vst v63  }
0x8e: {  	_ =	swait.ge [sflag:s17], $0x2000  }
0x8f: {  	[sflag:s17] =	ssyncset.done $0x0  }
0x90: {  	s1 =	simm.s32 $0x4C00;
	[sflag:s17] =	ssyncadd.s32 $0xFFFFE000  }
0x91: {  	[spmem:s3] =	stream.indirect.scatter.add.f32 [tilespmem:s22], [sflag:$0x5], $0x20, s1, s21, $0xb8;
	[tilespmem:$0x17000] =	vst v63  }
0x92: {  	_ =	swait.ge [sflag:s18], $0x2000  }
0x93: {  	[sflag:s18] =	ssyncset.done $0x0  }
0x94: {  	s16 =	simm.s32 $0x4D00;
	[sflag:s18] =	ssyncadd.s32 $0xFFFFE000  }
0x95: {  	[spmem:s3] =	stream.indirect.scatter.add.f32 [tilespmem:s23], [sflag:$0x6], $0x20, s16, s21, $0xb8;
	[tilespmem:$0x17000] =	vst v63  }
0x96: {  	_ =	swait.ge [sflag:s19], $0x2000  }
0x97: {  	[sflag:s19] =	ssyncset.done $0x0  }
0x98: {  	s24 =	simm.s32 $0x4E00;
	[sflag:s19] =	ssyncadd.s32 $0xFFFFE000  }
0x99: {  	[spmem:s3] =	stream.indirect.scatter.add.f32 [tilespmem:s25], [sflag:$0x7], $0x20, s24, s21, $0xb8;
	[tilespmem:$0x17000] =	vst v63  }
0x9a: {  	_ =	swait.ge [sflag:s20], $0x2000  }
0x9b: {  	[sflag:s20] =	ssyncset.done $0x0  }
0x9c: {  	s16 =	simm.s32 $0x4F00;
	[sflag:s20] =	ssyncadd.s32 $0xFFFFE000  }
0x9d: {  	[spmem:s3] =	stream.indirect.scatter.add.f32 [tilespmem:s28], [sflag:$0x8], $0x20, s16, s21, $0xb8;
	[tilespmem:$0x17000] =	vst v63  }
0x9e: {  	_ =	swait.ge [sflag:s29], $0x2000  }
0x9f: {  	[sflag:s29] =	ssyncset.done $0x0  }
0xa0: {  	[sflag:s29] =	ssyncadd.s32 $0xFFFFE000  }
0xa1: {  	_ =	swait.ge [sflag:s30], $0x2000  }
0xa2: {  	[sflag:s30] =	ssyncset.done $0x0  }
0xa3: {  	[sflag:s30] =	ssyncadd.s32 $0xFFFFE000  }
0xa4: {  	_ =	swait.ge [sflag:s31], $0x2000  }
0xa5: {  	[sflag:s31] =	ssyncset.done $0x0  }
0xa6: {  	[sflag:s31] =	ssyncadd.s32 $0xFFFFE000  }
0xa7: {  	_ =	swait.ge [sflag:s0], $0x2000  }
0xa8: {  	s2 =	sadd.s32 $0x1, s2;
	[sflag:s0] =	ssyncset.done $0x0  }
0xa9: {  	p0 =	sne.s32 s2, s12;
	[sflag:s0] =	ssyncadd.s32 $0xFFFFE000  }
.Ltmp1:
0xaa: {  	s24 =	sor.u32 $0x1C09, s6;
	[bflag:$0x0] =	sbarrier.arrive $0xFFFF;
	(pc) =	sbr.rel @p0 .LBB2_1-.Ltmp1, $4  }
0xab: {  	[hbm:s11], [sflag:s24] =	dma.local [spmem:s13], $0xA00  }
0xac: {  	_ =	swait.ge [sflag:s26], $0xA00  }
0xad: {  	[sflag:s26] =	ssyncset.done $0x0  }
0xae: {  	[sflag:s26] =	ssyncadd.s32 $0xFFFFF600  }
0xaf: {  	_ =	sfence.sel $0x180000  }
0xb0: {  	[bflag:$0x0] =	sbarrier.arrive $0xFFFF  }
0xb1: {  	_ =	strace $0x90000050  }
0xb2: {  	s0 =	stileid.u32;
	[bflag:$0x2] =	sbarrier.arrive $0xFFFF  }
0xb3: {  	p0 =	sne.s32 s0, $0x0;
	s0 =	rddreg [dreg:$0x5]  }
0xb4: {  	s0 =	sadd.s32 @!p0 $0x100000, s0  }
0xb5: {  	[sflag:s0] =	ssyncadd.tile.s32 @!p0 $0x1;
	_ =	shalt  }
.Lfunc_end2:
_tile_overlayer_lowered:
.L_overlay_start_2:
0xb6: {  	(tag) =	ssettag $0x2  }
0xb7: {  	s0 =	rddreg [dreg:$0x0];
	s2 =	stileid.u32  }
0xb8: {  	s1 =	rddreg [dreg:$0x1];
	p0 =	sne.s32 s2, $0x0  }
0xb9: {  	s3 =	rddreg [dreg:$0x2];
	[bflag:$0x3] =	sbarrier.arrive $0xFFFF;
	s2 =	simm.s32 @!p0 $0x1C09  }
0xba: {  	[timem:s3], [sflag:s2] =	dma.local @!p0 [hbm:s0], s1  }
0xbb: {  	s0 =	simm.s32 @!p0 $0x9  }
0xbc: {  	_ =	swait.ge @!p0 [sflag:s0], s1  }
0xbd: {  	s1 =	ssub.s32 @!p0 $0x0, s1;
	[sflag:s0] =	ssyncset.done @!p0 $0x0  }
0xbe: {  	[sflag:s0] =	ssyncadd.s32 @!p0 s1  }
0xbf: {  	[bflag:$0x3] =	sbarrier.arrive $0xFFFF  }
0xc0: {  	_ =	shalt  }

</sc_bundles>
